<compile_context>
chip_gen: v7x
topology: tpu7x:2x2x1
jax: 0.10.2.dev20260603
libtpu: 0.0.44.dev20260713+nightly
codegen_flags: <defaults>
</compile_context>

<pallas_src>
import functools

import jax
import jax.numpy as jnp
from jax import lax
from jax.experimental import pallas as pl
from jax.experimental.pallas import tpu as pltpu
from jax.experimental.pallas import tpu_sc as plsc

N_NODES = 10000
N_EDGES = 320000
D = 128
BN_EPS = 1e-5

NC = 2
NS = 16
HALF = 64
W = 80
RPT = 640
R = NS * RPT
CL = 1
C = CL * 128
K = 160
NP = 2
NBUF = 5
LAG = 3
KH = K // NP
EPT = K * C
EPAD = NS * EPT
DUMP_ROW = N_NODES + 8

BM = 1000
NB = N_NODES // BM


def _sc_segsum(xt, src4, dst3):
    mesh = plsc.VectorSubcoreMesh(core_axis_name="c", subcore_axis_name="s")

    @functools.partial(
        pl.kernel,
        out_type=[jax.ShapeDtypeStruct((NC, R, HALF), jnp.float32),
                  jax.ShapeDtypeStruct((NC, R, 16), jnp.float32)],
        mesh=mesh,
        scratch_types=(
            [pltpu.VMEM((KH, C), jnp.int32),
             pltpu.VMEM((KH, C), jnp.int32)]
            + [pltpu.VMEM((C, HALF), jnp.float32) for _ in range(NBUF)]
            + [pltpu.VMEM((C, 16), jnp.float32)]
            + [pltpu.VMEM((16, HALF), jnp.float32)]
            + [pltpu.VMEM_SHARED((R, HALF), jnp.float32)]
            + [pltpu.VMEM_SHARED((R, 16), jnp.float32)]
            + [pltpu.SemaphoreType.DMA for _ in range(2 * NBUF)]
        ),
        compiler_params=pltpu.CompilerParams(use_tc_tiling_on_sc=False),
    )
    def seg(xt_hbm, src_hbm, dst_hbm, outf_hbm, outc_hbm,
            src_v, dst_v, b0, b1, b2, b3, b4, ones_v, zero_v, ash, csh,
            g0, g1, g2, g3, g4, s0, s1, s2, s3, s4):
        rows = [b0, b1, b2, b3, b4]
        gsem = [g0, g1, g2, g3, g4]
        ssem = [s0, s1, s2, s3, s4]
        c = lax.axis_index("c")
        s = lax.axis_index("s")
        row0 = s * RPT

        for i in range(16):
            for j in range(HALF // 16):
                zero_v[i, pl.ds(j * 16, 16)] = jnp.zeros((16,), jnp.float32)

        onecol = jnp.where(lax.iota(jnp.int32, 16) == 0, 1.0, 0.0)

        def initones(i, carry):
            ones_v[i, pl.ds(0, 16)] = onecol
            return carry
        lax.fori_loop(0, C, initones, 0)

        def zbody(i, carry):
            pltpu.sync_copy(zero_v, ash.at[pl.ds(row0 + i * 16, 16)])
            pltpu.sync_copy(zero_v.at[:, pl.ds(0, 16)],
                            csh.at[pl.ds(row0 + i * 16, 16)])
            return carry
        lax.fori_loop(0, RPT // 16, zbody, 0)

        plsc.subcore_barrier()

        for p in range(NP):
            pltpu.sync_copy(src_hbm.at[c, s, pl.ds(p * KH, KH)], src_v)
            pltpu.sync_copy(dst_hbm.at[s, pl.ds(p * KH, KH)], dst_v)

            for b in range(LAG):
                pltpu.async_copy(xt_hbm.at[src_v.at[b]], rows[b], gsem[b])

            def body(jo, carry):
                j0 = jo * NBUF
                for b in range(NBUF):
                    j = j0 + b
                    bg = (b + LAG) % NBUF
                    jg = j + LAG
                    back = NBUF - LAG

                    @pl.when(jg < KH)
                    def _issue_gather():
                        @pl.when(j >= back)
                        def _():
                            pltpu.make_async_copy(
                                rows[bg], ash.at[dst_v.at[j - back]],
                                ssem[bg]).wait()
                            pltpu.make_async_copy(
                                ones_v, csh.at[dst_v.at[j - back]],
                                ssem[bg]).wait()
                        pltpu.async_copy(xt_hbm.at[src_v.at[jg]],
                                         rows[bg], gsem[bg])

                    pltpu.make_async_copy(xt_hbm.at[src_v.at[j]],
                                          rows[b], gsem[b]).wait()
                    pltpu.async_copy(rows[b], ash.at[dst_v.at[j]],
                                     ssem[b], add=True)
                    pltpu.async_copy(ones_v, csh.at[dst_v.at[j]],
                                     ssem[b], add=True)
                return carry
            lax.fori_loop(0, KH // NBUF, body, 0)

            for j in range(KH - NBUF, KH):
                pltpu.make_async_copy(rows[j % NBUF],
                                      ash.at[dst_v.at[j]],
                                      ssem[j % NBUF]).wait()
                pltpu.make_async_copy(ones_v, csh.at[dst_v.at[j]],
                                      ssem[j % NBUF]).wait()

        plsc.subcore_barrier()

        pltpu.sync_copy(ash.at[pl.ds(row0, RPT)],
                        outf_hbm.at[c, pl.ds(row0, RPT)])
        pltpu.sync_copy(csh.at[pl.ds(row0, RPT)],
                        outc_hbm.at[c, pl.ds(row0, RPT)])

    return seg(xt, src4, dst3)


def _tc_dense(x, feat, cnt2, wl_t, wr_t, b_l, gamma, beta):

    def body(x_ref, a0_ref, a1_ref, c_ref, wl_ref, wr_ref, b_ref, g_ref,
             be_ref, o_ref, pre_ref, acc_ref):
        p = pl.program_id(0)
        i = pl.program_id(1)

        @pl.when(p == 0)
        def _phase0():
            cnt = jnp.maximum(c_ref[0, :, 0:1], 1.0)
            m0 = a0_ref[0] / cnt
            m1 = a1_ref[0] / cnt
            pre = jnp.dot(m0, wl_ref[:HALF, :],
                          preferred_element_type=jnp.float32,
                          precision=lax.Precision.HIGHEST)
            pre += jnp.dot(m1, wl_ref[HALF:, :],
                           preferred_element_type=jnp.float32,
                           precision=lax.Precision.HIGHEST)
            pre += jnp.dot(x_ref[...], wr_ref[...],
                           preferred_element_type=jnp.float32,
                           precision=lax.Precision.HIGHEST)
            pre += b_ref[...]
            pre_ref[pl.ds(i * BM, BM), :] = pre

            @pl.when(i == 0)
            def _():
                acc_ref[0:2, :] = jnp.zeros((2, D), jnp.float32)
            acc_ref[0:1, :] += jnp.sum(pre, axis=0, keepdims=True)
            acc_ref[1:2, :] += jnp.sum(pre * pre, axis=0, keepdims=True)

        @pl.when(p == 1)
        def _phase1():
            mu = acc_ref[0:1, :] * (1.0 / N_NODES)
            var = acc_ref[1:2, :] * (1.0 / N_NODES) - mu * mu
            pre = pre_ref[pl.ds(i * BM, BM), :]
            y = (pre - mu) * lax.rsqrt(var + BN_EPS) * g_ref[...] + be_ref[...]
            o_ref[...] = jnp.maximum(y, 0.0) + x_ref[...]

    grid = (2, NB)
    blk = lambda p, i: (i, 0)
    fix = lambda p, i: (0, 0)
    return pl.pallas_call(
        body,
        grid=grid,
        in_specs=[
            pl.BlockSpec((BM, D), blk),
            pl.BlockSpec((1, BM, HALF), lambda p, i: (0, i, 0)),
            pl.BlockSpec((1, BM, HALF), lambda p, i: (1, i, 0)),
            pl.BlockSpec((1, BM, 16), lambda p, i: (0, i, 0)),
            pl.BlockSpec((D, D), fix),
            pl.BlockSpec((D, D), fix),
            pl.BlockSpec((1, D), fix),
            pl.BlockSpec((1, D), fix),
            pl.BlockSpec((1, D), fix),
        ],
        out_specs=pl.BlockSpec((BM, D), blk),
        out_shape=jax.ShapeDtypeStruct((N_NODES, D), jnp.float32),
        scratch_shapes=[
            pltpu.VMEM((N_NODES, D), jnp.float32),
            pltpu.VMEM((8, D), jnp.float32),
        ],
    )(x, feat, feat, cnt2, wl_t, wr_t, b_l, gamma, beta)


def kernel(x, edge_index, W_l, b_l, W_r, gamma, beta):
    src = edge_index[0].astype(jnp.int32)
    dst = edge_index[1].astype(jnp.int32)

    pad = EPAD - N_EDGES
    cyc = jnp.arange(pad, dtype=jnp.int32) % 8000
    src_p = jnp.concatenate([src, cyc])
    dst_p = jnp.concatenate([dst, N_NODES + (cyc % 240)])
    src3 = (src_p * 2).reshape(NS, K, C)
    src4 = jnp.stack([src3, src3 + 1])
    dst3 = dst_p.reshape(NS, K, C)

    xt = x.reshape(NC * N_NODES, HALF)

    feat, cnt2 = _sc_segsum(xt, src4, dst3)

    return _tc_dense(x, feat, cnt2, W_l.T, W_r.T,
                     b_l.reshape(1, D), gamma.reshape(1, D),
                     beta.reshape(1, D))

# --- scband reference (transcript-rebuilt; emitter-appended) ---
"""Pipeline reference for scband-sageres-block-4329327034526 (READ-ONLY COPY).

The authoritative reference and input builder live on the scoring server;
editing this copy changes nothing except your own understanding.
"""

import jax, jax.numpy as jnp
import numpy as np

N_NODES = 10000
N_EDGES = 320000
D_IN = 128
D_OUT = 128
BN_EPS = 1e-5


def setup_inputs(seed: int = 0) -> dict:
    key = jax.random.key(seed)
    k_x, k_ei, k_wl, k_bl, k_wr, k_g, k_b = jax.random.split(key, 7)
    x = jax.random.normal(k_x, (N_NODES, D_IN), dtype=jnp.float32)
    edge_index = jax.random.randint(k_ei, (2, N_EDGES), 0, N_NODES, dtype=jnp.int64)
    # SAGEConv params: lin_l (neighbor agg, with bias), lin_r (root, no bias)
    bound_l = 1.0 / np.sqrt(D_IN)
    W_l = jax.random.uniform(k_wl, (D_OUT, D_IN), dtype=jnp.float32, minval=-bound_l, maxval=bound_l)
    b_l = jax.random.uniform(k_bl, (D_OUT,), dtype=jnp.float32, minval=-bound_l, maxval=bound_l)
    W_r = jax.random.uniform(k_wr, (D_OUT, D_IN), dtype=jnp.float32, minval=-bound_l, maxval=bound_l)
    # BatchNorm1d affine params (fresh init: gamma=1, beta=0)
    gamma = jnp.ones((D_OUT,), dtype=jnp.float32)
    beta = jnp.zeros((D_OUT,), dtype=jnp.float32)
    return {"x": x, "edge_index": edge_index, "W_l": W_l, "b_l": b_l, "W_r": W_r, "gamma": gamma, "beta": beta}


def reference(x, edge_index, W_l, b_l, W_r, gamma, beta):
    src = edge_index[0]
    dst = edge_index[1]
    n = x.shape[0]
    # SAGEConv with mean aggregation: gather source features, mean-reduce at dst
    msgs = jnp.take(x, src, axis=0)                                   # [E, D_IN] gather
    agg = jax.ops.segment_sum(msgs, dst, num_segments=n)              # [N, D_IN] scatter-add
    cnt = jax.ops.segment_sum(jnp.ones((msgs.shape[0],), jnp.float32), dst, num_segments=n)
    mean_agg = agg / jnp.clip(cnt, 1.0, None)[:, None]
    out = mean_agg @ W_l.T + b_l + x @ W_r.T                          # lin_l(agg) + lin_r(x)
    # BatchNorm1d (training mode, batch statistics, biased variance)
    mu = jnp.mean(out, axis=0)
    var = jnp.mean((out - mu) ** 2, axis=0)
    out = (out - mu) / jnp.sqrt(var + BN_EPS) * gamma + beta
    # ReLU; Dropout(p=0.0) is identity
    out = jnp.maximum(out, 0.0)
    # in_channels == out_channels -> residual is identity (no res_connection linear)
    return out + x

if __name__ == "__main__":
    import jax
    _d = setup_inputs()
    print(jax.jit(kernel)(*tuple(_d.values())))

</pallas_src>

<mosaic_0001>
#map = affine_map<(d0, d1) -> (0, 0)>
#map1 = affine_map<(d0, d1) -> (0, 0, 0, 0)>
#map2 = affine_map<(d0, d1) -> (0, 0, 0)>
module attributes {stable_mosaic.version = 14 : i64} {
  func.func @seg(%arg0: i32, %arg1: i32, %arg2: memref<20000x64xf32, #tpu.memory_space<hbm>>, %arg3: memref<2x16x160x128xi32, #tpu.memory_space<hbm>>, %arg4: memref<16x160x128xi32, #tpu.memory_space<hbm>>, %arg5: memref<2x10240x64xf32, #tpu.memory_space<hbm>>, %arg6: memref<2x10240x16xf32, #tpu.memory_space<hbm>>, %arg7: memref<80x128xi32, #tpu.memory_space<vmem>>, %arg8: memref<80x128xi32, #tpu.memory_space<vmem>>, %arg9: memref<128x64xf32, #tpu.memory_space<vmem>>, %arg10: memref<128x64xf32, #tpu.memory_space<vmem>>, %arg11: memref<128x64xf32, #tpu.memory_space<vmem>>, %arg12: memref<128x64xf32, #tpu.memory_space<vmem>>, %arg13: memref<128x64xf32, #tpu.memory_space<vmem>>, %arg14: memref<128x16xf32, #tpu.memory_space<vmem>>, %arg15: memref<16x64xf32, #tpu.memory_space<vmem>>, %arg16: memref<10240x64xf32, #tpu.memory_space<vmem_shared>>, %arg17: memref<10240x16xf32, #tpu.memory_space<vmem_shared>>, %arg18: memref<!tpu.dma_semaphore, #tpu.memory_space<semaphore_mem>>, %arg19: memref<!tpu.dma_semaphore, #tpu.memory_space<semaphore_mem>>, %arg20: memref<!tpu.dma_semaphore, #tpu.memory_space<semaphore_mem>>, %arg21: memref<!tpu.dma_semaphore, #tpu.memory_space<semaphore_mem>>, %arg22: memref<!tpu.dma_semaphore, #tpu.memory_space<semaphore_mem>>, %arg23: memref<!tpu.dma_semaphore, #tpu.memory_space<semaphore_mem>>, %arg24: memref<!tpu.dma_semaphore, #tpu.memory_space<semaphore_mem>>, %arg25: memref<!tpu.dma_semaphore, #tpu.memory_space<semaphore_mem>>, %arg26: memref<!tpu.dma_semaphore, #tpu.memory_space<semaphore_mem>>, %arg27: memref<!tpu.dma_semaphore, #tpu.memory_space<semaphore_mem>>) attributes {dimension_semantics = [#tpu.dimension_semantics<core_parallel>, #tpu.dimension_semantics<subcore_parallel>], iteration_bounds = array<i64: 2, 16>, scalar_prefetch = 0 : i64, scratch_operands = 21 : i64, tpu.core_type = #tpu.core_type<sc_vector_subcore>, window_params = [{transform_indices = #map}, {transform_indices = #map1}, {transform_indices = #map2}, {transform_indices = #map2}, {transform_indices = #map2}]} {
    %mul3A = arith.constant 640 : i32
    %mul3A_0 = arith.muli %arg1, %mul3A : i32
    %broadcast_in_dim3A = arith.constant 0.000000e+00 : f32
    %broadcast_in_dim3A_1 = vector.broadcast %broadcast_in_dim3A : f32 to vector<16xf32>
    %swap3A = arith.constant 0 : i32
    %swap3A_2 = arith.index_cast %swap3A : i32 to index
    %swap3A_3 = arith.constant 0 : index
    %swap3A_4 = tpu.vector_load %arg15[%swap3A_2, %swap3A_3] {strides = array<i32>} : memref<16x64xf32, #tpu.memory_space<vmem>>, vector<1x16xf32>,
    %swap3A_5 = vector.shape_cast %swap3A_4 : vector<1x16xf32> to vector<16xf32>
    %swap3A_6 = vector.shape_cast %broadcast_in_dim3A_1 : vector<16xf32> to vector<1x16xf32>
    tpu.vector_store %arg15[%swap3A_2, %swap3A_3], %swap3A_6 {strides = array<i32>} : memref<16x64xf32, #tpu.memory_space<vmem>>, vector<1x16xf32>,
    %broadcast_in_dim3A_7 = arith.constant 0.000000e+00 : f32
    %broadcast_in_dim3A_8 = vector.broadcast %broadcast_in_dim3A_7 : f32 to vector<16xf32>
    %swap3A_9 = arith.constant 0 : i32
    %swap3A_10 = arith.index_cast %swap3A_9 : i32 to index
    %swap3A_11 = arith.constant 16 : index
    %swap3A_12 = tpu.vector_load %arg15[%swap3A_10, %swap3A_11] {strides = array<i32>} : memref<16x64xf32, #tpu.memory_space<vmem>>, vector<1x16xf32>,
    %swap3A_13 = vector.shape_cast %swap3A_12 : vector<1x16xf32> to vector<16xf32>
    %swap3A_14 = vector.shape_cast %broadcast_in_dim3A_8 : vector<16xf32> to vector<1x16xf32>
    tpu.vector_store %arg15[%swap3A_10, %swap3A_11], %swap3A_14 {strides = array<i32>} : memref<16x64xf32, #tpu.memory_space<vmem>>, vector<1x16xf32>,
    %broadcast_in_dim3A_15 = arith.constant 0.000000e+00 : f32
    %broadcast_in_dim3A_16 = vector.broadcast %broadcast_in_dim3A_15 : f32 to vector<16xf32>
    %swap3A_17 = arith.constant 0 : i32
    %swap3A_18 = arith.index_cast %swap3A_17 : i32 to index
    %swap3A_19 = arith.constant 32 : index
    %swap3A_20 = tpu.vector_load %arg15[%swap3A_18, %swap3A_19] {strides = array<i32>} : memref<16x64xf32, #tpu.memory_space<vmem>>, vector<1x16xf32>,
    %swap3A_21 = vector.shape_cast %swap3A_20 : vector<1x16xf32> to vector<16xf32>
    %swap3A_22 = vector.shape_cast %broadcast_in_dim3A_16 : vector<16xf32> to vector<1x16xf32>
    tpu.vector_store %arg15[%swap3A_18, %swap3A_19], %swap3A_22 {strides = array<i32>} : memref<16x64xf32, #tpu.memory_space<vmem>>, vector<1x16xf32>,
    %broadcast_in_dim3A_23 = arith.constant 0.000000e+00 : f32
    %broadcast_in_dim3A_24 = vector.broadcast %broadcast_in_dim3A_23 : f32 to vector<16xf32>
    %swap3A_25 = arith.constant 0 : i32
    %swap3A_26 = arith.index_cast %swap3A_25 : i32 to index
    %swap3A_27 = arith.constant 48 : index
    %swap3A_28 = tpu.vector_load %arg15[%swap3A_26, %swap3A_27] {strides = array<i32>} : memref<16x64xf32, #tpu.memory_space<vmem>>, vector<1x16xf32>,
    %swap3A_29 = vector.shape_cast %swap3A_28 : vector<1x16xf32> to vector<16xf32>
    %swap3A_30 = vector.shape_cast %broadcast_in_dim3A_24 : vector<16xf32> to vector<1x16xf32>
    tpu.vector_store %arg15[%swap3A_26, %swap3A_27], %swap3A_30 {strides = array<i32>} : memref<16x64xf32, #tpu.memory_space<vmem>>, vector<1x16xf32>,
    %broadcast_in_dim3A_31 = arith.constant 0.000000e+00 : f32
    %broadcast_in_dim3A_32 = vector.broadcast %broadcast_in_dim3A_31 : f32 to vector<16xf32>
    %swap3A_33 = arith.constant 1 : i32
    %swap3A_34 = arith.index_cast %swap3A_33 : i32 to index
    %swap3A_35 = arith.constant 0 : index
    %swap3A_36 = tpu.vector_load %arg15[%swap3A_34, %swap3A_35] {strides = array<i32>} : memref<16x64xf32, #tpu.memory_space<vmem>>, vector<1x16xf32>,
    %swap3A_37 = vector.shape_cast %swap3A_36 : vector<1x16xf32> to vector<16xf32>
    %swap3A_38 = vector.shape_cast %broadcast_in_dim3A_32 : vector<16xf32> to vector<1x16xf32>
    tpu.vector_store %arg15[%swap3A_34, %swap3A_35], %swap3A_38 {strides = array<i32>} : memref<16x64xf32, #tpu.memory_space<vmem>>, vector<1x16xf32>,
    %broadcast_in_dim3A_39 = arith.constant 0.000000e+00 : f32
    %broadcast_in_dim3A_40 = vector.broadcast %broadcast_in_dim3A_39 : f32 to vector<16xf32>
    %swap3A_41 = arith.constant 1 : i32
    %swap3A_42 = arith.index_cast %swap3A_41 : i32 to index
    %swap3A_43 = arith.constant 16 : index
    %swap3A_44 = tpu.vector_load %arg15[%swap3A_42, %swap3A_43] {strides = array<i32>} : memref<16x64xf32, #tpu.memory_space<vmem>>, vector<1x16xf32>,
    %swap3A_45 = vector.shape_cast %swap3A_44 : vector<1x16xf32> to vector<16xf32>
    %swap3A_46 = vector.shape_cast %broadcast_in_dim3A_40 : vector<16xf32> to vector<1x16xf32>
    tpu.vector_store %arg15[%swap3A_42, %swap3A_43], %swap3A_46 {strides = array<i32>} : memref<16x64xf32, #tpu.memory_space<vmem>>, vector<1x16xf32>,
    %broadcast_in_dim3A_47 = arith.constant 0.000000e+00 : f32
    %broadcast_in_dim3A_48 = vector.broadcast %broadcast_in_dim3A_47 : f32 to vector<16xf32>
    %swap3A_49 = arith.constant 1 : i32
    %swap3A_50 = arith.index_cast %swap3A_49 : i32 to index
    %swap3A_51 = arith.constant 32 : index
    %swap3A_52 = tpu.vector_load %arg15[%swap3A_50, %swap3A_51] {strides = array<i32>} : memref<16x64xf32, #tpu.memory_space<vmem>>, vector<1x16xf32>,
    %swap3A_53 = vector.shape_cast %swap3A_52 : vector<1x16xf32> to vector<16xf32>
    %swap3A_54 = vector.shape_cast %broadcast_in_dim3A_48 : vector<16xf32> to vector<1x16xf32>
    tpu.vector_store %arg15[%swap3A_50, %swap3A_51], %swap3A_54 {strides = array<i32>} : memref<16x64xf32, #tpu.memory_space<vmem>>, vector<1x16xf32>,
    %broadcast_in_dim3A_55 = arith.constant 0.000000e+00 : f32
    %broadcast_in_dim3A_56 = vector.broadcast %broadcast_in_dim3A_55 : f32 to vector<16xf32>
    %swap3A_57 = arith.constant 1 : i32
    %swap3A_58 = arith.index_cast %swap3A_57 : i32 to index
    %swap3A_59 = arith.constant 48 : index
    %swap3A_60 = tpu.vector_load %arg15[%swap3A_58, %swap3A_59] {strides = array<i32>} : memref<16x64xf32, #tpu.memory_space<vmem>>, vector<1x16xf32>,
    %swap3A_61 = vector.shape_cast %swap3A_60 : vector<1x16xf32> to vector<16xf32>
    %swap3A_62 = vector.shape_cast %broadcast_in_dim3A_56 : vector<16xf32> to vector<1x16xf32>
    tpu.vector_store %arg15[%swap3A_58, %swap3A_59], %swap3A_62 {strides = array<i32>} : memref<16x64xf32, #tpu.memory_space<vmem>>, vector<1x16xf32>,
    %broadcast_in_dim3A_63 = arith.constant 0.000000e+00 : f32
    %broadcast_in_dim3A_64 = vector.broadcast %broadcast_in_dim3A_63 : f32 to vector<16xf32>
    %swap3A_65 = arith.constant 2 : i32
    %swap3A_66 = arith.index_cast %swap3A_65 : i32 to index
    %swap3A_67 = arith.constant 0 : index
    %swap3A_68 = tpu.vector_load %arg15[%swap3A_66, %swap3A_67] {strides = array<i32>} : memref<16x64xf32, #tpu.memory_space<vmem>>, vector<1x16xf32>,
    %swap3A_69 = vector.shape_cast %swap3A_68 : vector<1x16xf32> to vector<16xf32>
    %swap3A_70 = vector.shape_cast %broadcast_in_dim3A_64 : vector<16xf32> to vector<1x16xf32>
    tpu.vector_store %arg15[%swap3A_66, %swap3A_67], %swap3A_70 {strides = array<i32>} : memref<16x64xf32, #tpu.memory_space<vmem>>, vector<1x16xf32>,
    %broadcast_in_dim3A_71 = arith.constant 0.000000e+00 : f32
    %broadcast_in_dim3A_72 = vector.broadcast %broadcast_in_dim3A_71 : f32 to vector<16xf32>
    %swap3A_73 = arith.constant 2 : i32
    %swap3A_74 = arith.index_cast %swap3A_73 : i32 to index
    %swap3A_75 = arith.constant 16 : index
    %swap3A_76 = tpu.vector_load %arg15[%swap3A_74, %swap3A_75] {strides = array<i32>} : memref<16x64xf32, #tpu.memory_space<vmem>>, vector<1x16xf32>,
    %swap3A_77 = vector.shape_cast %swap3A_76 : vector<1x16xf32> to vector<16xf32>
    %swap3A_78 = vector.shape_cast %broadcast_in_dim3A_72 : vector<16xf32> to vector<1x16xf32>
    tpu.vector_store %arg15[%swap3A_74, %swap3A_75], %swap3A_78 {strides = array<i32>} : memref<16x64xf32, #tpu.memory_space<vmem>>, vector<1x16xf32>,
    %broadcast_in_dim3A_79 = arith.constant 0.000000e+00 : f32
    %broadcast_in_dim3A_80 = vector.broadcast %broadcast_in_dim3A_79 : f32 to vector<16xf32>
    %swap3A_81 = arith.constant 2 : i32
    %swap3A_82 = arith.index_cast %swap3A_81 : i32 to index
    %swap3A_83 = arith.constant 32 : index
    %swap3A_84 = tpu.vector_load %arg15[%swap3A_82, %swap3A_83] {strides = array<i32>} : memref<16x64xf32, #tpu.memory_space<vmem>>, vector<1x16xf32>,
    %swap3A_85 = vector.shape_cast %swap3A_84 : vector<1x16xf32> to vector<16xf32>
    %swap3A_86 = vector.shape_cast %broadcast_in_dim3A_80 : vector<16xf32> to vector<1x16xf32>
    tpu.vector_store %arg15[%swap3A_82, %swap3A_83], %swap3A_86 {strides = array<i32>} : memref<16x64xf32, #tpu.memory_space<vmem>>, vector<1x16xf32>,
    %broadcast_in_dim3A_87 = arith.constant 0.000000e+00 : f32
    %broadcast_in_dim3A_88 = vector.broadcast %broadcast_in_dim3A_87 : f32 to vector<16xf32>
    %swap3A_89 = arith.constant 2 : i32
    %swap3A_90 = arith.index_cast %swap3A_89 : i32 to index
    %swap3A_91 = arith.constant 48 : index
    %swap3A_92 = tpu.vector_load %arg15[%swap3A_90, %swap3A_91] {strides = array<i32>} : memref<16x64xf32, #tpu.memory_space<vmem>>, vector<1x16xf32>,
    %swap3A_93 = vector.shape_cast %swap3A_92 : vector<1x16xf32> to vector<16xf32>
    %swap3A_94 = vector.shape_cast %broadcast_in_dim3A_88 : vector<16xf32> to vector<1x16xf32>
    tpu.vector_store %arg15[%swap3A_90, %swap3A_91], %swap3A_94 {strides = array<i32>} : memref<16x64xf32, #tpu.memory_space<vmem>>, vector<1x16xf32>,
    %broadcast_in_dim3A_95 = arith.constant 0.000000e+00 : f32
    %broadcast_in_dim3A_96 = vector.broadcast %broadcast_in_dim3A_95 : f32 to vector<16xf32>
    %swap3A_97 = arith.constant 3 : i32
    %swap3A_98 = arith.index_cast %swap3A_97 : i32 to index
    %swap3A_99 = arith.constant 0 : index
    %swap3A_100 = tpu.vector_load %arg15[%swap3A_98, %swap3A_99] {strides = array<i32>} : memref<16x64xf32, #tpu.memory_space<vmem>>, vector<1x16xf32>,
    %swap3A_101 = vector.shape_cast %swap3A_100 : vector<1x16xf32> to vector<16xf32>
    %swap3A_102 = vector.shape_cast %broadcast_in_dim3A_96 : vector<16xf32> to vector<1x16xf32>
    tpu.vector_store %arg15[%swap3A_98, %swap3A_99], %swap3A_102 {strides = array<i32>} : memref<16x64xf32, #tpu.memory_space<vmem>>, vector<1x16xf32>,
    %broadcast_in_dim3A_103 = arith.constant 0.000000e+00 : f32
    %broadcast_in_dim3A_104 = vector.broadcast %broadcast_in_dim3A_103 : f32 to vector<16xf32>
    %swap3A_105 = arith.constant 3 : i32
    %swap3A_106 = arith.index_cast %swap3A_105 : i32 to index
    %swap3A_107 = arith.constant 16 : index
    %swap3A_108 = tpu.vector_load %arg15[%swap3A_106, %swap3A_107] {strides = array<i32>} : memref<16x64xf32, #tpu.memory_space<vmem>>, vector<1x16xf32>,
    %swap3A_109 = vector.shape_cast %swap3A_108 : vector<1x16xf32> to vector<16xf32>
    %swap3A_110 = vector.shape_cast %broadcast_in_dim3A_104 : vector<16xf32> to vector<1x16xf32>
    tpu.vector_store %arg15[%swap3A_106, %swap3A_107], %swap3A_110 {strides = array<i32>} : memref<16x64xf32, #tpu.memory_space<vmem>>, vector<1x16xf32>,
    %broadcast_in_dim3A_111 = arith.constant 0.000000e+00 : f32
    %broadcast_in_dim3A_112 = vector.broadcast %broadcast_in_dim3A_111 : f32 to vector<16xf32>
    %swap3A_113 = arith.constant 3 : i32
    %swap3A_114 = arith.index_cast %swap3A_113 : i32 to index
    %swap3A_115 = arith.constant 32 : index
    %swap3A_116 = tpu.vector_load %arg15[%swap3A_114, %swap3A_115] {strides = array<i32>} : memref<16x64xf32, #tpu.memory_space<vmem>>, vector<1x16xf32>,
    %swap3A_117 = vector.shape_cast %swap3A_116 : vector<1x16xf32> to vector<16xf32>
    %swap3A_118 = vector.shape_cast %broadcast_in_dim3A_112 : vector<16xf32> to vector<1x16xf32>
    tpu.vector_store %arg15[%swap3A_114, %swap3A_115], %swap3A_118 {strides = array<i32>} : memref<16x64xf32, #tpu.memory_space<vmem>>, vector<1x16xf32>,
    %broadcast_in_dim3A_119 = arith.constant 0.000000e+00 : f32
    %broadcast_in_dim3A_120 = vector.broadcast %broadcast_in_dim3A_119 : f32 to vector<16xf32>
    %swap3A_121 = arith.constant 3 : i32
    %swap3A_122 = arith.index_cast %swap3A_121 : i32 to index
    %swap3A_123 = arith.constant 48 : index
    %swap3A_124 = tpu.vector_load %arg15[%swap3A_122, %swap3A_123] {strides = array<i32>} : memref<16x64xf32, #tpu.memory_space<vmem>>, vector<1x16xf32>,
    %swap3A_125 = vector.shape_cast %swap3A_124 : vector<1x16xf32> to vector<16xf32>
    %swap3A_126 = vector.shape_cast %broadcast_in_dim3A_120 : vector<16xf32> to vector<1x16xf32>
    tpu.vector_store %arg15[%swap3A_122, %swap3A_123], %swap3A_126 {strides = array<i32>} : memref<16x64xf32, #tpu.memory_space<vmem>>, vector<1x16xf32>,
    %broadcast_in_dim3A_127 = arith.constant 0.000000e+00 : f32
    %broadcast_in_dim3A_128 = vector.broadcast %broadcast_in_dim3A_127 : f32 to vector<16xf32>
    %swap3A_129 = arith.constant 4 : i32
    %swap3A_130 = arith.index_cast %swap3A_129 : i32 to index
    %swap3A_131 = arith.constant 0 : index
    %swap3A_132 = tpu.vector_load %arg15[%swap3A_130, %swap3A_131] {strides = array<i32>} : memref<16x64xf32, #tpu.memory_space<vmem>>, vector<1x16xf32>,
    %swap3A_133 = vector.shape_cast %swap3A_132 : vector<1x16xf32> to vector<16xf32>
    %swap3A_134 = vector.shape_cast %broadcast_in_dim3A_128 : vector<16xf32> to vector<1x16xf32>
    tpu.vector_store %arg15[%swap3A_130, %swap3A_131], %swap3A_134 {strides = array<i32>} : memref<16x64xf32, #tpu.memory_space<vmem>>, vector<1x16xf32>,
    %broadcast_in_dim3A_135 = arith.constant 0.000000e+00 : f32
    %broadcast_in_dim3A_136 = vector.broadcast %broadcast_in_dim3A_135 : f32 to vector<16xf32>
    %swap3A_137 = arith.constant 4 : i32
    %swap3A_138 = arith.index_cast %swap3A_137 : i32 to index
    %swap3A_139 = arith.constant 16 : index
    %swap3A_140 = tpu.vector_load %arg15[%swap3A_138, %swap3A_139] {strides = array<i32>} : memref<16x64xf32, #tpu.memory_space<vmem>>, vector<1x16xf32>,
    %swap3A_141 = vector.shape_cast %swap3A_140 : vector<1x16xf32> to vector<16xf32>
    %swap3A_142 = vector.shape_cast %broadcast_in_dim3A_136 : vector<16xf32> to vector<1x16xf32>
    tpu.vector_store %arg15[%swap3A_138, %swap3A_139], %swap3A_142 {strides = array<i32>} : memref<16x64xf32, #tpu.memory_space<vmem>>, vector<1x16xf32>,
    %broadcast_in_dim3A_143 = arith.constant 0.000000e+00 : f32
    %broadcast_in_dim3A_144 = vector.broadcast %broadcast_in_dim3A_143 : f32 to vector<16xf32>
    %swap3A_145 = arith.constant 4 : i32
    %swap3A_146 = arith.index_cast %swap3A_145 : i32 to index
    %swap3A_147 = arith.constant 32 : index
    %swap3A_148 = tpu.vector_load %arg15[%swap3A_146, %swap3A_147] {strides = array<i32>} : memref<16x64xf32, #tpu.memory_space<vmem>>, vector<1x16xf32>,
    %swap3A_149 = vector.shape_cast %swap3A_148 : vector<1x16xf32> to vector<16xf32>
    %swap3A_150 = vector.shape_cast %broadcast_in_dim3A_144 : vector<16xf32> to vector<1x16xf32>
    tpu.vector_store %arg15[%swap3A_146, %swap3A_147], %swap3A_150 {strides = array<i32>} : memref<16x64xf32, #tpu.memory_space<vmem>>, vector<1x16xf32>,
    %broadcast_in_dim3A_151 = arith.constant 0.000000e+00 : f32
    %broadcast_in_dim3A_152 = vector.broadcast %broadcast_in_dim3A_151 : f32 to vector<16xf32>
    %swap3A_153 = arith.constant 4 : i32
    %swap3A_154 = arith.index_cast %swap3A_153 : i32 to index
    %swap3A_155 = arith.constant 48 : index
    %swap3A_156 = tpu.vector_load %arg15[%swap3A_154, %swap3A_155] {strides = array<i32>} : memref<16x64xf32, #tpu.memory_space<vmem>>, vector<1x16xf32>,
    %swap3A_157 = vector.shape_cast %swap3A_156 : vector<1x16xf32> to vector<16xf32>
    %swap3A_158 = vector.shape_cast %broadcast_in_dim3A_152 : vector<16xf32> to vector<1x16xf32>
    tpu.vector_store %arg15[%swap3A_154, %swap3A_155], %swap3A_158 {strides = array<i32>} : memref<16x64xf32, #tpu.memory_space<vmem>>, vector<1x16xf32>,
    %broadcast_in_dim3A_159 = arith.constant 0.000000e+00 : f32
    %broadcast_in_dim3A_160 = vector.broadcast %broadcast_in_dim3A_159 : f32 to vector<16xf32>
    %swap3A_161 = arith.constant 5 : i32
    %swap3A_162 = arith.index_cast %swap3A_161 : i32 to index
    %swap3A_163 = arith.constant 0 : index
    %swap3A_164 = tpu.vector_load %arg15[%swap3A_162, %swap3A_163] {strides = array<i32>} : memref<16x64xf32, #tpu.memory_space<vmem>>, vector<1x16xf32>,
    %swap3A_165 = vector.shape_cast %swap3A_164 : vector<1x16xf32> to vector<16xf32>
    %swap3A_166 = vector.shape_cast %broadcast_in_dim3A_160 : vector<16xf32> to vector<1x16xf32>
    tpu.vector_store %arg15[%swap3A_162, %swap3A_163], %swap3A_166 {strides = array<i32>} : memref<16x64xf32, #tpu.memory_space<vmem>>, vector<1x16xf32>,
    %broadcast_in_dim3A_167 = arith.constant 0.000000e+00 : f32
    %broadcast_in_dim3A_168 = vector.broadcast %broadcast_in_dim3A_167 : f32 to vector<16xf32>
    %swap3A_169 = arith.constant 5 : i32
    %swap3A_170 = arith.index_cast %swap3A_169 : i32 to index
    %swap3A_171 = arith.constant 16 : index
    %swap3A_172 = tpu.vector_load %arg15[%swap3A_170, %swap3A_171] {strides = array<i32>} : memref<16x64xf32, #tpu.memory_space<vmem>>, vector<1x16xf32>,
    %swap3A_173 = vector.shape_cast %swap3A_172 : vector<1x16xf32> to vector<16xf32>
    %swap3A_174 = vector.shape_cast %broadcast_in_dim3A_168 : vector<16xf32> to vector<1x16xf32>
    tpu.vector_store %arg15[%swap3A_170, %swap3A_171], %swap3A_174 {strides = array<i32>} : memref<16x64xf32, #tpu.memory_space<vmem>>, vector<1x16xf32>,
    %broadcast_in_dim3A_175 = arith.constant 0.000000e+00 : f32
    %broadcast_in_dim3A_176 = vector.broadcast %broadcast_in_dim3A_175 : f32 to vector<16xf32>
    %swap3A_177 = arith.constant 5 : i32
    %swap3A_178 = arith.index_cast %swap3A_177 : i32 to index
    %swap3A_179 = arith.constant 32 : index
    %swap3A_180 = tpu.vector_load %arg15[%swap3A_178, %swap3A_179] {strides = array<i32>} : memref<16x64xf32, #tpu.memory_space<vmem>>, vector<1x16xf32>,
    %swap3A_181 = vector.shape_cast %swap3A_180 : vector<1x16xf32> to vector<16xf32>
    %swap3A_182 = vector.shape_cast %broadcast_in_dim3A_176 : vector<16xf32> to vector<1x16xf32>
    tpu.vector_store %arg15[%swap3A_178, %swap3A_179], %swap3A_182 {strides = array<i32>} : memref<16x64xf32, #tpu.memory_space<vmem>>, vector<1x16xf32>,
    %broadcast_in_dim3A_183 = arith.constant 0.000000e+00 : f32
    %broadcast_in_dim3A_184 = vector.broadcast %broadcast_in_dim3A_183 : f32 to vector<16xf32>
    %swap3A_185 = arith.constant 5 : i32
    %swap3A_186 = arith.index_cast %swap3A_185 : i32 to index
    %swap3A_187 = arith.constant 48 : index
    %swap3A_188 = tpu.vector_load %arg15[%swap3A_186, %swap3A_187] {strides = array<i32>} : memref<16x64xf32, #tpu.memory_space<vmem>>, vector<1x16xf32>,
    %swap3A_189 = vector.shape_cast %swap3A_188 : vector<1x16xf32> to vector<16xf32>
    %swap3A_190 = vector.shape_cast %broadcast_in_dim3A_184 : vector<16xf32> to vector<1x16xf32>
    tpu.vector_store %arg15[%swap3A_186, %swap3A_187], %swap3A_190 {strides = array<i32>} : memref<16x64xf32, #tpu.memory_space<vmem>>, vector<1x16xf32>,
    %broadcast_in_dim3A_191 = arith.constant 0.000000e+00 : f32
    %broadcast_in_dim3A_192 = vector.broadcast %broadcast_in_dim3A_191 : f32 to vector<16xf32>
    %swap3A_193 = arith.constant 6 : i32
    %swap3A_194 = arith.index_cast %swap3A_193 : i32 to index
    %swap3A_195 = arith.constant 0 : index
    %swap3A_196 = tpu.vector_load %arg15[%swap3A_194, %swap3A_195] {strides = array<i32>} : memref<16x64xf32, #tpu.memory_space<vmem>>, vector<1x16xf32>,
    %swap3A_197 = vector.shape_cast %swap3A_196 : vector<1x16xf32> to vector<16xf32>
    %swap3A_198 = vector.shape_cast %broadcast_in_dim3A_192 : vector<16xf32> to vector<1x16xf32>
    tpu.vector_store %arg15[%swap3A_194, %swap3A_195], %swap3A_198 {strides = array<i32>} : memref<16x64xf32, #tpu.memory_space<vmem>>, vector<1x16xf32>,
    %broadcast_in_dim3A_199 = arith.constant 0.000000e+00 : f32
    %broadcast_in_dim3A_200 = vector.broadcast %broadcast_in_dim3A_199 : f32 to vector<16xf32>
    %swap3A_201 = arith.constant 6 : i32
    %swap3A_202 = arith.index_cast %swap3A_201 : i32 to index
    %swap3A_203 = arith.constant 16 : index
    %swap3A_204 = tpu.vector_load %arg15[%swap3A_202, %swap3A_203] {strides = array<i32>} : memref<16x64xf32, #tpu.memory_space<vmem>>, vector<1x16xf32>,
    %swap3A_205 = vector.shape_cast %swap3A_204 : vector<1x16xf32> to vector<16xf32>
    %swap3A_206 = vector.shape_cast %broadcast_in_dim3A_200 : vector<16xf32> to vector<1x16xf32>
    tpu.vector_store %arg15[%swap3A_202, %swap3A_203], %swap3A_206 {strides = array<i32>} : memref<16x64xf32, #tpu.memory_space<vmem>>, vector<1x16xf32>,
    %broadcast_in_dim3A_207 = arith.constant 0.000000e+00 : f32
    %broadcast_in_dim3A_208 = vector.broadcast %broadcast_in_dim3A_207 : f32 to vector<16xf32>
    %swap3A_209 = arith.constant 6 : i32
    %swap3A_210 = arith.index_cast %swap3A_209 : i32 to index
    %swap3A_211 = arith.constant 32 : index
    %swap3A_212 = tpu.vector_load %arg15[%swap3A_210, %swap3A_211] {strides = array<i32>} : memref<16x64xf32, #tpu.memory_space<vmem>>, vector<1x16xf32>,
    %swap3A_213 = vector.shape_cast %swap3A_212 : vector<1x16xf32> to vector<16xf32>
    %swap3A_214 = vector.shape_cast %broadcast_in_dim3A_208 : vector<16xf32> to vector<1x16xf32>
    tpu.vector_store %arg15[%swap3A_210, %swap3A_211], %swap3A_214 {strides = array<i32>} : memref<16x64xf32, #tpu.memory_space<vmem>>, vector<1x16xf32>,
    %broadcast_in_dim3A_215 = arith.constant 0.000000e+00 : f32
    %broadcast_in_dim3A_216 = vector.broadcast %broadcast_in_dim3A_215 : f32 to vector<16xf32>
    %swap3A_217 = arith.constant 6 : i32
    %swap3A_218 = arith.index_cast %swap3A_217 : i32 to index
    %swap3A_219 = arith.constant 48 : index
    %swap3A_220 = tpu.vector_load %arg15[%swap3A_218, %swap3A_219] {strides = array<i32>} : memref<16x64xf32, #tpu.memory_space<vmem>>, vector<1x16xf32>,
    %swap3A_221 = vector.shape_cast %swap3A_220 : vector<1x16xf32> to vector<16xf32>
    %swap3A_222 = vector.shape_cast %broadcast_in_dim3A_216 : vector<16xf32> to vector<1x16xf32>
    tpu.vector_store %arg15[%swap3A_218, %swap3A_219], %swap3A_222 {strides = array<i32>} : memref<16x64xf32, #tpu.memory_space<vmem>>, vector<1x16xf32>,
    %broadcast_in_dim3A_223 = arith.constant 0.000000e+00 : f32
    %broadcast_in_dim3A_224 = vector.broadcast %broadcast_in_dim3A_223 : f32 to vector<16xf32>
    %swap3A_225 = arith.constant 7 : i32
    %swap3A_226 = arith.index_cast %swap3A_225 : i32 to index
    %swap3A_227 = arith.constant 0 : index
    %swap3A_228 = tpu.vector_load %arg15[%swap3A_226, %swap3A_227] {strides = array<i32>} : memref<16x64xf32, #tpu.memory_space<vmem>>, vector<1x16xf32>,
    %swap3A_229 = vector.shape_cast %swap3A_228 : vector<1x16xf32> to vector<16xf32>
    %swap3A_230 = vector.shape_cast %broadcast_in_dim3A_224 : vector<16xf32> to vector<1x16xf32>
    tpu.vector_store %arg15[%swap3A_226, %swap3A_227], %swap3A_230 {strides = array<i32>} : memref<16x64xf32, #tpu.memory_space<vmem>>, vector<1x16xf32>,
    %broadcast_in_dim3A_231 = arith.constant 0.000000e+00 : f32
    %broadcast_in_dim3A_232 = vector.broadcast %broadcast_in_dim3A_231 : f32 to vector<16xf32>
    %swap3A_233 = arith.constant 7 : i32
    %swap3A_234 = arith.index_cast %swap3A_233 : i32 to index
    %swap3A_235 = arith.constant 16 : index
    %swap3A_236 = tpu.vector_load %arg15[%swap3A_234, %swap3A_235] {strides = array<i32>} : memref<16x64xf32, #tpu.memory_space<vmem>>, vector<1x16xf32>,
    %swap3A_237 = vector.shape_cast %swap3A_236 : vector<1x16xf32> to vector<16xf32>
    %swap3A_238 = vector.shape_cast %broadcast_in_dim3A_232 : vector<16xf32> to vector<1x16xf32>
    tpu.vector_store %arg15[%swap3A_234, %swap3A_235], %swap3A_238 {strides = array<i32>} : memref<16x64xf32, #tpu.memory_space<vmem>>, vector<1x16xf32>,
    %broadcast_in_dim3A_239 = arith.constant 0.000000e+00 : f32
    %broadcast_in_dim3A_240 = vector.broadcast %broadcast_in_dim3A_239 : f32 to vector<16xf32>
    %swap3A_241 = arith.constant 7 : i32
    %swap3A_242 = arith.index_cast %swap3A_241 : i32 to index
    %swap3A_243 = arith.constant 32 : index
    %swap3A_244 = tpu.vector_load %arg15[%swap3A_242, %swap3A_243] {strides = array<i32>} : memref<16x64xf32, #tpu.memory_space<vmem>>, vector<1x16xf32>,
    %swap3A_245 = vector.shape_cast %swap3A_244 : vector<1x16xf32> to vector<16xf32>
    %swap3A_246 = vector.shape_cast %broadcast_in_dim3A_240 : vector<16xf32> to vector<1x16xf32>
    tpu.vector_store %arg15[%swap3A_242, %swap3A_243], %swap3A_246 {strides = array<i32>} : memref<16x64xf32, #tpu.memory_space<vmem>>, vector<1x16xf32>,
    %broadcast_in_dim3A_247 = arith.constant 0.000000e+00 : f32
    %broadcast_in_dim3A_248 = vector.broadcast %broadcast_in_dim3A_247 : f32 to vector<16xf32>
    %swap3A_249 = arith.constant 7 : i32
    %swap3A_250 = arith.index_cast %swap3A_249 : i32 to index
    %swap3A_251 = arith.constant 48 : index
    %swap3A_252 = tpu.vector_load %arg15[%swap3A_250, %swap3A_251] {strides = array<i32>} : memref<16x64xf32, #tpu.memory_space<vmem>>, vector<1x16xf32>,
    %swap3A_253 = vector.shape_cast %swap3A_252 : vector<1x16xf32> to vector<16xf32>
    %swap3A_254 = vector.shape_cast %broadcast_in_dim3A_248 : vector<16xf32> to vector<1x16xf32>
    tpu.vector_store %arg15[%swap3A_250, %swap3A_251], %swap3A_254 {strides = array<i32>} : memref<16x64xf32, #tpu.memory_space<vmem>>, vector<1x16xf32>,
    %broadcast_in_dim3A_255 = arith.constant 0.000000e+00 : f32
    %broadcast_in_dim3A_256 = vector.broadcast %broadcast_in_dim3A_255 : f32 to vector<16xf32>
    %swap3A_257 = arith.constant 8 : i32
    %swap3A_258 = arith.index_cast %swap3A_257 : i32 to index
    %swap3A_259 = arith.constant 0 : index
    %swap3A_260 = tpu.vector_load %arg15[%swap3A_258, %swap3A_259] {strides = array<i32>} : memref<16x64xf32, #tpu.memory_space<vmem>>, vector<1x16xf32>,
    %swap3A_261 = vector.shape_cast %swap3A_260 : vector<1x16xf32> to vector<16xf32>
    %swap3A_262 = vector.shape_cast %broadcast_in_dim3A_256 : vector<16xf32> to vector<1x16xf32>
    tpu.vector_store %arg15[%swap3A_258, %swap3A_259], %swap3A_262 {strides = array<i32>} : memref<16x64xf32, #tpu.memory_space<vmem>>, vector<1x16xf32>,
    %broadcast_in_dim3A_263 = arith.constant 0.000000e+00 : f32
    %broadcast_in_dim3A_264 = vector.broadcast %broadcast_in_dim3A_263 : f32 to vector<16xf32>
    %swap3A_265 = arith.constant 8 : i32
    %swap3A_266 = arith.index_cast %swap3A_265 : i32 to index
    %swap3A_267 = arith.constant 16 : index
    %swap3A_268 = tpu.vector_load %arg15[%swap3A_266, %swap3A_267] {strides = array<i32>} : memref<16x64xf32, #tpu.memory_space<vmem>>, vector<1x16xf32>,
    %swap3A_269 = vector.shape_cast %swap3A_268 : vector<1x16xf32> to vector<16xf32>
    %swap3A_270 = vector.shape_cast %broadcast_in_dim3A_264 : vector<16xf32> to vector<1x16xf32>
    tpu.vector_store %arg15[%swap3A_266, %swap3A_267], %swap3A_270 {strides = array<i32>} : memref<16x64xf32, #tpu.memory_space<vmem>>, vector<1x16xf32>,
    %broadcast_in_dim3A_271 = arith.constant 0.000000e+00 : f32
    %broadcast_in_dim3A_272 = vector.broadcast %broadcast_in_dim3A_271 : f32 to vector<16xf32>
    %swap3A_273 = arith.constant 8 : i32
    %swap3A_274 = arith.index_cast %swap3A_273 : i32 to index
    %swap3A_275 = arith.constant 32 : index
    %swap3A_276 = tpu.vector_load %arg15[%swap3A_274, %swap3A_275] {strides = array<i32>} : memref<16x64xf32, #tpu.memory_space<vmem>>, vector<1x16xf32>,
    %swap3A_277 = vector.shape_cast %swap3A_276 : vector<1x16xf32> to vector<16xf32>
    %swap3A_278 = vector.shape_cast %broadcast_in_dim3A_272 : vector<16xf32> to vector<1x16xf32>
    tpu.vector_store %arg15[%swap3A_274, %swap3A_275], %swap3A_278 {strides = array<i32>} : memref<16x64xf32, #tpu.memory_space<vmem>>, vector<1x16xf32>,
    %broadcast_in_dim3A_279 = arith.constant 0.000000e+00 : f32
    %broadcast_in_dim3A_280 = vector.broadcast %broadcast_in_dim3A_279 : f32 to vector<16xf32>
    %swap3A_281 = arith.constant 8 : i32
    %swap3A_282 = arith.index_cast %swap3A_281 : i32 to index
    %swap3A_283 = arith.constant 48 : index
    %swap3A_284 = tpu.vector_load %arg15[%swap3A_282, %swap3A_283] {strides = array<i32>} : memref<16x64xf32, #tpu.memory_space<vmem>>, vector<1x16xf32>,
    %swap3A_285 = vector.shape_cast %swap3A_284 : vector<1x16xf32> to vector<16xf32>
    %swap3A_286 = vector.shape_cast %broadcast_in_dim3A_280 : vector<16xf32> to vector<1x16xf32>
    tpu.vector_store %arg15[%swap3A_282, %swap3A_283], %swap3A_286 {strides = array<i32>} : memref<16x64xf32, #tpu.memory_space<vmem>>, vector<1x16xf32>,
    %broadcast_in_dim3A_287 = arith.constant 0.000000e+00 : f32
    %broadcast_in_dim3A_288 = vector.broadcast %broadcast_in_dim3A_287 : f32 to vector<16xf32>
    %swap3A_289 = arith.constant 9 : i32
    %swap3A_290 = arith.index_cast %swap3A_289 : i32 to index
    %swap3A_291 = arith.constant 0 : index
    %swap3A_292 = tpu.vector_load %arg15[%swap3A_290, %swap3A_291] {strides = array<i32>} : memref<16x64xf32, #tpu.memory_space<vmem>>, vector<1x16xf32>,
    %swap3A_293 = vector.shape_cast %swap3A_292 : vector<1x16xf32> to vector<16xf32>
    %swap3A_294 = vector.shape_cast %broadcast_in_dim3A_288 : vector<16xf32> to vector<1x16xf32>
    tpu.vector_store %arg15[%swap3A_290, %swap3A_291], %swap3A_294 {strides = array<i32>} : memref<16x64xf32, #tpu.memory_space<vmem>>, vector<1x16xf32>,
    %broadcast_in_dim3A_295 = arith.constant 0.000000e+00 : f32
    %broadcast_in_dim3A_296 = vector.broadcast %broadcast_in_dim3A_295 : f32 to vector<16xf32>
    %swap3A_297 = arith.constant 9 : i32
    %swap3A_298 = arith.index_cast %swap3A_297 : i32 to index
    %swap3A_299 = arith.constant 16 : index
    %swap3A_300 = tpu.vector_load %arg15[%swap3A_298, %swap3A_299] {strides = array<i32>} : memref<16x64xf32, #tpu.memory_space<vmem>>, vector<1x16xf32>,
    %swap3A_301 = vector.shape_cast %swap3A_300 : vector<1x16xf32> to vector<16xf32>
    %swap3A_302 = vector.shape_cast %broadcast_in_dim3A_296 : vector<16xf32> to vector<1x16xf32>
    tpu.vector_store %arg15[%swap3A_298, %swap3A_299], %swap3A_302 {strides = array<i32>} : memref<16x64xf32, #tpu.memory_space<vmem>>, vector<1x16xf32>,
    %broadcast_in_dim3A_303 = arith.constant 0.000000e+00 : f32
    %broadcast_in_dim3A_304 = vector.broadcast %broadcast_in_dim3A_303 : f32 to vector<16xf32>
    %swap3A_305 = arith.constant 9 : i32
    %swap3A_306 = arith.index_cast %swap3A_305 : i32 to index
    %swap3A_307 = arith.constant 32 : index
    %swap3A_308 = tpu.vector_load %arg15[%swap3A_306, %swap3A_307] {strides = array<i32>} : memref<16x64xf32, #tpu.memory_space<vmem>>, vector<1x16xf32>,
    %swap3A_309 = vector.shape_cast %swap3A_308 : vector<1x16xf32> to vector<16xf32>
    %swap3A_310 = vector.shape_cast %broadcast_in_dim3A_304 : vector<16xf32> to vector<1x16xf32>
    tpu.vector_store %arg15[%swap3A_306, %swap3A_307], %swap3A_310 {strides = array<i32>} : memref<16x64xf32, #tpu.memory_space<vmem>>, vector<1x16xf32>,
    %broadcast_in_dim3A_311 = arith.constant 0.000000e+00 : f32
    %broadcast_in_dim3A_312 = vector.broadcast %broadcast_in_dim3A_311 : f32 to vector<16xf32>
    %swap3A_313 = arith.constant 9 : i32
    %swap3A_314 = arith.index_cast %swap3A_313 : i32 to index
    %swap3A_315 = arith.constant 48 : index
    %swap3A_316 = tpu.vector_load %arg15[%swap3A_314, %swap3A_315] {strides = array<i32>} : memref<16x64xf32, #tpu.memory_space<vmem>>, vector<1x16xf32>,
    %swap3A_317 = vector.shape_cast %swap3A_316 : vector<1x16xf32> to vector<16xf32>
    %swap3A_318 = vector.shape_cast %broadcast_in_dim3A_312 : vector<16xf32> to vector<1x16xf32>
    tpu.vector_store %arg15[%swap3A_314, %swap3A_315], %swap3A_318 {strides = array<i32>} : memref<16x64xf32, #tpu.memory_space<vmem>>, vector<1x16xf32>,
    %broadcast_in_dim3A_319 = arith.constant 0.000000e+00 : f32
    %broadcast_in_dim3A_320 = vector.broadcast %broadcast_in_dim3A_319 : f32 to vector<16xf32>
    %swap3A_321 = arith.constant 10 : i32
    %swap3A_322 = arith.index_cast %swap3A_321 : i32 to index
    %swap3A_323 = arith.constant 0 : index
    %swap3A_324 = tpu.vector_load %arg15[%swap3A_322, %swap3A_323] {strides = array<i32>} : memref<16x64xf32, #tpu.memory_space<vmem>>, vector<1x16xf32>,
    %swap3A_325 = vector.shape_cast %swap3A_324 : vector<1x16xf32> to vector<16xf32>
    %swap3A_326 = vector.shape_cast %broadcast_in_dim3A_320 : vector<16xf32> to vector<1x16xf32>
    tpu.vector_store %arg15[%swap3A_322, %swap3A_323], %swap3A_326 {strides = array<i32>} : memref<16x64xf32, #tpu.memory_space<vmem>>, vector<1x16xf32>,
    %broadcast_in_dim3A_327 = arith.constant 0.000000e+00 : f32
    %broadcast_in_dim3A_328 = vector.broadcast %broadcast_in_dim3A_327 : f32 to vector<16xf32>
    %swap3A_329 = arith.constant 10 : i32
    %swap3A_330 = arith.index_cast %swap3A_329 : i32 to index
    %swap3A_331 = arith.constant 16 : index
    %swap3A_332 = tpu.vector_load %arg15[%swap3A_330, %swap3A_331] {strides = array<i32>} : memref<16x64xf32, #tpu.memory_space<vmem>>, vector<1x16xf32>,
    %swap3A_333 = vector.shape_cast %swap3A_332 : vector<1x16xf32> to vector<16xf32>
    %swap3A_334 = vector.shape_cast %broadcast_in_dim3A_328 : vector<16xf32> to vector<1x16xf32>
    tpu.vector_store %arg15[%swap3A_330, %swap3A_331], %swap3A_334 {strides = array<i32>} : memref<16x64xf32, #tpu.memory_space<vmem>>, vector<1x16xf32>,
    %broadcast_in_dim3A_335 = arith.constant 0.000000e+00 : f32
    %broadcast_in_dim3A_336 = vector.broadcast %broadcast_in_dim3A_335 : f32 to vector<16xf32>
    %swap3A_337 = arith.constant 10 : i32
    %swap3A_338 = arith.index_cast %swap3A_337 : i32 to index
    %swap3A_339 = arith.constant 32 : index
    %swap3A_340 = tpu.vector_load %arg15[%swap3A_338, %swap3A_339] {strides = array<i32>} : memref<16x64xf32, #tpu.memory_space<vmem>>, vector<1x16xf32>,
    %swap3A_341 = vector.shape_cast %swap3A_340 : vector<1x16xf32> to vector<16xf32>
    %swap3A_342 = vector.shape_cast %broadcast_in_dim3A_336 : vector<16xf32> to vector<1x16xf32>
    tpu.vector_store %arg15[%swap3A_338, %swap3A_339], %swap3A_342 {strides = array<i32>} : memref<16x64xf32, #tpu.memory_space<vmem>>, vector<1x16xf32>,
    %broadcast_in_dim3A_343 = arith.constant 0.000000e+00 : f32
    %broadcast_in_dim3A_344 = vector.broadcast %broadcast_in_dim3A_343 : f32 to vector<16xf32>
    %swap3A_345 = arith.constant 10 : i32
    %swap3A_346 = arith.index_cast %swap3A_345 : i32 to index
    %swap3A_347 = arith.constant 48 : index
    %swap3A_348 = tpu.vector_load %arg15[%swap3A_346, %swap3A_347] {strides = array<i32>} : memref<16x64xf32, #tpu.memory_space<vmem>>, vector<1x16xf32>,
    %swap3A_349 = vector.shape_cast %swap3A_348 : vector<1x16xf32> to vector<16xf32>
    %swap3A_350 = vector.shape_cast %broadcast_in_dim3A_344 : vector<16xf32> to vector<1x16xf32>
    tpu.vector_store %arg15[%swap3A_346, %swap3A_347], %swap3A_350 {strides = array<i32>} : memref<16x64xf32, #tpu.memory_space<vmem>>, vector<1x16xf32>,
    %broadcast_in_dim3A_351 = arith.constant 0.000000e+00 : f32
    %broadcast_in_dim3A_352 = vector.broadcast %broadcast_in_dim3A_351 : f32 to vector<16xf32>
    %swap3A_353 = arith.constant 11 : i32
    %swap3A_354 = arith.index_cast %swap3A_353 : i32 to index
    %swap3A_355 = arith.constant 0 : index
    %swap3A_356 = tpu.vector_load %arg15[%swap3A_354, %swap3A_355] {strides = array<i32>} : memref<16x64xf32, #tpu.memory_space<vmem>>, vector<1x16xf32>,
    %swap3A_357 = vector.shape_cast %swap3A_356 : vector<1x16xf32> to vector<16xf32>
    %swap3A_358 = vector.shape_cast %broadcast_in_dim3A_352 : vector<16xf32> to vector<1x16xf32>
    tpu.vector_store %arg15[%swap3A_354, %swap3A_355], %swap3A_358 {strides = array<i32>} : memref<16x64xf32, #tpu.memory_space<vmem>>, vector<1x16xf32>,
    %broadcast_in_dim3A_359 = arith.constant 0.000000e+00 : f32
    %broadcast_in_dim3A_360 = vector.broadcast %broadcast_in_dim3A_359 : f32 to vector<16xf32>
    %swap3A_361 = arith.constant 11 : i32
    %swap3A_362 = arith.index_cast %swap3A_361 : i32 to index
    %swap3A_363 = arith.constant 16 : index
    %swap3A_364 = tpu.vector_load %arg15[%swap3A_362, %swap3A_363] {strides = array<i32>} : memref<16x64xf32, #tpu.memory_space<vmem>>, vector<1x16xf32>,
    %swap3A_365 = vector.shape_cast %swap3A_364 : vector<1x16xf32> to vector<16xf32>
    %swap3A_366 = vector.shape_cast %broadcast_in_dim3A_360 : vector<16xf32> to vector<1x16xf32>
    tpu.vector_store %arg15[%swap3A_362, %swap3A_363], %swap3A_366 {strides = array<i32>} : memref<16x64xf32, #tpu.memory_space<vmem>>, vector<1x16xf32>,
    %broadcast_in_dim3A_367 = arith.constant 0.000000e+00 : f32
    %broadcast_in_dim3A_368 = vector.broadcast %broadcast_in_dim3A_367 : f32 to vector<16xf32>
    %swap3A_369 = arith.constant 11 : i32
    %swap3A_370 = arith.index_cast %swap3A_369 : i32 to index
    %swap3A_371 = arith.constant 32 : index
    %swap3A_372 = tpu.vector_load %arg15[%swap3A_370, %swap3A_371] {strides = array<i32>} : memref<16x64xf32, #tpu.memory_space<vmem>>, vector<1x16xf32>,
    %swap3A_373 = vector.shape_cast %swap3A_372 : vector<1x16xf32> to vector<16xf32>
    %swap3A_374 = vector.shape_cast %broadcast_in_dim3A_368 : vector<16xf32> to vector<1x16xf32>
    tpu.vector_store %arg15[%swap3A_370, %swap3A_371], %swap3A_374 {strides = array<i32>} : memref<16x64xf32, #tpu.memory_space<vmem>>, vector<1x16xf32>,
    %broadcast_in_dim3A_375 = arith.constant 0.000000e+00 : f32
    %broadcast_in_dim3A_376 = vector.broadcast %broadcast_in_dim3A_375 : f32 to vector<16xf32>
    %swap3A_377 = arith.constant 11 : i32
    %swap3A_378 = arith.index_cast %swap3A_377 : i32 to index
    %swap3A_379 = arith.constant 48 : index
    %swap3A_380 = tpu.vector_load %arg15[%swap3A_378, %swap3A_379] {strides = array<i32>} : memref<16x64xf32, #tpu.memory_space<vmem>>, vector<1x16xf32>,
    %swap3A_381 = vector.shape_cast %swap3A_380 : vector<1x16xf32> to vector<16xf32>
    %swap3A_382 = vector.shape_cast %broadcast_in_dim3A_376 : vector<16xf32> to vector<1x16xf32>
    tpu.vector_store %arg15[%swap3A_378, %swap3A_379], %swap3A_382 {strides = array<i32>} : memref<16x64xf32, #tpu.memory_space<vmem>>, vector<1x16xf32>,
    %broadcast_in_dim3A_383 = arith.constant 0.000000e+00 : f32
    %broadcast_in_dim3A_384 = vector.broadcast %broadcast_in_dim3A_383 : f32 to vector<16xf32>
    %swap3A_385 = arith.constant 12 : i32
    %swap3A_386 = arith.index_cast %swap3A_385 : i32 to index
    %swap3A_387 = arith.constant 0 : index
    %swap3A_388 = tpu.vector_load %arg15[%swap3A_386, %swap3A_387] {strides = array<i32>} : memref<16x64xf32, #tpu.memory_space<vmem>>, vector<1x16xf32>,
    %swap3A_389 = vector.shape_cast %swap3A_388 : vector<1x16xf32> to vector<16xf32>
    %swap3A_390 = vector.shape_cast %broadcast_in_dim3A_384 : vector<16xf32> to vector<1x16xf32>
    tpu.vector_store %arg15[%swap3A_386, %swap3A_387], %swap3A_390 {strides = array<i32>} : memref<16x64xf32, #tpu.memory_space<vmem>>, vector<1x16xf32>,
    %broadcast_in_dim3A_391 = arith.constant 0.000000e+00 : f32
    %broadcast_in_dim3A_392 = vector.broadcast %broadcast_in_dim3A_391 : f32 to vector<16xf32>
    %swap3A_393 = arith.constant 12 : i32
    %swap3A_394 = arith.index_cast %swap3A_393 : i32 to index
    %swap3A_395 = arith.constant 16 : index
    %swap3A_396 = tpu.vector_load %arg15[%swap3A_394, %swap3A_395] {strides = array<i32>} : memref<16x64xf32, #tpu.memory_space<vmem>>, vector<1x16xf32>,
    %swap3A_397 = vector.shape_cast %swap3A_396 : vector<1x16xf32> to vector<16xf32>
    %swap3A_398 = vector.shape_cast %broadcast_in_dim3A_392 : vector<16xf32> to vector<1x16xf32>
    tpu.vector_store %arg15[%swap3A_394, %swap3A_395], %swap3A_398 {strides = array<i32>} : memref<16x64xf32, #tpu.memory_space<vmem>>, vector<1x16xf32>,
    %broadcast_in_dim3A_399 = arith.constant 0.000000e+00 : f32
    %broadcast_in_dim3A_400 = vector.broadcast %broadcast_in_dim3A_399 : f32 to vector<16xf32>
    %swap3A_401 = arith.constant 12 : i32
    %swap3A_402 = arith.index_cast %swap3A_401 : i32 to index
    %swap3A_403 = arith.constant 32 : index
    %swap3A_404 = tpu.vector_load %arg15[%swap3A_402, %swap3A_403] {strides = array<i32>} : memref<16x64xf32, #tpu.memory_space<vmem>>, vector<1x16xf32>,
    %swap3A_405 = vector.shape_cast %swap3A_404 : vector<1x16xf32> to vector<16xf32>
    %swap3A_406 = vector.shape_cast %broadcast_in_dim3A_400 : vector<16xf32> to vector<1x16xf32>
    tpu.vector_store %arg15[%swap3A_402, %swap3A_403], %swap3A_406 {strides = array<i32>} : memref<16x64xf32, #tpu.memory_space<vmem>>, vector<1x16xf32>,
    %broadcast_in_dim3A_407 = arith.constant 0.000000e+00 : f32
    %broadcast_in_dim3A_408 = vector.broadcast %broadcast_in_dim3A_407 : f32 to vector<16xf32>
    %swap3A_409 = arith.constant 12 : i32
    %swap3A_410 = arith.index_cast %swap3A_409 : i32 to index
    %swap3A_411 = arith.constant 48 : index
    %swap3A_412 = tpu.vector_load %arg15[%swap3A_410, %swap3A_411] {strides = array<i32>} : memref<16x64xf32, #tpu.memory_space<vmem>>, vector<1x16xf32>,
    %swap3A_413 = vector.shape_cast %swap3A_412 : vector<1x16xf32> to vector<16xf32>
    %swap3A_414 = vector.shape_cast %broadcast_in_dim3A_408 : vector<16xf32> to vector<1x16xf32>
    tpu.vector_store %arg15[%swap3A_410, %swap3A_411], %swap3A_414 {strides = array<i32>} : memref<16x64xf32, #tpu.memory_space<vmem>>, vector<1x16xf32>,
    %broadcast_in_dim3A_415 = arith.constant 0.000000e+00 : f32
    %broadcast_in_dim3A_416 = vector.broadcast %broadcast_in_dim3A_415 : f32 to vector<16xf32>
    %swap3A_417 = arith.constant 13 : i32
    %swap3A_418 = arith.index_cast %swap3A_417 : i32 to index
    %swap3A_419 = arith.constant 0 : index
    %swap3A_420 = tpu.vector_load %arg15[%swap3A_418, %swap3A_419] {strides = array<i32>} : memref<16x64xf32, #tpu.memory_space<vmem>>, vector<1x16xf32>,
    %swap3A_421 = vector.shape_cast %swap3A_420 : vector<1x16xf32> to vector<16xf32>
    %swap3A_422 = vector.shape_cast %broadcast_in_dim3A_416 : vector<16xf32> to vector<1x16xf32>
    tpu.vector_store %arg15[%swap3A_418, %swap3A_419], %swap3A_422 {strides = array<i32>} : memref<16x64xf32, #tpu.memory_space<vmem>>, vector<1x16xf32>,
    %broadcast_in_dim3A_423 = arith.constant 0.000000e+00 : f32
    %broadcast_in_dim3A_424 = vector.broadcast %broadcast_in_dim3A_423 : f32 to vector<16xf32>
    %swap3A_425 = arith.constant 13 : i32
    %swap3A_426 = arith.index_cast %swap3A_425 : i32 to index
    %swap3A_427 = arith.constant 16 : index
    %swap3A_428 = tpu.vector_load %arg15[%swap3A_426, %swap3A_427] {strides = array<i32>} : memref<16x64xf32, #tpu.memory_space<vmem>>, vector<1x16xf32>,
    %swap3A_429 = vector.shape_cast %swap3A_428 : vector<1x16xf32> to vector<16xf32>
    %swap3A_430 = vector.shape_cast %broadcast_in_dim3A_424 : vector<16xf32> to vector<1x16xf32>
    tpu.vector_store %arg15[%swap3A_426, %swap3A_427], %swap3A_430 {strides = array<i32>} : memref<16x64xf32, #tpu.memory_space<vmem>>, vector<1x16xf32>,
    %broadcast_in_dim3A_431 = arith.constant 0.000000e+00 : f32
    %broadcast_in_dim3A_432 = vector.broadcast %broadcast_in_dim3A_431 : f32 to vector<16xf32>
    %swap3A_433 = arith.constant 13 : i32
    %swap3A_434 = arith.index_cast %swap3A_433 : i32 to index
    %swap3A_435 = arith.constant 32 : index
    %swap3A_436 = tpu.vector_load %arg15[%swap3A_434, %swap3A_435] {strides = array<i32>} : memref<16x64xf32, #tpu.memory_space<vmem>>, vector<1x16xf32>,
    %swap3A_437 = vector.shape_cast %swap3A_436 : vector<1x16xf32> to vector<16xf32>
    %swap3A_438 = vector.shape_cast %broadcast_in_dim3A_432 : vector<16xf32> to vector<1x16xf32>
    tpu.vector_store %arg15[%swap3A_434, %swap3A_435], %swap3A_438 {strides = array<i32>} : memref<16x64xf32, #tpu.memory_space<vmem>>, vector<1x16xf32>,
    %broadcast_in_dim3A_439 = arith.constant 0.000000e+00 : f32
    %broadcast_in_dim3A_440 = vector.broadcast %broadcast_in_dim3A_439 : f32 to vector<16xf32>
    %swap3A_441 = arith.constant 13 : i32
    %swap3A_442 = arith.index_cast %swap3A_441 : i32 to index
    %swap3A_443 = arith.constant 48 : index
    %swap3A_444 = tpu.vector_load %arg15[%swap3A_442, %swap3A_443] {strides = array<i32>} : memref<16x64xf32, #tpu.memory_space<vmem>>, vector<1x16xf32>,
    %swap3A_445 = vector.shape_cast %swap3A_444 : vector<1x16xf32> to vector<16xf32>
    %swap3A_446 = vector.shape_cast %broadcast_in_dim3A_440 : vector<16xf32> to vector<1x16xf32>
    tpu.vector_store %arg15[%swap3A_442, %swap3A_443], %swap3A_446 {strides = array<i32>} : memref<16x64xf32, #tpu.memory_space<vmem>>, vector<1x16xf32>,
    %broadcast_in_dim3A_447 = arith.constant 0.000000e+00 : f32
    %broadcast_in_dim3A_448 = vector.broadcast %broadcast_in_dim3A_447 : f32 to vector<16xf32>
    %swap3A_449 = arith.constant 14 : i32
    %swap3A_450 = arith.index_cast %swap3A_449 : i32 to index
    %swap3A_451 = arith.constant 0 : index
    %swap3A_452 = tpu.vector_load %arg15[%swap3A_450, %swap3A_451] {strides = array<i32>} : memref<16x64xf32, #tpu.memory_space<vmem>>, vector<1x16xf32>,
    %swap3A_453 = vector.shape_cast %swap3A_452 : vector<1x16xf32> to vector<16xf32>
    %swap3A_454 = vector.shape_cast %broadcast_in_dim3A_448 : vector<16xf32> to vector<1x16xf32>
    tpu.vector_store %arg15[%swap3A_450, %swap3A_451], %swap3A_454 {strides = array<i32>} : memref<16x64xf32, #tpu.memory_space<vmem>>, vector<1x16xf32>,
    %broadcast_in_dim3A_455 = arith.constant 0.000000e+00 : f32
    %broadcast_in_dim3A_456 = vector.broadcast %broadcast_in_dim3A_455 : f32 to vector<16xf32>
    %swap3A_457 = arith.constant 14 : i32
    %swap3A_458 = arith.index_cast %swap3A_457 : i32 to index
    %swap3A_459 = arith.constant 16 : index
    %swap3A_460 = tpu.vector_load %arg15[%swap3A_458, %swap3A_459] {strides = array<i32>} : memref<16x64xf32, #tpu.memory_space<vmem>>, vector<1x16xf32>,
    %swap3A_461 = vector.shape_cast %swap3A_460 : vector<1x16xf32> to vector<16xf32>
    %swap3A_462 = vector.shape_cast %broadcast_in_dim3A_456 : vector<16xf32> to vector<1x16xf32>
    tpu.vector_store %arg15[%swap3A_458, %swap3A_459], %swap3A_462 {strides = array<i32>} : memref<16x64xf32, #tpu.memory_space<vmem>>, vector<1x16xf32>,
    %broadcast_in_dim3A_463 = arith.constant 0.000000e+00 : f32
    %broadcast_in_dim3A_464 = vector.broadcast %broadcast_in_dim3A_463 : f32 to vector<16xf32>
    %swap3A_465 = arith.constant 14 : i32
    %swap3A_466 = arith.index_cast %swap3A_465 : i32 to index
    %swap3A_467 = arith.constant 32 : index
    %swap3A_468 = tpu.vector_load %arg15[%swap3A_466, %swap3A_467] {strides = array<i32>} : memref<16x64xf32, #tpu.memory_space<vmem>>, vector<1x16xf32>,
    %swap3A_469 = vector.shape_cast %swap3A_468 : vector<1x16xf32> to vector<16xf32>
    %swap3A_470 = vector.shape_cast %broadcast_in_dim3A_464 : vector<16xf32> to vector<1x16xf32>
    tpu.vector_store %arg15[%swap3A_466, %swap3A_467], %swap3A_470 {strides = array<i32>} : memref<16x64xf32, #tpu.memory_space<vmem>>, vector<1x16xf32>,
    %broadcast_in_dim3A_471 = arith.constant 0.000000e+00 : f32
    %broadcast_in_dim3A_472 = vector.broadcast %broadcast_in_dim3A_471 : f32 to vector<16xf32>
    %swap3A_473 = arith.constant 14 : i32
    %swap3A_474 = arith.index_cast %swap3A_473 : i32 to index
    %swap3A_475 = arith.constant 48 : index
    %swap3A_476 = tpu.vector_load %arg15[%swap3A_474, %swap3A_475] {strides = array<i32>} : memref<16x64xf32, #tpu.memory_space<vmem>>, vector<1x16xf32>,
    %swap3A_477 = vector.shape_cast %swap3A_476 : vector<1x16xf32> to vector<16xf32>
    %swap3A_478 = vector.shape_cast %broadcast_in_dim3A_472 : vector<16xf32> to vector<1x16xf32>
    tpu.vector_store %arg15[%swap3A_474, %swap3A_475], %swap3A_478 {strides = array<i32>} : memref<16x64xf32, #tpu.memory_space<vmem>>, vector<1x16xf32>,
    %broadcast_in_dim3A_479 = arith.constant 0.000000e+00 : f32
    %broadcast_in_dim3A_480 = vector.broadcast %broadcast_in_dim3A_479 : f32 to vector<16xf32>
    %swap3A_481 = arith.constant 15 : i32
    %swap3A_482 = arith.index_cast %swap3A_481 : i32 to index
    %swap3A_483 = arith.constant 0 : index
    %swap3A_484 = tpu.vector_load %arg15[%swap3A_482, %swap3A_483] {strides = array<i32>} : memref<16x64xf32, #tpu.memory_space<vmem>>, vector<1x16xf32>,
    %swap3A_485 = vector.shape_cast %swap3A_484 : vector<1x16xf32> to vector<16xf32>
    %swap3A_486 = vector.shape_cast %broadcast_in_dim3A_480 : vector<16xf32> to vector<1x16xf32>
    tpu.vector_store %arg15[%swap3A_482, %swap3A_483], %swap3A_486 {strides = array<i32>} : memref<16x64xf32, #tpu.memory_space<vmem>>, vector<1x16xf32>,
    %broadcast_in_dim3A_487 = arith.constant 0.000000e+00 : f32
    %broadcast_in_dim3A_488 = vector.broadcast %broadcast_in_dim3A_487 : f32 to vector<16xf32>
    %swap3A_489 = arith.constant 15 : i32
    %swap3A_490 = arith.index_cast %swap3A_489 : i32 to index
    %swap3A_491 = arith.constant 16 : index
    %swap3A_492 = tpu.vector_load %arg15[%swap3A_490, %swap3A_491] {strides = array<i32>} : memref<16x64xf32, #tpu.memory_space<vmem>>, vector<1x16xf32>,
    %swap3A_493 = vector.shape_cast %swap3A_492 : vector<1x16xf32> to vector<16xf32>
    %swap3A_494 = vector.shape_cast %broadcast_in_dim3A_488 : vector<16xf32> to vector<1x16xf32>
    tpu.vector_store %arg15[%swap3A_490, %swap3A_491], %swap3A_494 {strides = array<i32>} : memref<16x64xf32, #tpu.memory_space<vmem>>, vector<1x16xf32>,
    %broadcast_in_dim3A_495 = arith.constant 0.000000e+00 : f32
    %broadcast_in_dim3A_496 = vector.broadcast %broadcast_in_dim3A_495 : f32 to vector<16xf32>
    %swap3A_497 = arith.constant 15 : i32
    %swap3A_498 = arith.index_cast %swap3A_497 : i32 to index
    %swap3A_499 = arith.constant 32 : index
    %swap3A_500 = tpu.vector_load %arg15[%swap3A_498, %swap3A_499] {strides = array<i32>} : memref<16x64xf32, #tpu.memory_space<vmem>>, vector<1x16xf32>,
    %swap3A_501 = vector.shape_cast %swap3A_500 : vector<1x16xf32> to vector<16xf32>
    %swap3A_502 = vector.shape_cast %broadcast_in_dim3A_496 : vector<16xf32> to vector<1x16xf32>
    tpu.vector_store %arg15[%swap3A_498, %swap3A_499], %swap3A_502 {strides = array<i32>} : memref<16x64xf32, #tpu.memory_space<vmem>>, vector<1x16xf32>,
    %broadcast_in_dim3A_503 = arith.constant 0.000000e+00 : f32
    %broadcast_in_dim3A_504 = vector.broadcast %broadcast_in_dim3A_503 : f32 to vector<16xf32>
    %swap3A_505 = arith.constant 15 : i32
    %swap3A_506 = arith.index_cast %swap3A_505 : i32 to index
    %swap3A_507 = arith.constant 48 : index
    %swap3A_508 = tpu.vector_load %arg15[%swap3A_506, %swap3A_507] {strides = array<i32>} : memref<16x64xf32, #tpu.memory_space<vmem>>, vector<1x16xf32>,
    %swap3A_509 = vector.shape_cast %swap3A_508 : vector<1x16xf32> to vector<16xf32>
    %swap3A_510 = vector.shape_cast %broadcast_in_dim3A_504 : vector<16xf32> to vector<1x16xf32>
    tpu.vector_store %arg15[%swap3A_506, %swap3A_507], %swap3A_510 {strides = array<i32>} : memref<16x64xf32, #tpu.memory_space<vmem>>, vector<1x16xf32>,
    %iota3A = tpu.iota {dimensions = array<i32: 0>} : vector<16xi32>
    %eq3A = arith.constant 0 : i32
    %eq3A_511 = vector.broadcast %eq3A : i32 to vector<16xi32>
    %eq3A_512 = arith.cmpi eq, %iota3A, %eq3A_511 : vector<16xi32>
    %jit3A = arith.constant 1.000000e+00 : f32
    %jit3A_513 = arith.constant 0.000000e+00 : f32
    %broadcast_in_dim3A_514 = vector.broadcast %jit3A : f32 to vector<16xf32>
    %broadcast_in_dim3A_515 = vector.broadcast %jit3A_513 : f32 to vector<16xf32>
    %select_n3A = arith.select %eq3A_512, %broadcast_in_dim3A_514, %broadcast_in_dim3A_515 : vector<16xi1>, vector<16xf32>
    %scan3A = arith.constant 0 : i32
    %scan3A_516 = arith.constant 0 : i32
    %scan3A_517 = arith.constant 128 : i32
    %scan3A_518 = arith.addi %scan3A_516, %scan3A_517 : i32
    %scan3A_519 = arith.constant 1 : i32
    scf.for %scan3A_720 = %scan3A_516 to %scan3A_518 step %scan3A_519  : i32 {
      %swap3A_721 = arith.index_cast %scan3A_720 : i32 to index
      %swap3A_722 = arith.constant 0 : index
      %swap3A_723 = tpu.vector_load %arg14[%swap3A_721, %swap3A_722] {strides = array<i32>} : memref<128x16xf32, #tpu.memory_space<vmem>>, vector<1x16xf32>,
      %swap3A_724 = vector.shape_cast %swap3A_723 : vector<1x16xf32> to vector<16xf32>
      %swap3A_725 = vector.shape_cast %select_n3A : vector<16xf32> to vector<1x16xf32>
      tpu.vector_store %arg14[%swap3A_721, %swap3A_722], %swap3A_725 {strides = array<i32>} : memref<128x16xf32, #tpu.memory_space<vmem>>, vector<1x16xf32>,
    }
    %scan3A_520 = arith.constant 128 : i32
    %scan3A_521 = arith.constant 0 : i32
    %scan3A_522 = arith.constant 0 : i32
    %scan3A_523 = arith.constant 40 : i32
    %scan3A_524 = arith.addi %scan3A_522, %scan3A_523 : i32
    %scan3A_525 = arith.constant 1 : i32
    scf.for %scan3A_720 = %scan3A_522 to %scan3A_524 step %scan3A_525  : i32 {
      %mul3A_721 = arith.constant 16 : i32
      %mul3A_722 = arith.muli %scan3A_720, %mul3A_721 : i32
      %add3A = arith.addi %mul3A_0, %mul3A_722 : i32
      "tpu.region"() ({
        %run_scoped3A = tpu.sem_alloc : memref<!tpu.dma_semaphore, #tpu.memory_space<semaphore_mem>>
        %dma_start3A_726 = arith.constant 0 : i32
        %dma_start3A_727 = tpu.memref_slice %arg16[%add3A, %dma_start3A_726] : memref<10240x64xf32, #tpu.memory_space<vmem_shared>> -> memref<16x64xf32, #tpu.memory_space<vmem_shared>>
        %dma_start3A_728 = arith.constant 0 : i32
        %dma_start3A_729 = tpu.memref_slice %arg16[%add3A, %dma_start3A_728] : memref<10240x64xf32, #tpu.memory_space<vmem_shared>> -> memref<16x64xf32, #tpu.memory_space<vmem_shared>>
        tpu.enqueue_dma source(%arg15 : memref<16x64xf32, #tpu.memory_space<vmem>>) target(%dma_start3A_729 : memref<16x64xf32, #tpu.memory_space<vmem_shared>>) target_semaphore(%run_scoped3A : memref<!tpu.dma_semaphore, #tpu.memory_space<semaphore_mem>>)
        %dma_wait3A_730 = arith.constant 0 : i32
        %dma_wait3A_731 = tpu.memref_slice %arg16[%add3A, %dma_wait3A_730] : memref<10240x64xf32, #tpu.memory_space<vmem_shared>> -> memref<16x64xf32, #tpu.memory_space<vmem_shared>>
        %dma_wait3A_732 = arith.constant 0 : i32
        %dma_wait3A_733 = tpu.memref_slice %arg16[%add3A, %dma_wait3A_732] : memref<10240x64xf32, #tpu.memory_space<vmem_shared>> -> memref<16x64xf32, #tpu.memory_space<vmem_shared>>
        tpu.wait_dma2 semaphore(%run_scoped3A : memref<!tpu.dma_semaphore, #tpu.memory_space<semaphore_mem>>) src(%arg15 : memref<16x64xf32, #tpu.memory_space<vmem>>) dst(%dma_wait3A_733 : memref<16x64xf32, #tpu.memory_space<vmem_shared>>)
        tpu.yield
      }) : () -> ()
      %mul3A_723 = arith.constant 16 : i32
      %mul3A_724 = arith.muli %scan3A_720, %mul3A_723 : i32
      %add3A_725 = arith.addi %mul3A_0, %mul3A_724 : i32
      "tpu.region"() ({
        %run_scoped3A = tpu.sem_alloc : memref<!tpu.dma_semaphore, #tpu.memory_space<semaphore_mem>>
        %dma_start3A_726 = arith.constant 0 : i32
        %dma_start3A_727 = arith.constant 0 : i32
        %dma_start3A_728 = tpu.memref_slice %arg15[%dma_start3A_726, %dma_start3A_727] : memref<16x64xf32, #tpu.memory_space<vmem>> -> memref<16x16xf32, #tpu.memory_space<vmem>>
        %dma_start3A_729 = arith.constant 0 : i32
        %dma_start3A_730 = tpu.memref_slice %arg17[%add3A_725, %dma_start3A_729] : memref<10240x16xf32, #tpu.memory_space<vmem_shared>> -> memref<16x16xf32, #tpu.memory_space<vmem_shared>>
        %dma_start3A_731 = arith.constant 0 : i32
        %dma_start3A_732 = tpu.memref_slice %arg17[%add3A_725, %dma_start3A_731] : memref<10240x16xf32, #tpu.memory_space<vmem_shared>> -> memref<16x16xf32, #tpu.memory_space<vmem_shared>>
        %dma_start3A_733 = arith.constant 0 : i32
        %dma_start3A_734 = arith.constant 0 : i32
        %dma_start3A_735 = tpu.memref_slice %arg15[%dma_start3A_733, %dma_start3A_734] : memref<16x64xf32, #tpu.memory_space<vmem>> -> memref<16x16xf32, #tpu.memory_space<vmem>>
        tpu.enqueue_dma source(%dma_start3A_735 : memref<16x16xf32, #tpu.memory_space<vmem>>) target(%dma_start3A_732 : memref<16x16xf32, #tpu.memory_space<vmem_shared>>) target_semaphore(%run_scoped3A : memref<!tpu.dma_semaphore, #tpu.memory_space<semaphore_mem>>)
        %dma_wait3A_736 = arith.constant 0 : i32
        %dma_wait3A_737 = arith.constant 0 : i32
        %dma_wait3A_738 = tpu.memref_slice %arg15[%dma_wait3A_736, %dma_wait3A_737] : memref<16x64xf32, #tpu.memory_space<vmem>> -> memref<16x16xf32, #tpu.memory_space<vmem>>
        %dma_wait3A_739 = arith.constant 0 : i32
        %dma_wait3A_740 = tpu.memref_slice %arg17[%add3A_725, %dma_wait3A_739] : memref<10240x16xf32, #tpu.memory_space<vmem_shared>> -> memref<16x16xf32, #tpu.memory_space<vmem_shared>>
        %dma_wait3A_741 = arith.constant 0 : i32
        %dma_wait3A_742 = tpu.memref_slice %arg17[%add3A_725, %dma_wait3A_741] : memref<10240x16xf32, #tpu.memory_space<vmem_shared>> -> memref<16x16xf32, #tpu.memory_space<vmem_shared>>
        %dma_wait3A_743 = arith.constant 0 : i32
        %dma_wait3A_744 = arith.constant 0 : i32
        %dma_wait3A_745 = tpu.memref_slice %arg15[%dma_wait3A_743, %dma_wait3A_744] : memref<16x64xf32, #tpu.memory_space<vmem>> -> memref<16x16xf32, #tpu.memory_space<vmem>>
        tpu.wait_dma2 semaphore(%run_scoped3A : memref<!tpu.dma_semaphore, #tpu.memory_space<semaphore_mem>>) src(%dma_wait3A_745 : memref<16x16xf32, #tpu.memory_space<vmem>>) dst(%dma_wait3A_742 : memref<16x16xf32, #tpu.memory_space<vmem_shared>>)
        tpu.yield
      }) : () -> ()
    }
    %scan3A_526 = arith.constant 40 : i32
    %barrier3A = arith.constant 0 : index
    tpu.barrier barrier_id(%barrier3A)
    "tpu.region"() ({
      %run_scoped3A = tpu.sem_alloc : memref<!tpu.dma_semaphore, #tpu.memory_space<semaphore_mem>>
      %dma_start3A_720 = arith.constant 0 : i32
      %dma_start3A_721 = arith.constant 0 : i32
      %dma_start3A_722 = tpu.memref_slice %arg3[%arg0, %arg1, %dma_start3A_720, %dma_start3A_721] : memref<2x16x160x128xi32, #tpu.memory_space<hbm>> -> memref<1x1x80x128xi32, #tpu.memory_space<hbm>>
      %dma_start3A_723 = tpu.memref_squeeze %dma_start3A_722 : memref<1x1x80x128xi32, #tpu.memory_space<hbm>> -> memref<80x128xi32, #tpu.memory_space<hbm>>
      %dma_start3A_724 = arith.constant 0 : i32
      %dma_start3A_725 = arith.constant 0 : i32
      %dma_start3A_726 = tpu.memref_slice %arg3[%arg0, %arg1, %dma_start3A_724, %dma_start3A_725] : memref<2x16x160x128xi32, #tpu.memory_space<hbm>> -> memref<1x1x80x128xi32, #tpu.memory_space<hbm>>
      %dma_start3A_727 = tpu.memref_squeeze %dma_start3A_726 : memref<1x1x80x128xi32, #tpu.memory_space<hbm>> -> memref<80x128xi32, #tpu.memory_space<hbm>>
      tpu.enqueue_dma source(%dma_start3A_727 : memref<80x128xi32, #tpu.memory_space<hbm>>) target(%arg7 : memref<80x128xi32, #tpu.memory_space<vmem>>) target_semaphore(%run_scoped3A : memref<!tpu.dma_semaphore, #tpu.memory_space<semaphore_mem>>)
      %dma_wait3A_728 = arith.constant 0 : i32
      %dma_wait3A_729 = arith.constant 0 : i32
      %dma_wait3A_730 = tpu.memref_slice %arg3[%arg0, %arg1, %dma_wait3A_728, %dma_wait3A_729] : memref<2x16x160x128xi32, #tpu.memory_space<hbm>> -> memref<1x1x80x128xi32, #tpu.memory_space<hbm>>
      %dma_wait3A_731 = tpu.memref_squeeze %dma_wait3A_730 : memref<1x1x80x128xi32, #tpu.memory_space<hbm>> -> memref<80x128xi32, #tpu.memory_space<hbm>>
      %dma_wait3A_732 = arith.constant 0 : i32
      %dma_wait3A_733 = arith.constant 0 : i32
      %dma_wait3A_734 = tpu.memref_slice %arg3[%arg0, %arg1, %dma_wait3A_732, %dma_wait3A_733] : memref<2x16x160x128xi32, #tpu.memory_space<hbm>> -> memref<1x1x80x128xi32, #tpu.memory_space<hbm>>
      %dma_wait3A_735 = tpu.memref_squeeze %dma_wait3A_734 : memref<1x1x80x128xi32, #tpu.memory_space<hbm>> -> memref<80x128xi32, #tpu.memory_space<hbm>>
      tpu.wait_dma2 semaphore(%run_scoped3A : memref<!tpu.dma_semaphore, #tpu.memory_space<semaphore_mem>>) src(%dma_wait3A_735 : memref<80x128xi32, #tpu.memory_space<hbm>>) dst(%arg7 : memref<80x128xi32, #tpu.memory_space<vmem>>)
      tpu.yield
    }) : () -> ()
    "tpu.region"() ({
      %run_scoped3A = tpu.sem_alloc : memref<!tpu.dma_semaphore, #tpu.memory_space<semaphore_mem>>
      %dma_start3A_720 = arith.constant 0 : i32
      %dma_start3A_721 = arith.constant 0 : i32
      %dma_start3A_722 = tpu.memref_slice %arg4[%arg1, %dma_start3A_720, %dma_start3A_721] : memref<16x160x128xi32, #tpu.memory_space<hbm>> -> memref<1x80x128xi32, #tpu.memory_space<hbm>>
      %dma_start3A_723 = tpu.memref_squeeze %dma_start3A_722 : memref<1x80x128xi32, #tpu.memory_space<hbm>> -> memref<80x128xi32, #tpu.memory_space<hbm>>
      %dma_start3A_724 = arith.constant 0 : i32
      %dma_start3A_725 = arith.constant 0 : i32
      %dma_start3A_726 = tpu.memref_slice %arg4[%arg1, %dma_start3A_724, %dma_start3A_725] : memref<16x160x128xi32, #tpu.memory_space<hbm>> -> memref<1x80x128xi32, #tpu.memory_space<hbm>>
      %dma_start3A_727 = tpu.memref_squeeze %dma_start3A_726 : memref<1x80x128xi32, #tpu.memory_space<hbm>> -> memref<80x128xi32, #tpu.memory_space<hbm>>
      tpu.enqueue_dma source(%dma_start3A_727 : memref<80x128xi32, #tpu.memory_space<hbm>>) target(%arg8 : memref<80x128xi32, #tpu.memory_space<vmem>>) target_semaphore(%run_scoped3A : memref<!tpu.dma_semaphore, #tpu.memory_space<semaphore_mem>>)
      %dma_wait3A_728 = arith.constant 0 : i32
      %dma_wait3A_729 = arith.constant 0 : i32
      %dma_wait3A_730 = tpu.memref_slice %arg4[%arg1, %dma_wait3A_728, %dma_wait3A_729] : memref<16x160x128xi32, #tpu.memory_space<hbm>> -> memref<1x80x128xi32, #tpu.memory_space<hbm>>
      %dma_wait3A_731 = tpu.memref_squeeze %dma_wait3A_730 : memref<1x80x128xi32, #tpu.memory_space<hbm>> -> memref<80x128xi32, #tpu.memory_space<hbm>>
      %dma_wait3A_732 = arith.constant 0 : i32
      %dma_wait3A_733 = arith.constant 0 : i32
      %dma_wait3A_734 = tpu.memref_slice %arg4[%arg1, %dma_wait3A_732, %dma_wait3A_733] : memref<16x160x128xi32, #tpu.memory_space<hbm>> -> memref<1x80x128xi32, #tpu.memory_space<hbm>>
      %dma_wait3A_735 = tpu.memref_squeeze %dma_wait3A_734 : memref<1x80x128xi32, #tpu.memory_space<hbm>> -> memref<80x128xi32, #tpu.memory_space<hbm>>
      tpu.wait_dma2 semaphore(%run_scoped3A : memref<!tpu.dma_semaphore, #tpu.memory_space<semaphore_mem>>) src(%dma_wait3A_735 : memref<80x128xi32, #tpu.memory_space<hbm>>) dst(%arg8 : memref<80x128xi32, #tpu.memory_space<vmem>>)
      tpu.yield
    }) : () -> ()
    %dma_start3A = arith.constant 0 : i32
    %dma_start3A_527 = arith.constant 0 : i32
    %dma_start3A_528 = tpu.memref_slice %arg7[%dma_start3A, %dma_start3A_527] : memref<80x128xi32, #tpu.memory_space<vmem>> -> memref<1x128xi32, #tpu.memory_space<vmem>>
    %dma_start3A_529 = tpu.memref_squeeze %dma_start3A_528 : memref<1x128xi32, #tpu.memory_space<vmem>> -> memref<128xi32, #tpu.memory_space<vmem>>
    %dma_start3A_530 = arith.constant 0 : i32
    %dma_start3A_531 = arith.constant 0 : i32
    %dma_start3A_532 = tpu.memref_slice %arg2[%dma_start3A_530, %dma_start3A_531] : memref<20000x64xf32, #tpu.memory_space<hbm>> -> memref<20000x64xf32, #tpu.memory_space<hbm>>
    tpu.enqueue_indirect_dma source(%dma_start3A_532 : memref<20000x64xf32, #tpu.memory_space<hbm>>) target(%arg9 : memref<128x64xf32, #tpu.memory_space<vmem>>) offsets(%dma_start3A_529 : memref<128xi32, #tpu.memory_space<vmem>>) semaphore(%arg18 : memref<!tpu.dma_semaphore, #tpu.memory_space<semaphore_mem>>)
    %dma_start3A_533 = arith.constant 1 : i32
    %dma_start3A_534 = arith.constant 0 : i32
    %dma_start3A_535 = tpu.memref_slice %arg7[%dma_start3A_533, %dma_start3A_534] : memref<80x128xi32, #tpu.memory_space<vmem>> -> memref<1x128xi32, #tpu.memory_space<vmem>>
    %dma_start3A_536 = tpu.memref_squeeze %dma_start3A_535 : memref<1x128xi32, #tpu.memory_space<vmem>> -> memref<128xi32, #tpu.memory_space<vmem>>
    %dma_start3A_537 = arith.constant 0 : i32
    %dma_start3A_538 = arith.constant 0 : i32
    %dma_start3A_539 = tpu.memref_slice %arg2[%dma_start3A_537, %dma_start3A_538] : memref<20000x64xf32, #tpu.memory_space<hbm>> -> memref<20000x64xf32, #tpu.memory_space<hbm>>
    tpu.enqueue_indirect_dma source(%dma_start3A_539 : memref<20000x64xf32, #tpu.memory_space<hbm>>) target(%arg10 : memref<128x64xf32, #tpu.memory_space<vmem>>) offsets(%dma_start3A_536 : memref<128xi32, #tpu.memory_space<vmem>>) semaphore(%arg19 : memref<!tpu.dma_semaphore, #tpu.memory_space<semaphore_mem>>)
    %dma_start3A_540 = arith.constant 2 : i32
    %dma_start3A_541 = arith.constant 0 : i32
    %dma_start3A_542 = tpu.memref_slice %arg7[%dma_start3A_540, %dma_start3A_541] : memref<80x128xi32, #tpu.memory_space<vmem>> -> memref<1x128xi32, #tpu.memory_space<vmem>>
    %dma_start3A_543 = tpu.memref_squeeze %dma_start3A_542 : memref<1x128xi32, #tpu.memory_space<vmem>> -> memref<128xi32, #tpu.memory_space<vmem>>
    %dma_start3A_544 = arith.constant 0 : i32
    %dma_start3A_545 = arith.constant 0 : i32
    %dma_start3A_546 = tpu.memref_slice %arg2[%dma_start3A_544, %dma_start3A_545] : memref<20000x64xf32, #tpu.memory_space<hbm>> -> memref<20000x64xf32, #tpu.memory_space<hbm>>
    tpu.enqueue_indirect_dma source(%dma_start3A_546 : memref<20000x64xf32, #tpu.memory_space<hbm>>) target(%arg11 : memref<128x64xf32, #tpu.memory_space<vmem>>) offsets(%dma_start3A_543 : memref<128xi32, #tpu.memory_space<vmem>>) semaphore(%arg20 : memref<!tpu.dma_semaphore, #tpu.memory_space<semaphore_mem>>)
    %scan3A_547 = arith.constant 0 : i32
    %scan3A_548 = arith.constant 0 : i32
    %scan3A_549 = arith.constant 16 : i32
    %scan3A_550 = arith.addi %scan3A_548, %scan3A_549 : i32
    %scan3A_551 = arith.constant 1 : i32
    scf.for %scan3A_720 = %scan3A_548 to %scan3A_550 step %scan3A_551  : i32 {
      %mul3A_721 = arith.constant 5 : i32
      %mul3A_722 = arith.muli %scan3A_720, %mul3A_721 : i32
      %add3A = arith.constant 0 : i32
      %add3A_723 = arith.addi %mul3A_722, %add3A : i32
      %add3A_724 = arith.constant 3 : i32
      %add3A_725 = arith.addi %add3A_723, %add3A_724 : i32
      %lt3A = arith.constant 80 : i32
      %lt3A_726 = arith.cmpi slt, %add3A_725, %lt3A : i32
      %convert_element_type3A = arith.extui %lt3A_726 : i1 to i32
      %cond3A = arith.constant 0 : i32
      %cond3A_727 = arith.cmpi ne, %convert_element_type3A, %cond3A : i32
      scf.if %cond3A_727 {
        %ge3A = arith.constant 2 : i32
        %ge3A_854 = arith.cmpi sge, %add3A_723, %ge3A : i32
        %convert_element_type3A_855 = arith.extui %ge3A_854 : i1 to i32
        %cond3A_856 = arith.constant 0 : i32
        %cond3A_857 = arith.cmpi ne, %convert_element_type3A_855, %cond3A_856 : i32
        scf.if %cond3A_857 {
          %sub3A = arith.constant 2 : i32
          %sub3A_864 = arith.subi %add3A_723, %sub3A : i32
          %dma_wait3A_865 = arith.constant 0 : i32
          %dma_wait3A_866 = tpu.memref_slice %arg8[%sub3A_864, %dma_wait3A_865] : memref<80x128xi32, #tpu.memory_space<vmem>> -> memref<1x128xi32, #tpu.memory_space<vmem>>
          %dma_wait3A_867 = tpu.memref_squeeze %dma_wait3A_866 : memref<1x128xi32, #tpu.memory_space<vmem>> -> memref<128xi32, #tpu.memory_space<vmem>>
          %dma_wait3A_868 = arith.constant 0 : i32
          %dma_wait3A_869 = arith.constant 0 : i32
          %dma_wait3A_870 = tpu.memref_slice %arg16[%dma_wait3A_868, %dma_wait3A_869] : memref<10240x64xf32, #tpu.memory_space<vmem_shared>> -> memref<10240x64xf32, #tpu.memory_space<vmem_shared>>
          tpu.wait_indirect_dma semaphore(%arg26 : memref<!tpu.dma_semaphore, #tpu.memory_space<semaphore_mem>>) src(%arg12 : memref<128x64xf32, #tpu.memory_space<vmem>>) dst(%dma_wait3A_870 : memref<10240x64xf32, #tpu.memory_space<vmem_shared>>)
          %sub3A_871 = arith.constant 2 : i32
          %sub3A_872 = arith.subi %add3A_723, %sub3A_871 : i32
          %dma_wait3A_873 = arith.constant 0 : i32
          %dma_wait3A_874 = tpu.memref_slice %arg8[%sub3A_872, %dma_wait3A_873] : memref<80x128xi32, #tpu.memory_space<vmem>> -> memref<1x128xi32, #tpu.memory_space<vmem>>
          %dma_wait3A_875 = tpu.memref_squeeze %dma_wait3A_874 : memref<1x128xi32, #tpu.memory_space<vmem>> -> memref<128xi32, #tpu.memory_space<vmem>>
          %dma_wait3A_876 = arith.constant 0 : i32
          %dma_wait3A_877 = arith.constant 0 : i32
          %dma_wait3A_878 = tpu.memref_slice %arg17[%dma_wait3A_876, %dma_wait3A_877] : memref<10240x16xf32, #tpu.memory_space<vmem_shared>> -> memref<10240x16xf32, #tpu.memory_space<vmem_shared>>
          tpu.wait_indirect_dma semaphore(%arg26 : memref<!tpu.dma_semaphore, #tpu.memory_space<semaphore_mem>>) src(%arg14 : memref<128x16xf32, #tpu.memory_space<vmem>>) dst(%dma_wait3A_878 : memref<10240x16xf32, #tpu.memory_space<vmem_shared>>)
        } else {
        }
        %dma_start3A_858 = arith.constant 0 : i32
        %dma_start3A_859 = tpu.memref_slice %arg7[%add3A_725, %dma_start3A_858] : memref<80x128xi32, #tpu.memory_space<vmem>> -> memref<1x128xi32, #tpu.memory_space<vmem>>
        %dma_start3A_860 = tpu.memref_squeeze %dma_start3A_859 : memref<1x128xi32, #tpu.memory_space<vmem>> -> memref<128xi32, #tpu.memory_space<vmem>>
        %dma_start3A_861 = arith.constant 0 : i32
        %dma_start3A_862 = arith.constant 0 : i32
        %dma_start3A_863 = tpu.memref_slice %arg2[%dma_start3A_861, %dma_start3A_862] : memref<20000x64xf32, #tpu.memory_space<hbm>> -> memref<20000x64xf32, #tpu.memory_space<hbm>>
        tpu.enqueue_indirect_dma source(%dma_start3A_863 : memref<20000x64xf32, #tpu.memory_space<hbm>>) target(%arg12 : memref<128x64xf32, #tpu.memory_space<vmem>>) offsets(%dma_start3A_860 : memref<128xi32, #tpu.memory_space<vmem>>) semaphore(%arg21 : memref<!tpu.dma_semaphore, #tpu.memory_space<semaphore_mem>>)
      } else {
      }
      %dma_wait3A_728 = arith.constant 0 : i32
      %dma_wait3A_729 = tpu.memref_slice %arg7[%add3A_723, %dma_wait3A_728] : memref<80x128xi32, #tpu.memory_space<vmem>> -> memref<1x128xi32, #tpu.memory_space<vmem>>
      %dma_wait3A_730 = tpu.memref_squeeze %dma_wait3A_729 : memref<1x128xi32, #tpu.memory_space<vmem>> -> memref<128xi32, #tpu.memory_space<vmem>>
      %dma_wait3A_731 = arith.constant 0 : i32
      %dma_wait3A_732 = arith.constant 0 : i32
      %dma_wait3A_733 = tpu.memref_slice %arg2[%dma_wait3A_731, %dma_wait3A_732] : memref<20000x64xf32, #tpu.memory_space<hbm>> -> memref<20000x64xf32, #tpu.memory_space<hbm>>
      tpu.wait_indirect_dma semaphore(%arg18 : memref<!tpu.dma_semaphore, #tpu.memory_space<semaphore_mem>>) src(%dma_wait3A_733 : memref<20000x64xf32, #tpu.memory_space<hbm>>) dst(%arg9 : memref<128x64xf32, #tpu.memory_space<vmem>>)
      %dma_start3A_734 = arith.constant 0 : i32
      %dma_start3A_735 = tpu.memref_slice %arg8[%add3A_723, %dma_start3A_734] : memref<80x128xi32, #tpu.memory_space<vmem>> -> memref<1x128xi32, #tpu.memory_space<vmem>>
      %dma_start3A_736 = tpu.memref_squeeze %dma_start3A_735 : memref<1x128xi32, #tpu.memory_space<vmem>> -> memref<128xi32, #tpu.memory_space<vmem>>
      %dma_start3A_737 = arith.constant 0 : i32
      %dma_start3A_738 = arith.constant 0 : i32
      %dma_start3A_739 = tpu.memref_slice %arg16[%dma_start3A_737, %dma_start3A_738] : memref<10240x64xf32, #tpu.memory_space<vmem_shared>> -> memref<10240x64xf32, #tpu.memory_space<vmem_shared>>
      tpu.enqueue_indirect_dma source(%arg9 : memref<128x64xf32, #tpu.memory_space<vmem>>) target(%dma_start3A_739 : memref<10240x64xf32, #tpu.memory_space<vmem_shared>>) offsets(%dma_start3A_736 : memref<128xi32, #tpu.memory_space<vmem>>) semaphore(%arg23 : memref<!tpu.dma_semaphore, #tpu.memory_space<semaphore_mem>>) {add = true}
      %dma_start3A_740 = arith.constant 0 : i32
      %dma_start3A_741 = tpu.memref_slice %arg8[%add3A_723, %dma_start3A_740] : memref<80x128xi32, #tpu.memory_space<vmem>> -> memref<1x128xi32, #tpu.memory_space<vmem>>
      %dma_start3A_742 = tpu.memref_squeeze %dma_start3A_741 : memref<1x128xi32, #tpu.memory_space<vmem>> -> memref<128xi32, #tpu.memory_space<vmem>>
      %dma_start3A_743 = arith.constant 0 : i32
      %dma_start3A_744 = arith.constant 0 : i32
      %dma_start3A_745 = tpu.memref_slice %arg17[%dma_start3A_743, %dma_start3A_744] : memref<10240x16xf32, #tpu.memory_space<vmem_shared>> -> memref<10240x16xf32, #tpu.memory_space<vmem_shared>>
      tpu.enqueue_indirect_dma source(%arg14 : memref<128x16xf32, #tpu.memory_space<vmem>>) target(%dma_start3A_745 : memref<10240x16xf32, #tpu.memory_space<vmem_shared>>) offsets(%dma_start3A_742 : memref<128xi32, #tpu.memory_space<vmem>>) semaphore(%arg23 : memref<!tpu.dma_semaphore, #tpu.memory_space<semaphore_mem>>) {add = true}
      %add3A_746 = arith.constant 1 : i32
      %add3A_747 = arith.addi %mul3A_722, %add3A_746 : i32
      %add3A_748 = arith.constant 3 : i32
      %add3A_749 = arith.addi %add3A_747, %add3A_748 : i32
      %lt3A_750 = arith.constant 80 : i32
      %lt3A_751 = arith.cmpi slt, %add3A_749, %lt3A_750 : i32
      %convert_element_type3A_752 = arith.extui %lt3A_751 : i1 to i32
      %cond3A_753 = arith.constant 0 : i32
      %cond3A_754 = arith.cmpi ne, %convert_element_type3A_752, %cond3A_753 : i32
      scf.if %cond3A_754 {
        %ge3A = arith.constant 2 : i32
        %ge3A_854 = arith.cmpi sge, %add3A_747, %ge3A : i32
        %convert_element_type3A_855 = arith.extui %ge3A_854 : i1 to i32
        %cond3A_856 = arith.constant 0 : i32
        %cond3A_857 = arith.cmpi ne, %convert_element_type3A_855, %cond3A_856 : i32
        scf.if %cond3A_857 {
          %sub3A = arith.constant 2 : i32
          %sub3A_864 = arith.subi %add3A_747, %sub3A : i32
          %dma_wait3A_865 = arith.constant 0 : i32
          %dma_wait3A_866 = tpu.memref_slice %arg8[%sub3A_864, %dma_wait3A_865] : memref<80x128xi32, #tpu.memory_space<vmem>> -> memref<1x128xi32, #tpu.memory_space<vmem>>
          %dma_wait3A_867 = tpu.memref_squeeze %dma_wait3A_866 : memref<1x128xi32, #tpu.memory_space<vmem>> -> memref<128xi32, #tpu.memory_space<vmem>>
          %dma_wait3A_868 = arith.constant 0 : i32
          %dma_wait3A_869 = arith.constant 0 : i32
          %dma_wait3A_870 = tpu.memref_slice %arg16[%dma_wait3A_868, %dma_wait3A_869] : memref<10240x64xf32, #tpu.memory_space<vmem_shared>> -> memref<10240x64xf32, #tpu.memory_space<vmem_shared>>
          tpu.wait_indirect_dma semaphore(%arg27 : memref<!tpu.dma_semaphore, #tpu.memory_space<semaphore_mem>>) src(%arg13 : memref<128x64xf32, #tpu.memory_space<vmem>>) dst(%dma_wait3A_870 : memref<10240x64xf32, #tpu.memory_space<vmem_shared>>)
          %sub3A_871 = arith.constant 2 : i32
          %sub3A_872 = arith.subi %add3A_747, %sub3A_871 : i32
          %dma_wait3A_873 = arith.constant 0 : i32
          %dma_wait3A_874 = tpu.memref_slice %arg8[%sub3A_872, %dma_wait3A_873] : memref<80x128xi32, #tpu.memory_space<vmem>> -> memref<1x128xi32, #tpu.memory_space<vmem>>
          %dma_wait3A_875 = tpu.memref_squeeze %dma_wait3A_874 : memref<1x128xi32, #tpu.memory_space<vmem>> -> memref<128xi32, #tpu.memory_space<vmem>>
          %dma_wait3A_876 = arith.constant 0 : i32
          %dma_wait3A_877 = arith.constant 0 : i32
          %dma_wait3A_878 = tpu.memref_slice %arg17[%dma_wait3A_876, %dma_wait3A_877] : memref<10240x16xf32, #tpu.memory_space<vmem_shared>> -> memref<10240x16xf32, #tpu.memory_space<vmem_shared>>
          tpu.wait_indirect_dma semaphore(%arg27 : memref<!tpu.dma_semaphore, #tpu.memory_space<semaphore_mem>>) src(%arg14 : memref<128x16xf32, #tpu.memory_space<vmem>>) dst(%dma_wait3A_878 : memref<10240x16xf32, #tpu.memory_space<vmem_shared>>)
        } else {
        }
        %dma_start3A_858 = arith.constant 0 : i32
        %dma_start3A_859 = tpu.memref_slice %arg7[%add3A_749, %dma_start3A_858] : memref<80x128xi32, #tpu.memory_space<vmem>> -> memref<1x128xi32, #tpu.memory_space<vmem>>
        %dma_start3A_860 = tpu.memref_squeeze %dma_start3A_859 : memref<1x128xi32, #tpu.memory_space<vmem>> -> memref<128xi32, #tpu.memory_space<vmem>>
        %dma_start3A_861 = arith.constant 0 : i32
        %dma_start3A_862 = arith.constant 0 : i32
        %dma_start3A_863 = tpu.memref_slice %arg2[%dma_start3A_861, %dma_start3A_862] : memref<20000x64xf32, #tpu.memory_space<hbm>> -> memref<20000x64xf32, #tpu.memory_space<hbm>>
        tpu.enqueue_indirect_dma source(%dma_start3A_863 : memref<20000x64xf32, #tpu.memory_space<hbm>>) target(%arg13 : memref<128x64xf32, #tpu.memory_space<vmem>>) offsets(%dma_start3A_860 : memref<128xi32, #tpu.memory_space<vmem>>) semaphore(%arg22 : memref<!tpu.dma_semaphore, #tpu.memory_space<semaphore_mem>>)
      } else {
      }
      %dma_wait3A_755 = arith.constant 0 : i32
      %dma_wait3A_756 = tpu.memref_slice %arg7[%add3A_747, %dma_wait3A_755] : memref<80x128xi32, #tpu.memory_space<vmem>> -> memref<1x128xi32, #tpu.memory_space<vmem>>
      %dma_wait3A_757 = tpu.memref_squeeze %dma_wait3A_756 : memref<1x128xi32, #tpu.memory_space<vmem>> -> memref<128xi32, #tpu.memory_space<vmem>>
      %dma_wait3A_758 = arith.constant 0 : i32
      %dma_wait3A_759 = arith.constant 0 : i32
      %dma_wait3A_760 = tpu.memref_slice %arg2[%dma_wait3A_758, %dma_wait3A_759] : memref<20000x64xf32, #tpu.memory_space<hbm>> -> memref<20000x64xf32, #tpu.memory_space<hbm>>
      tpu.wait_indirect_dma semaphore(%arg19 : memref<!tpu.dma_semaphore, #tpu.memory_space<semaphore_mem>>) src(%dma_wait3A_760 : memref<20000x64xf32, #tpu.memory_space<hbm>>) dst(%arg10 : memref<128x64xf32, #tpu.memory_space<vmem>>)
      %dma_start3A_761 = arith.constant 0 : i32
      %dma_start3A_762 = tpu.memref_slice %arg8[%add3A_747, %dma_start3A_761] : memref<80x128xi32, #tpu.memory_space<vmem>> -> memref<1x128xi32, #tpu.memory_space<vmem>>
      %dma_start3A_763 = tpu.memref_squeeze %dma_start3A_762 : memref<1x128xi32, #tpu.memory_space<vmem>> -> memref<128xi32, #tpu.memory_space<vmem>>
      %dma_start3A_764 = arith.constant 0 : i32
      %dma_start3A_765 = arith.constant 0 : i32
      %dma_start3A_766 = tpu.memref_slice %arg16[%dma_start3A_764, %dma_start3A_765] : memref<10240x64xf32, #tpu.memory_space<vmem_shared>> -> memref<10240x64xf32, #tpu.memory_space<vmem_shared>>
      tpu.enqueue_indirect_dma source(%arg10 : memref<128x64xf32, #tpu.memory_space<vmem>>) target(%dma_start3A_766 : memref<10240x64xf32, #tpu.memory_space<vmem_shared>>) offsets(%dma_start3A_763 : memref<128xi32, #tpu.memory_space<vmem>>) semaphore(%arg24 : memref<!tpu.dma_semaphore, #tpu.memory_space<semaphore_mem>>) {add = true}
      %dma_start3A_767 = arith.constant 0 : i32
      %dma_start3A_768 = tpu.memref_slice %arg8[%add3A_747, %dma_start3A_767] : memref<80x128xi32, #tpu.memory_space<vmem>> -> memref<1x128xi32, #tpu.memory_space<vmem>>
      %dma_start3A_769 = tpu.memref_squeeze %dma_start3A_768 : memref<1x128xi32, #tpu.memory_space<vmem>> -> memref<128xi32, #tpu.memory_space<vmem>>
      %dma_start3A_770 = arith.constant 0 : i32
      %dma_start3A_771 = arith.constant 0 : i32
      %dma_start3A_772 = tpu.memref_slice %arg17[%dma_start3A_770, %dma_start3A_771] : memref<10240x16xf32, #tpu.memory_space<vmem_shared>> -> memref<10240x16xf32, #tpu.memory_space<vmem_shared>>
      tpu.enqueue_indirect_dma source(%arg14 : memref<128x16xf32, #tpu.memory_space<vmem>>) target(%dma_start3A_772 : memref<10240x16xf32, #tpu.memory_space<vmem_shared>>) offsets(%dma_start3A_769 : memref<128xi32, #tpu.memory_space<vmem>>) semaphore(%arg24 : memref<!tpu.dma_semaphore, #tpu.memory_space<semaphore_mem>>) {add = true}
      %add3A_773 = arith.constant 2 : i32
      %add3A_774 = arith.addi %mul3A_722, %add3A_773 : i32
      %add3A_775 = arith.constant 3 : i32
      %add3A_776 = arith.addi %add3A_774, %add3A_775 : i32
      %lt3A_777 = arith.constant 80 : i32
      %lt3A_778 = arith.cmpi slt, %add3A_776, %lt3A_777 : i32
      %convert_element_type3A_779 = arith.extui %lt3A_778 : i1 to i32
      %cond3A_780 = arith.constant 0 : i32
      %cond3A_781 = arith.cmpi ne, %convert_element_type3A_779, %cond3A_780 : i32
      scf.if %cond3A_781 {
        %ge3A = arith.constant 2 : i32
        %ge3A_854 = arith.cmpi sge, %add3A_774, %ge3A : i32
        %convert_element_type3A_855 = arith.extui %ge3A_854 : i1 to i32
        %cond3A_856 = arith.constant 0 : i32
        %cond3A_857 = arith.cmpi ne, %convert_element_type3A_855, %cond3A_856 : i32
        scf.if %cond3A_857 {
          %sub3A = arith.constant 2 : i32
          %sub3A_864 = arith.subi %add3A_774, %sub3A : i32
          %dma_wait3A_865 = arith.constant 0 : i32
          %dma_wait3A_866 = tpu.memref_slice %arg8[%sub3A_864, %dma_wait3A_865] : memref<80x128xi32, #tpu.memory_space<vmem>> -> memref<1x128xi32, #tpu.memory_space<vmem>>
          %dma_wait3A_867 = tpu.memref_squeeze %dma_wait3A_866 : memref<1x128xi32, #tpu.memory_space<vmem>> -> memref<128xi32, #tpu.memory_space<vmem>>
          %dma_wait3A_868 = arith.constant 0 : i32
          %dma_wait3A_869 = arith.constant 0 : i32
          %dma_wait3A_870 = tpu.memref_slice %arg16[%dma_wait3A_868, %dma_wait3A_869] : memref<10240x64xf32, #tpu.memory_space<vmem_shared>> -> memref<10240x64xf32, #tpu.memory_space<vmem_shared>>
          tpu.wait_indirect_dma semaphore(%arg23 : memref<!tpu.dma_semaphore, #tpu.memory_space<semaphore_mem>>) src(%arg9 : memref<128x64xf32, #tpu.memory_space<vmem>>) dst(%dma_wait3A_870 : memref<10240x64xf32, #tpu.memory_space<vmem_shared>>)
          %sub3A_871 = arith.constant 2 : i32
          %sub3A_872 = arith.subi %add3A_774, %sub3A_871 : i32
          %dma_wait3A_873 = arith.constant 0 : i32
          %dma_wait3A_874 = tpu.memref_slice %arg8[%sub3A_872, %dma_wait3A_873] : memref<80x128xi32, #tpu.memory_space<vmem>> -> memref<1x128xi32, #tpu.memory_space<vmem>>
          %dma_wait3A_875 = tpu.memref_squeeze %dma_wait3A_874 : memref<1x128xi32, #tpu.memory_space<vmem>> -> memref<128xi32, #tpu.memory_space<vmem>>
          %dma_wait3A_876 = arith.constant 0 : i32
          %dma_wait3A_877 = arith.constant 0 : i32
          %dma_wait3A_878 = tpu.memref_slice %arg17[%dma_wait3A_876, %dma_wait3A_877] : memref<10240x16xf32, #tpu.memory_space<vmem_shared>> -> memref<10240x16xf32, #tpu.memory_space<vmem_shared>>
          tpu.wait_indirect_dma semaphore(%arg23 : memref<!tpu.dma_semaphore, #tpu.memory_space<semaphore_mem>>) src(%arg14 : memref<128x16xf32, #tpu.memory_space<vmem>>) dst(%dma_wait3A_878 : memref<10240x16xf32, #tpu.memory_space<vmem_shared>>)
        } else {
        }
        %dma_start3A_858 = arith.constant 0 : i32
        %dma_start3A_859 = tpu.memref_slice %arg7[%add3A_776, %dma_start3A_858] : memref<80x128xi32, #tpu.memory_space<vmem>> -> memref<1x128xi32, #tpu.memory_space<vmem>>
        %dma_start3A_860 = tpu.memref_squeeze %dma_start3A_859 : memref<1x128xi32, #tpu.memory_space<vmem>> -> memref<128xi32, #tpu.memory_space<vmem>>
        %dma_start3A_861 = arith.constant 0 : i32
        %dma_start3A_862 = arith.constant 0 : i32
        %dma_start3A_863 = tpu.memref_slice %arg2[%dma_start3A_861, %dma_start3A_862] : memref<20000x64xf32, #tpu.memory_space<hbm>> -> memref<20000x64xf32, #tpu.memory_space<hbm>>
        tpu.enqueue_indirect_dma source(%dma_start3A_863 : memref<20000x64xf32, #tpu.memory_space<hbm>>) target(%arg9 : memref<128x64xf32, #tpu.memory_space<vmem>>) offsets(%dma_start3A_860 : memref<128xi32, #tpu.memory_space<vmem>>) semaphore(%arg18 : memref<!tpu.dma_semaphore, #tpu.memory_space<semaphore_mem>>)
      } else {
      }
      %dma_wait3A_782 = arith.constant 0 : i32
      %dma_wait3A_783 = tpu.memref_slice %arg7[%add3A_774, %dma_wait3A_782] : memref<80x128xi32, #tpu.memory_space<vmem>> -> memref<1x128xi32, #tpu.memory_space<vmem>>
      %dma_wait3A_784 = tpu.memref_squeeze %dma_wait3A_783 : memref<1x128xi32, #tpu.memory_space<vmem>> -> memref<128xi32, #tpu.memory_space<vmem>>
      %dma_wait3A_785 = arith.constant 0 : i32
      %dma_wait3A_786 = arith.constant 0 : i32
      %dma_wait3A_787 = tpu.memref_slice %arg2[%dma_wait3A_785, %dma_wait3A_786] : memref<20000x64xf32, #tpu.memory_space<hbm>> -> memref<20000x64xf32, #tpu.memory_space<hbm>>
      tpu.wait_indirect_dma semaphore(%arg20 : memref<!tpu.dma_semaphore, #tpu.memory_space<semaphore_mem>>) src(%dma_wait3A_787 : memref<20000x64xf32, #tpu.memory_space<hbm>>) dst(%arg11 : memref<128x64xf32, #tpu.memory_space<vmem>>)
      %dma_start3A_788 = arith.constant 0 : i32
      %dma_start3A_789 = tpu.memref_slice %arg8[%add3A_774, %dma_start3A_788] : memref<80x128xi32, #tpu.memory_space<vmem>> -> memref<1x128xi32, #tpu.memory_space<vmem>>
      %dma_start3A_790 = tpu.memref_squeeze %dma_start3A_789 : memref<1x128xi32, #tpu.memory_space<vmem>> -> memref<128xi32, #tpu.memory_space<vmem>>
      %dma_start3A_791 = arith.constant 0 : i32
      %dma_start3A_792 = arith.constant 0 : i32
      %dma_start3A_793 = tpu.memref_slice %arg16[%dma_start3A_791, %dma_start3A_792] : memref<10240x64xf32, #tpu.memory_space<vmem_shared>> -> memref<10240x64xf32, #tpu.memory_space<vmem_shared>>
      tpu.enqueue_indirect_dma source(%arg11 : memref<128x64xf32, #tpu.memory_space<vmem>>) target(%dma_start3A_793 : memref<10240x64xf32, #tpu.memory_space<vmem_shared>>) offsets(%dma_start3A_790 : memref<128xi32, #tpu.memory_space<vmem>>) semaphore(%arg25 : memref<!tpu.dma_semaphore, #tpu.memory_space<semaphore_mem>>) {add = true}
      %dma_start3A_794 = arith.constant 0 : i32
      %dma_start3A_795 = tpu.memref_slice %arg8[%add3A_774, %dma_start3A_794] : memref<80x128xi32, #tpu.memory_space<vmem>> -> memref<1x128xi32, #tpu.memory_space<vmem>>
      %dma_start3A_796 = tpu.memref_squeeze %dma_start3A_795 : memref<1x128xi32, #tpu.memory_space<vmem>> -> memref<128xi32, #tpu.memory_space<vmem>>
      %dma_start3A_797 = arith.constant 0 : i32
      %dma_start3A_798 = arith.constant 0 : i32
      %dma_start3A_799 = tpu.memref_slice %arg17[%dma_start3A_797, %dma_start3A_798] : memref<10240x16xf32, #tpu.memory_space<vmem_shared>> -> memref<10240x16xf32, #tpu.memory_space<vmem_shared>>
      tpu.enqueue_indirect_dma source(%arg14 : memref<128x16xf32, #tpu.memory_space<vmem>>) target(%dma_start3A_799 : memref<10240x16xf32, #tpu.memory_space<vmem_shared>>) offsets(%dma_start3A_796 : memref<128xi32, #tpu.memory_space<vmem>>) semaphore(%arg25 : memref<!tpu.dma_semaphore, #tpu.memory_space<semaphore_mem>>) {add = true}
      %add3A_800 = arith.constant 3 : i32
      %add3A_801 = arith.addi %mul3A_722, %add3A_800 : i32
      %add3A_802 = arith.constant 3 : i32
      %add3A_803 = arith.addi %add3A_801, %add3A_802 : i32
      %lt3A_804 = arith.constant 80 : i32
      %lt3A_805 = arith.cmpi slt, %add3A_803, %lt3A_804 : i32
      %convert_element_type3A_806 = arith.extui %lt3A_805 : i1 to i32
      %cond3A_807 = arith.constant 0 : i32
      %cond3A_808 = arith.cmpi ne, %convert_element_type3A_806, %cond3A_807 : i32
      scf.if %cond3A_808 {
        %ge3A = arith.constant 2 : i32
        %ge3A_854 = arith.cmpi sge, %add3A_801, %ge3A : i32
        %convert_element_type3A_855 = arith.extui %ge3A_854 : i1 to i32
        %cond3A_856 = arith.constant 0 : i32
        %cond3A_857 = arith.cmpi ne, %convert_element_type3A_855, %cond3A_856 : i32
        scf.if %cond3A_857 {
          %sub3A = arith.constant 2 : i32
          %sub3A_864 = arith.subi %add3A_801, %sub3A : i32
          %dma_wait3A_865 = arith.constant 0 : i32
          %dma_wait3A_866 = tpu.memref_slice %arg8[%sub3A_864, %dma_wait3A_865] : memref<80x128xi32, #tpu.memory_space<vmem>> -> memref<1x128xi32, #tpu.memory_space<vmem>>
          %dma_wait3A_867 = tpu.memref_squeeze %dma_wait3A_866 : memref<1x128xi32, #tpu.memory_space<vmem>> -> memref<128xi32, #tpu.memory_space<vmem>>
          %dma_wait3A_868 = arith.constant 0 : i32
          %dma_wait3A_869 = arith.constant 0 : i32
          %dma_wait3A_870 = tpu.memref_slice %arg16[%dma_wait3A_868, %dma_wait3A_869] : memref<10240x64xf32, #tpu.memory_space<vmem_shared>> -> memref<10240x64xf32, #tpu.memory_space<vmem_shared>>
          tpu.wait_indirect_dma semaphore(%arg24 : memref<!tpu.dma_semaphore, #tpu.memory_space<semaphore_mem>>) src(%arg10 : memref<128x64xf32, #tpu.memory_space<vmem>>) dst(%dma_wait3A_870 : memref<10240x64xf32, #tpu.memory_space<vmem_shared>>)
          %sub3A_871 = arith.constant 2 : i32
          %sub3A_872 = arith.subi %add3A_801, %sub3A_871 : i32
          %dma_wait3A_873 = arith.constant 0 : i32
          %dma_wait3A_874 = tpu.memref_slice %arg8[%sub3A_872, %dma_wait3A_873] : memref<80x128xi32, #tpu.memory_space<vmem>> -> memref<1x128xi32, #tpu.memory_space<vmem>>
          %dma_wait3A_875 = tpu.memref_squeeze %dma_wait3A_874 : memref<1x128xi32, #tpu.memory_space<vmem>> -> memref<128xi32, #tpu.memory_space<vmem>>
          %dma_wait3A_876 = arith.constant 0 : i32
          %dma_wait3A_877 = arith.constant 0 : i32
          %dma_wait3A_878 = tpu.memref_slice %arg17[%dma_wait3A_876, %dma_wait3A_877] : memref<10240x16xf32, #tpu.memory_space<vmem_shared>> -> memref<10240x16xf32, #tpu.memory_space<vmem_shared>>
          tpu.wait_indirect_dma semaphore(%arg24 : memref<!tpu.dma_semaphore, #tpu.memory_space<semaphore_mem>>) src(%arg14 : memref<128x16xf32, #tpu.memory_space<vmem>>) dst(%dma_wait3A_878 : memref<10240x16xf32, #tpu.memory_space<vmem_shared>>)
        } else {
        }
        %dma_start3A_858 = arith.constant 0 : i32
        %dma_start3A_859 = tpu.memref_slice %arg7[%add3A_803, %dma_start3A_858] : memref<80x128xi32, #tpu.memory_space<vmem>> -> memref<1x128xi32, #tpu.memory_space<vmem>>
        %dma_start3A_860 = tpu.memref_squeeze %dma_start3A_859 : memref<1x128xi32, #tpu.memory_space<vmem>> -> memref<128xi32, #tpu.memory_space<vmem>>
        %dma_start3A_861 = arith.constant 0 : i32
        %dma_start3A_862 = arith.constant 0 : i32
        %dma_start3A_863 = tpu.memref_slice %arg2[%dma_start3A_861, %dma_start3A_862] : memref<20000x64xf32, #tpu.memory_space<hbm>> -> memref<20000x64xf32, #tpu.memory_space<hbm>>
        tpu.enqueue_indirect_dma source(%dma_start3A_863 : memref<20000x64xf32, #tpu.memory_space<hbm>>) target(%arg10 : memref<128x64xf32, #tpu.memory_space<vmem>>) offsets(%dma_start3A_860 : memref<128xi32, #tpu.memory_space<vmem>>) semaphore(%arg19 : memref<!tpu.dma_semaphore, #tpu.memory_space<semaphore_mem>>)
      } else {
      }
      %dma_wait3A_809 = arith.constant 0 : i32
      %dma_wait3A_810 = tpu.memref_slice %arg7[%add3A_801, %dma_wait3A_809] : memref<80x128xi32, #tpu.memory_space<vmem>> -> memref<1x128xi32, #tpu.memory_space<vmem>>
      %dma_wait3A_811 = tpu.memref_squeeze %dma_wait3A_810 : memref<1x128xi32, #tpu.memory_space<vmem>> -> memref<128xi32, #tpu.memory_space<vmem>>
      %dma_wait3A_812 = arith.constant 0 : i32
      %dma_wait3A_813 = arith.constant 0 : i32
      %dma_wait3A_814 = tpu.memref_slice %arg2[%dma_wait3A_812, %dma_wait3A_813] : memref<20000x64xf32, #tpu.memory_space<hbm>> -> memref<20000x64xf32, #tpu.memory_space<hbm>>
      tpu.wait_indirect_dma semaphore(%arg21 : memref<!tpu.dma_semaphore, #tpu.memory_space<semaphore_mem>>) src(%dma_wait3A_814 : memref<20000x64xf32, #tpu.memory_space<hbm>>) dst(%arg12 : memref<128x64xf32, #tpu.memory_space<vmem>>)
      %dma_start3A_815 = arith.constant 0 : i32
      %dma_start3A_816 = tpu.memref_slice %arg8[%add3A_801, %dma_start3A_815] : memref<80x128xi32, #tpu.memory_space<vmem>> -> memref<1x128xi32, #tpu.memory_space<vmem>>
      %dma_start3A_817 = tpu.memref_squeeze %dma_start3A_816 : memref<1x128xi32, #tpu.memory_space<vmem>> -> memref<128xi32, #tpu.memory_space<vmem>>
      %dma_start3A_818 = arith.constant 0 : i32
      %dma_start3A_819 = arith.constant 0 : i32
      %dma_start3A_820 = tpu.memref_slice %arg16[%dma_start3A_818, %dma_start3A_819] : memref<10240x64xf32, #tpu.memory_space<vmem_shared>> -> memref<10240x64xf32, #tpu.memory_space<vmem_shared>>
      tpu.enqueue_indirect_dma source(%arg12 : memref<128x64xf32, #tpu.memory_space<vmem>>) target(%dma_start3A_820 : memref<10240x64xf32, #tpu.memory_space<vmem_shared>>) offsets(%dma_start3A_817 : memref<128xi32, #tpu.memory_space<vmem>>) semaphore(%arg26 : memref<!tpu.dma_semaphore, #tpu.memory_space<semaphore_mem>>) {add = true}
      %dma_start3A_821 = arith.constant 0 : i32
      %dma_start3A_822 = tpu.memref_slice %arg8[%add3A_801, %dma_start3A_821] : memref<80x128xi32, #tpu.memory_space<vmem>> -> memref<1x128xi32, #tpu.memory_space<vmem>>
      %dma_start3A_823 = tpu.memref_squeeze %dma_start3A_822 : memref<1x128xi32, #tpu.memory_space<vmem>> -> memref<128xi32, #tpu.memory_space<vmem>>
      %dma_start3A_824 = arith.constant 0 : i32
      %dma_start3A_825 = arith.constant 0 : i32
      %dma_start3A_826 = tpu.memref_slice %arg17[%dma_start3A_824, %dma_start3A_825] : memref<10240x16xf32, #tpu.memory_space<vmem_shared>> -> memref<10240x16xf32, #tpu.memory_space<vmem_shared>>
      tpu.enqueue_indirect_dma source(%arg14 : memref<128x16xf32, #tpu.memory_space<vmem>>) target(%dma_start3A_826 : memref<10240x16xf32, #tpu.memory_space<vmem_shared>>) offsets(%dma_start3A_823 : memref<128xi32, #tpu.memory_space<vmem>>) semaphore(%arg26 : memref<!tpu.dma_semaphore, #tpu.memory_space<semaphore_mem>>) {add = true}
      %add3A_827 = arith.constant 4 : i32
      %add3A_828 = arith.addi %mul3A_722, %add3A_827 : i32
      %add3A_829 = arith.constant 3 : i32
      %add3A_830 = arith.addi %add3A_828, %add3A_829 : i32
      %lt3A_831 = arith.constant 80 : i32
      %lt3A_832 = arith.cmpi slt, %add3A_830, %lt3A_831 : i32
      %convert_element_type3A_833 = arith.extui %lt3A_832 : i1 to i32
      %cond3A_834 = arith.constant 0 : i32
      %cond3A_835 = arith.cmpi ne, %convert_element_type3A_833, %cond3A_834 : i32
      scf.if %cond3A_835 {
        %ge3A = arith.constant 2 : i32
        %ge3A_854 = arith.cmpi sge, %add3A_828, %ge3A : i32
        %convert_element_type3A_855 = arith.extui %ge3A_854 : i1 to i32
        %cond3A_856 = arith.constant 0 : i32
        %cond3A_857 = arith.cmpi ne, %convert_element_type3A_855, %cond3A_856 : i32
        scf.if %cond3A_857 {
          %sub3A = arith.constant 2 : i32
          %sub3A_864 = arith.subi %add3A_828, %sub3A : i32
          %dma_wait3A_865 = arith.constant 0 : i32
          %dma_wait3A_866 = tpu.memref_slice %arg8[%sub3A_864, %dma_wait3A_865] : memref<80x128xi32, #tpu.memory_space<vmem>> -> memref<1x128xi32, #tpu.memory_space<vmem>>
          %dma_wait3A_867 = tpu.memref_squeeze %dma_wait3A_866 : memref<1x128xi32, #tpu.memory_space<vmem>> -> memref<128xi32, #tpu.memory_space<vmem>>
          %dma_wait3A_868 = arith.constant 0 : i32
          %dma_wait3A_869 = arith.constant 0 : i32
          %dma_wait3A_870 = tpu.memref_slice %arg16[%dma_wait3A_868, %dma_wait3A_869] : memref<10240x64xf32, #tpu.memory_space<vmem_shared>> -> memref<10240x64xf32, #tpu.memory_space<vmem_shared>>
          tpu.wait_indirect_dma semaphore(%arg25 : memref<!tpu.dma_semaphore, #tpu.memory_space<semaphore_mem>>) src(%arg11 : memref<128x64xf32, #tpu.memory_space<vmem>>) dst(%dma_wait3A_870 : memref<10240x64xf32, #tpu.memory_space<vmem_shared>>)
          %sub3A_871 = arith.constant 2 : i32
          %sub3A_872 = arith.subi %add3A_828, %sub3A_871 : i32
          %dma_wait3A_873 = arith.constant 0 : i32
          %dma_wait3A_874 = tpu.memref_slice %arg8[%sub3A_872, %dma_wait3A_873] : memref<80x128xi32, #tpu.memory_space<vmem>> -> memref<1x128xi32, #tpu.memory_space<vmem>>
          %dma_wait3A_875 = tpu.memref_squeeze %dma_wait3A_874 : memref<1x128xi32, #tpu.memory_space<vmem>> -> memref<128xi32, #tpu.memory_space<vmem>>
          %dma_wait3A_876 = arith.constant 0 : i32
          %dma_wait3A_877 = arith.constant 0 : i32
          %dma_wait3A_878 = tpu.memref_slice %arg17[%dma_wait3A_876, %dma_wait3A_877] : memref<10240x16xf32, #tpu.memory_space<vmem_shared>> -> memref<10240x16xf32, #tpu.memory_space<vmem_shared>>
          tpu.wait_indirect_dma semaphore(%arg25 : memref<!tpu.dma_semaphore, #tpu.memory_space<semaphore_mem>>) src(%arg14 : memref<128x16xf32, #tpu.memory_space<vmem>>) dst(%dma_wait3A_878 : memref<10240x16xf32, #tpu.memory_space<vmem_shared>>)
        } else {
        }
        %dma_start3A_858 = arith.constant 0 : i32
        %dma_start3A_859 = tpu.memref_slice %arg7[%add3A_830, %dma_start3A_858] : memref<80x128xi32, #tpu.memory_space<vmem>> -> memref<1x128xi32, #tpu.memory_space<vmem>>
        %dma_start3A_860 = tpu.memref_squeeze %dma_start3A_859 : memref<1x128xi32, #tpu.memory_space<vmem>> -> memref<128xi32, #tpu.memory_space<vmem>>
        %dma_start3A_861 = arith.constant 0 : i32
        %dma_start3A_862 = arith.constant 0 : i32
        %dma_start3A_863 = tpu.memref_slice %arg2[%dma_start3A_861, %dma_start3A_862] : memref<20000x64xf32, #tpu.memory_space<hbm>> -> memref<20000x64xf32, #tpu.memory_space<hbm>>
        tpu.enqueue_indirect_dma source(%dma_start3A_863 : memref<20000x64xf32, #tpu.memory_space<hbm>>) target(%arg11 : memref<128x64xf32, #tpu.memory_space<vmem>>) offsets(%dma_start3A_860 : memref<128xi32, #tpu.memory_space<vmem>>) semaphore(%arg20 : memref<!tpu.dma_semaphore, #tpu.memory_space<semaphore_mem>>)
      } else {
      }
      %dma_wait3A_836 = arith.constant 0 : i32
      %dma_wait3A_837 = tpu.memref_slice %arg7[%add3A_828, %dma_wait3A_836] : memref<80x128xi32, #tpu.memory_space<vmem>> -> memref<1x128xi32, #tpu.memory_space<vmem>>
      %dma_wait3A_838 = tpu.memref_squeeze %dma_wait3A_837 : memref<1x128xi32, #tpu.memory_space<vmem>> -> memref<128xi32, #tpu.memory_space<vmem>>
      %dma_wait3A_839 = arith.constant 0 : i32
      %dma_wait3A_840 = arith.constant 0 : i32
      %dma_wait3A_841 = tpu.memref_slice %arg2[%dma_wait3A_839, %dma_wait3A_840] : memref<20000x64xf32, #tpu.memory_space<hbm>> -> memref<20000x64xf32, #tpu.memory_space<hbm>>
      tpu.wait_indirect_dma semaphore(%arg22 : memref<!tpu.dma_semaphore, #tpu.memory_space<semaphore_mem>>) src(%dma_wait3A_841 : memref<20000x64xf32, #tpu.memory_space<hbm>>) dst(%arg13 : memref<128x64xf32, #tpu.memory_space<vmem>>)
      %dma_start3A_842 = arith.constant 0 : i32
      %dma_start3A_843 = tpu.memref_slice %arg8[%add3A_828, %dma_start3A_842] : memref<80x128xi32, #tpu.memory_space<vmem>> -> memref<1x128xi32, #tpu.memory_space<vmem>>
      %dma_start3A_844 = tpu.memref_squeeze %dma_start3A_843 : memref<1x128xi32, #tpu.memory_space<vmem>> -> memref<128xi32, #tpu.memory_space<vmem>>
      %dma_start3A_845 = arith.constant 0 : i32
      %dma_start3A_846 = arith.constant 0 : i32
      %dma_start3A_847 = tpu.memref_slice %arg16[%dma_start3A_845, %dma_start3A_846] : memref<10240x64xf32, #tpu.memory_space<vmem_shared>> -> memref<10240x64xf32, #tpu.memory_space<vmem_shared>>
      tpu.enqueue_indirect_dma source(%arg13 : memref<128x64xf32, #tpu.memory_space<vmem>>) target(%dma_start3A_847 : memref<10240x64xf32, #tpu.memory_space<vmem_shared>>) offsets(%dma_start3A_844 : memref<128xi32, #tpu.memory_space<vmem>>) semaphore(%arg27 : memref<!tpu.dma_semaphore, #tpu.memory_space<semaphore_mem>>) {add = true}
      %dma_start3A_848 = arith.constant 0 : i32
      %dma_start3A_849 = tpu.memref_slice %arg8[%add3A_828, %dma_start3A_848] : memref<80x128xi32, #tpu.memory_space<vmem>> -> memref<1x128xi32, #tpu.memory_space<vmem>>
      %dma_start3A_850 = tpu.memref_squeeze %dma_start3A_849 : memref<1x128xi32, #tpu.memory_space<vmem>> -> memref<128xi32, #tpu.memory_space<vmem>>
      %dma_start3A_851 = arith.constant 0 : i32
      %dma_start3A_852 = arith.constant 0 : i32
      %dma_start3A_853 = tpu.memref_slice %arg17[%dma_start3A_851, %dma_start3A_852] : memref<10240x16xf32, #tpu.memory_space<vmem_shared>> -> memref<10240x16xf32, #tpu.memory_space<vmem_shared>>
      tpu.enqueue_indirect_dma source(%arg14 : memref<128x16xf32, #tpu.memory_space<vmem>>) target(%dma_start3A_853 : memref<10240x16xf32, #tpu.memory_space<vmem_shared>>) offsets(%dma_start3A_850 : memref<128xi32, #tpu.memory_space<vmem>>) semaphore(%arg27 : memref<!tpu.dma_semaphore, #tpu.memory_space<semaphore_mem>>) {add = true}
    }
    %scan3A_552 = arith.constant 16 : i32
    %dma_wait3A = arith.constant 75 : i32
    %dma_wait3A_553 = arith.constant 0 : i32
    %dma_wait3A_554 = tpu.memref_slice %arg8[%dma_wait3A, %dma_wait3A_553] : memref<80x128xi32, #tpu.memory_space<vmem>> -> memref<1x128xi32, #tpu.memory_space<vmem>>
    %dma_wait3A_555 = tpu.memref_squeeze %dma_wait3A_554 : memref<1x128xi32, #tpu.memory_space<vmem>> -> memref<128xi32, #tpu.memory_space<vmem>>
    %dma_wait3A_556 = arith.constant 0 : i32
    %dma_wait3A_557 = arith.constant 0 : i32
    %dma_wait3A_558 = tpu.memref_slice %arg16[%dma_wait3A_556, %dma_wait3A_557] : memref<10240x64xf32, #tpu.memory_space<vmem_shared>> -> memref<10240x64xf32, #tpu.memory_space<vmem_shared>>
    tpu.wait_indirect_dma semaphore(%arg23 : memref<!tpu.dma_semaphore, #tpu.memory_space<semaphore_mem>>) src(%arg9 : memref<128x64xf32, #tpu.memory_space<vmem>>) dst(%dma_wait3A_558 : memref<10240x64xf32, #tpu.memory_space<vmem_shared>>)
    %dma_wait3A_559 = arith.constant 75 : i32
    %dma_wait3A_560 = arith.constant 0 : i32
    %dma_wait3A_561 = tpu.memref_slice %arg8[%dma_wait3A_559, %dma_wait3A_560] : memref<80x128xi32, #tpu.memory_space<vmem>> -> memref<1x128xi32, #tpu.memory_space<vmem>>
    %dma_wait3A_562 = tpu.memref_squeeze %dma_wait3A_561 : memref<1x128xi32, #tpu.memory_space<vmem>> -> memref<128xi32, #tpu.memory_space<vmem>>
    %dma_wait3A_563 = arith.constant 0 : i32
    %dma_wait3A_564 = arith.constant 0 : i32
    %dma_wait3A_565 = tpu.memref_slice %arg17[%dma_wait3A_563, %dma_wait3A_564] : memref<10240x16xf32, #tpu.memory_space<vmem_shared>> -> memref<10240x16xf32, #tpu.memory_space<vmem_shared>>
    tpu.wait_indirect_dma semaphore(%arg23 : memref<!tpu.dma_semaphore, #tpu.memory_space<semaphore_mem>>) src(%arg14 : memref<128x16xf32, #tpu.memory_space<vmem>>) dst(%dma_wait3A_565 : memref<10240x16xf32, #tpu.memory_space<vmem_shared>>)
    %dma_wait3A_566 = arith.constant 76 : i32
    %dma_wait3A_567 = arith.constant 0 : i32
    %dma_wait3A_568 = tpu.memref_slice %arg8[%dma_wait3A_566, %dma_wait3A_567] : memref<80x128xi32, #tpu.memory_space<vmem>> -> memref<1x128xi32, #tpu.memory_space<vmem>>
    %dma_wait3A_569 = tpu.memref_squeeze %dma_wait3A_568 : memref<1x128xi32, #tpu.memory_space<vmem>> -> memref<128xi32, #tpu.memory_space<vmem>>
    %dma_wait3A_570 = arith.constant 0 : i32
    %dma_wait3A_571 = arith.constant 0 : i32
    %dma_wait3A_572 = tpu.memref_slice %arg16[%dma_wait3A_570, %dma_wait3A_571] : memref<10240x64xf32, #tpu.memory_space<vmem_shared>> -> memref<10240x64xf32, #tpu.memory_space<vmem_shared>>
    tpu.wait_indirect_dma semaphore(%arg24 : memref<!tpu.dma_semaphore, #tpu.memory_space<semaphore_mem>>) src(%arg10 : memref<128x64xf32, #tpu.memory_space<vmem>>) dst(%dma_wait3A_572 : memref<10240x64xf32, #tpu.memory_space<vmem_shared>>)
    %dma_wait3A_573 = arith.constant 76 : i32
    %dma_wait3A_574 = arith.constant 0 : i32
    %dma_wait3A_575 = tpu.memref_slice %arg8[%dma_wait3A_573, %dma_wait3A_574] : memref<80x128xi32, #tpu.memory_space<vmem>> -> memref<1x128xi32, #tpu.memory_space<vmem>>
    %dma_wait3A_576 = tpu.memref_squeeze %dma_wait3A_575 : memref<1x128xi32, #tpu.memory_space<vmem>> -> memref<128xi32, #tpu.memory_space<vmem>>
    %dma_wait3A_577 = arith.constant 0 : i32
    %dma_wait3A_578 = arith.constant 0 : i32
    %dma_wait3A_579 = tpu.memref_slice %arg17[%dma_wait3A_577, %dma_wait3A_578] : memref<10240x16xf32, #tpu.memory_space<vmem_shared>> -> memref<10240x16xf32, #tpu.memory_space<vmem_shared>>
    tpu.wait_indirect_dma semaphore(%arg24 : memref<!tpu.dma_semaphore, #tpu.memory_space<semaphore_mem>>) src(%arg14 : memref<128x16xf32, #tpu.memory_space<vmem>>) dst(%dma_wait3A_579 : memref<10240x16xf32, #tpu.memory_space<vmem_shared>>)
    %dma_wait3A_580 = arith.constant 77 : i32
    %dma_wait3A_581 = arith.constant 0 : i32
    %dma_wait3A_582 = tpu.memref_slice %arg8[%dma_wait3A_580, %dma_wait3A_581] : memref<80x128xi32, #tpu.memory_space<vmem>> -> memref<1x128xi32, #tpu.memory_space<vmem>>
    %dma_wait3A_583 = tpu.memref_squeeze %dma_wait3A_582 : memref<1x128xi32, #tpu.memory_space<vmem>> -> memref<128xi32, #tpu.memory_space<vmem>>
    %dma_wait3A_584 = arith.constant 0 : i32
    %dma_wait3A_585 = arith.constant 0 : i32
    %dma_wait3A_586 = tpu.memref_slice %arg16[%dma_wait3A_584, %dma_wait3A_585] : memref<10240x64xf32, #tpu.memory_space<vmem_shared>> -> memref<10240x64xf32, #tpu.memory_space<vmem_shared>>
    tpu.wait_indirect_dma semaphore(%arg25 : memref<!tpu.dma_semaphore, #tpu.memory_space<semaphore_mem>>) src(%arg11 : memref<128x64xf32, #tpu.memory_space<vmem>>) dst(%dma_wait3A_586 : memref<10240x64xf32, #tpu.memory_space<vmem_shared>>)
    %dma_wait3A_587 = arith.constant 77 : i32
    %dma_wait3A_588 = arith.constant 0 : i32
    %dma_wait3A_589 = tpu.memref_slice %arg8[%dma_wait3A_587, %dma_wait3A_588] : memref<80x128xi32, #tpu.memory_space<vmem>> -> memref<1x128xi32, #tpu.memory_space<vmem>>
    %dma_wait3A_590 = tpu.memref_squeeze %dma_wait3A_589 : memref<1x128xi32, #tpu.memory_space<vmem>> -> memref<128xi32, #tpu.memory_space<vmem>>
    %dma_wait3A_591 = arith.constant 0 : i32
    %dma_wait3A_592 = arith.constant 0 : i32
    %dma_wait3A_593 = tpu.memref_slice %arg17[%dma_wait3A_591, %dma_wait3A_592] : memref<10240x16xf32, #tpu.memory_space<vmem_shared>> -> memref<10240x16xf32, #tpu.memory_space<vmem_shared>>
    tpu.wait_indirect_dma semaphore(%arg25 : memref<!tpu.dma_semaphore, #tpu.memory_space<semaphore_mem>>) src(%arg14 : memref<128x16xf32, #tpu.memory_space<vmem>>) dst(%dma_wait3A_593 : memref<10240x16xf32, #tpu.memory_space<vmem_shared>>)
    %dma_wait3A_594 = arith.constant 78 : i32
    %dma_wait3A_595 = arith.constant 0 : i32
    %dma_wait3A_596 = tpu.memref_slice %arg8[%dma_wait3A_594, %dma_wait3A_595] : memref<80x128xi32, #tpu.memory_space<vmem>> -> memref<1x128xi32, #tpu.memory_space<vmem>>
    %dma_wait3A_597 = tpu.memref_squeeze %dma_wait3A_596 : memref<1x128xi32, #tpu.memory_space<vmem>> -> memref<128xi32, #tpu.memory_space<vmem>>
    %dma_wait3A_598 = arith.constant 0 : i32
    %dma_wait3A_599 = arith.constant 0 : i32
    %dma_wait3A_600 = tpu.memref_slice %arg16[%dma_wait3A_598, %dma_wait3A_599] : memref<10240x64xf32, #tpu.memory_space<vmem_shared>> -> memref<10240x64xf32, #tpu.memory_space<vmem_shared>>
    tpu.wait_indirect_dma semaphore(%arg26 : memref<!tpu.dma_semaphore, #tpu.memory_space<semaphore_mem>>) src(%arg12 : memref<128x64xf32, #tpu.memory_space<vmem>>) dst(%dma_wait3A_600 : memref<10240x64xf32, #tpu.memory_space<vmem_shared>>)
    %dma_wait3A_601 = arith.constant 78 : i32
    %dma_wait3A_602 = arith.constant 0 : i32
    %dma_wait3A_603 = tpu.memref_slice %arg8[%dma_wait3A_601, %dma_wait3A_602] : memref<80x128xi32, #tpu.memory_space<vmem>> -> memref<1x128xi32, #tpu.memory_space<vmem>>
    %dma_wait3A_604 = tpu.memref_squeeze %dma_wait3A_603 : memref<1x128xi32, #tpu.memory_space<vmem>> -> memref<128xi32, #tpu.memory_space<vmem>>
    %dma_wait3A_605 = arith.constant 0 : i32
    %dma_wait3A_606 = arith.constant 0 : i32
    %dma_wait3A_607 = tpu.memref_slice %arg17[%dma_wait3A_605, %dma_wait3A_606] : memref<10240x16xf32, #tpu.memory_space<vmem_shared>> -> memref<10240x16xf32, #tpu.memory_space<vmem_shared>>
    tpu.wait_indirect_dma semaphore(%arg26 : memref<!tpu.dma_semaphore, #tpu.memory_space<semaphore_mem>>) src(%arg14 : memref<128x16xf32, #tpu.memory_space<vmem>>) dst(%dma_wait3A_607 : memref<10240x16xf32, #tpu.memory_space<vmem_shared>>)
    %dma_wait3A_608 = arith.constant 79 : i32
    %dma_wait3A_609 = arith.constant 0 : i32
    %dma_wait3A_610 = tpu.memref_slice %arg8[%dma_wait3A_608, %dma_wait3A_609] : memref<80x128xi32, #tpu.memory_space<vmem>> -> memref<1x128xi32, #tpu.memory_space<vmem>>
    %dma_wait3A_611 = tpu.memref_squeeze %dma_wait3A_610 : memref<1x128xi32, #tpu.memory_space<vmem>> -> memref<128xi32, #tpu.memory_space<vmem>>
    %dma_wait3A_612 = arith.constant 0 : i32
    %dma_wait3A_613 = arith.constant 0 : i32
    %dma_wait3A_614 = tpu.memref_slice %arg16[%dma_wait3A_612, %dma_wait3A_613] : memref<10240x64xf32, #tpu.memory_space<vmem_shared>> -> memref<10240x64xf32, #tpu.memory_space<vmem_shared>>
    tpu.wait_indirect_dma semaphore(%arg27 : memref<!tpu.dma_semaphore, #tpu.memory_space<semaphore_mem>>) src(%arg13 : memref<128x64xf32, #tpu.memory_space<vmem>>) dst(%dma_wait3A_614 : memref<10240x64xf32, #tpu.memory_space<vmem_shared>>)
    %dma_wait3A_615 = arith.constant 79 : i32
    %dma_wait3A_616 = arith.constant 0 : i32
    %dma_wait3A_617 = tpu.memref_slice %arg8[%dma_wait3A_615, %dma_wait3A_616] : memref<80x128xi32, #tpu.memory_space<vmem>> -> memref<1x128xi32, #tpu.memory_space<vmem>>
    %dma_wait3A_618 = tpu.memref_squeeze %dma_wait3A_617 : memref<1x128xi32, #tpu.memory_space<vmem>> -> memref<128xi32, #tpu.memory_space<vmem>>
    %dma_wait3A_619 = arith.constant 0 : i32
    %dma_wait3A_620 = arith.constant 0 : i32
    %dma_wait3A_621 = tpu.memref_slice %arg17[%dma_wait3A_619, %dma_wait3A_620] : memref<10240x16xf32, #tpu.memory_space<vmem_shared>> -> memref<10240x16xf32, #tpu.memory_space<vmem_shared>>
    tpu.wait_indirect_dma semaphore(%arg27 : memref<!tpu.dma_semaphore, #tpu.memory_space<semaphore_mem>>) src(%arg14 : memref<128x16xf32, #tpu.memory_space<vmem>>) dst(%dma_wait3A_621 : memref<10240x16xf32, #tpu.memory_space<vmem_shared>>)
    "tpu.region"() ({
      %run_scoped3A = tpu.sem_alloc : memref<!tpu.dma_semaphore, #tpu.memory_space<semaphore_mem>>
      %dma_start3A_720 = arith.constant 80 : i32
      %dma_start3A_721 = arith.constant 0 : i32
      %dma_start3A_722 = tpu.memref_slice %arg3[%arg0, %arg1, %dma_start3A_720, %dma_start3A_721] : memref<2x16x160x128xi32, #tpu.memory_space<hbm>> -> memref<1x1x80x128xi32, #tpu.memory_space<hbm>>
      %dma_start3A_723 = tpu.memref_squeeze %dma_start3A_722 : memref<1x1x80x128xi32, #tpu.memory_space<hbm>> -> memref<80x128xi32, #tpu.memory_space<hbm>>
      %dma_start3A_724 = arith.constant 80 : i32
      %dma_start3A_725 = arith.constant 0 : i32
      %dma_start3A_726 = tpu.memref_slice %arg3[%arg0, %arg1, %dma_start3A_724, %dma_start3A_725] : memref<2x16x160x128xi32, #tpu.memory_space<hbm>> -> memref<1x1x80x128xi32, #tpu.memory_space<hbm>>
      %dma_start3A_727 = tpu.memref_squeeze %dma_start3A_726 : memref<1x1x80x128xi32, #tpu.memory_space<hbm>> -> memref<80x128xi32, #tpu.memory_space<hbm>>
      tpu.enqueue_dma source(%dma_start3A_727 : memref<80x128xi32, #tpu.memory_space<hbm>>) target(%arg7 : memref<80x128xi32, #tpu.memory_space<vmem>>) target_semaphore(%run_scoped3A : memref<!tpu.dma_semaphore, #tpu.memory_space<semaphore_mem>>)
      %dma_wait3A_728 = arith.constant 80 : i32
      %dma_wait3A_729 = arith.constant 0 : i32
      %dma_wait3A_730 = tpu.memref_slice %arg3[%arg0, %arg1, %dma_wait3A_728, %dma_wait3A_729] : memref<2x16x160x128xi32, #tpu.memory_space<hbm>> -> memref<1x1x80x128xi32, #tpu.memory_space<hbm>>
      %dma_wait3A_731 = tpu.memref_squeeze %dma_wait3A_730 : memref<1x1x80x128xi32, #tpu.memory_space<hbm>> -> memref<80x128xi32, #tpu.memory_space<hbm>>
      %dma_wait3A_732 = arith.constant 80 : i32
      %dma_wait3A_733 = arith.constant 0 : i32
      %dma_wait3A_734 = tpu.memref_slice %arg3[%arg0, %arg1, %dma_wait3A_732, %dma_wait3A_733] : memref<2x16x160x128xi32, #tpu.memory_space<hbm>> -> memref<1x1x80x128xi32, #tpu.memory_space<hbm>>
      %dma_wait3A_735 = tpu.memref_squeeze %dma_wait3A_734 : memref<1x1x80x128xi32, #tpu.memory_space<hbm>> -> memref<80x128xi32, #tpu.memory_space<hbm>>
      tpu.wait_dma2 semaphore(%run_scoped3A : memref<!tpu.dma_semaphore, #tpu.memory_space<semaphore_mem>>) src(%dma_wait3A_735 : memref<80x128xi32, #tpu.memory_space<hbm>>) dst(%arg7 : memref<80x128xi32, #tpu.memory_space<vmem>>)
      tpu.yield
    }) : () -> ()
    "tpu.region"() ({
      %run_scoped3A = tpu.sem_alloc : memref<!tpu.dma_semaphore, #tpu.memory_space<semaphore_mem>>
      %dma_start3A_720 = arith.constant 80 : i32
      %dma_start3A_721 = arith.constant 0 : i32
      %dma_start3A_722 = tpu.memref_slice %arg4[%arg1, %dma_start3A_720, %dma_start3A_721] : memref<16x160x128xi32, #tpu.memory_space<hbm>> -> memref<1x80x128xi32, #tpu.memory_space<hbm>>
      %dma_start3A_723 = tpu.memref_squeeze %dma_start3A_722 : memref<1x80x128xi32, #tpu.memory_space<hbm>> -> memref<80x128xi32, #tpu.memory_space<hbm>>
      %dma_start3A_724 = arith.constant 80 : i32
      %dma_start3A_725 = arith.constant 0 : i32
      %dma_start3A_726 = tpu.memref_slice %arg4[%arg1, %dma_start3A_724, %dma_start3A_725] : memref<16x160x128xi32, #tpu.memory_space<hbm>> -> memref<1x80x128xi32, #tpu.memory_space<hbm>>
      %dma_start3A_727 = tpu.memref_squeeze %dma_start3A_726 : memref<1x80x128xi32, #tpu.memory_space<hbm>> -> memref<80x128xi32, #tpu.memory_space<hbm>>
      tpu.enqueue_dma source(%dma_start3A_727 : memref<80x128xi32, #tpu.memory_space<hbm>>) target(%arg8 : memref<80x128xi32, #tpu.memory_space<vmem>>) target_semaphore(%run_scoped3A : memref<!tpu.dma_semaphore, #tpu.memory_space<semaphore_mem>>)
      %dma_wait3A_728 = arith.constant 80 : i32
      %dma_wait3A_729 = arith.constant 0 : i32
      %dma_wait3A_730 = tpu.memref_slice %arg4[%arg1, %dma_wait3A_728, %dma_wait3A_729] : memref<16x160x128xi32, #tpu.memory_space<hbm>> -> memref<1x80x128xi32, #tpu.memory_space<hbm>>
      %dma_wait3A_731 = tpu.memref_squeeze %dma_wait3A_730 : memref<1x80x128xi32, #tpu.memory_space<hbm>> -> memref<80x128xi32, #tpu.memory_space<hbm>>
      %dma_wait3A_732 = arith.constant 80 : i32
      %dma_wait3A_733 = arith.constant 0 : i32
      %dma_wait3A_734 = tpu.memref_slice %arg4[%arg1, %dma_wait3A_732, %dma_wait3A_733] : memref<16x160x128xi32, #tpu.memory_space<hbm>> -> memref<1x80x128xi32, #tpu.memory_space<hbm>>
      %dma_wait3A_735 = tpu.memref_squeeze %dma_wait3A_734 : memref<1x80x128xi32, #tpu.memory_space<hbm>> -> memref<80x128xi32, #tpu.memory_space<hbm>>
      tpu.wait_dma2 semaphore(%run_scoped3A : memref<!tpu.dma_semaphore, #tpu.memory_space<semaphore_mem>>) src(%dma_wait3A_735 : memref<80x128xi32, #tpu.memory_space<hbm>>) dst(%arg8 : memref<80x128xi32, #tpu.memory_space<vmem>>)
      tpu.yield
    }) : () -> ()
    %dma_start3A_622 = arith.constant 0 : i32
    %dma_start3A_623 = arith.constant 0 : i32
    %dma_start3A_624 = tpu.memref_slice %arg7[%dma_start3A_622, %dma_start3A_623] : memref<80x128xi32, #tpu.memory_space<vmem>> -> memref<1x128xi32, #tpu.memory_space<vmem>>
    %dma_start3A_625 = tpu.memref_squeeze %dma_start3A_624 : memref<1x128xi32, #tpu.memory_space<vmem>> -> memref<128xi32, #tpu.memory_space<vmem>>
    %dma_start3A_626 = arith.constant 0 : i32
    %dma_start3A_627 = arith.constant 0 : i32
    %dma_start3A_628 = tpu.memref_slice %arg2[%dma_start3A_626, %dma_start3A_627] : memref<20000x64xf32, #tpu.memory_space<hbm>> -> memref<20000x64xf32, #tpu.memory_space<hbm>>
    tpu.enqueue_indirect_dma source(%dma_start3A_628 : memref<20000x64xf32, #tpu.memory_space<hbm>>) target(%arg9 : memref<128x64xf32, #tpu.memory_space<vmem>>) offsets(%dma_start3A_625 : memref<128xi32, #tpu.memory_space<vmem>>) semaphore(%arg18 : memref<!tpu.dma_semaphore, #tpu.memory_space<semaphore_mem>>)
    %dma_start3A_629 = arith.constant 1 : i32
    %dma_start3A_630 = arith.constant 0 : i32
    %dma_start3A_631 = tpu.memref_slice %arg7[%dma_start3A_629, %dma_start3A_630] : memref<80x128xi32, #tpu.memory_space<vmem>> -> memref<1x128xi32, #tpu.memory_space<vmem>>
    %dma_start3A_632 = tpu.memref_squeeze %dma_start3A_631 : memref<1x128xi32, #tpu.memory_space<vmem>> -> memref<128xi32, #tpu.memory_space<vmem>>
    %dma_start3A_633 = arith.constant 0 : i32
    %dma_start3A_634 = arith.constant 0 : i32
    %dma_start3A_635 = tpu.memref_slice %arg2[%dma_start3A_633, %dma_start3A_634] : memref<20000x64xf32, #tpu.memory_space<hbm>> -> memref<20000x64xf32, #tpu.memory_space<hbm>>
    tpu.enqueue_indirect_dma source(%dma_start3A_635 : memref<20000x64xf32, #tpu.memory_space<hbm>>) target(%arg10 : memref<128x64xf32, #tpu.memory_space<vmem>>) offsets(%dma_start3A_632 : memref<128xi32, #tpu.memory_space<vmem>>) semaphore(%arg19 : memref<!tpu.dma_semaphore, #tpu.memory_space<semaphore_mem>>)
    %dma_start3A_636 = arith.constant 2 : i32
    %dma_start3A_637 = arith.constant 0 : i32
    %dma_start3A_638 = tpu.memref_slice %arg7[%dma_start3A_636, %dma_start3A_637] : memref<80x128xi32, #tpu.memory_space<vmem>> -> memref<1x128xi32, #tpu.memory_space<vmem>>
    %dma_start3A_639 = tpu.memref_squeeze %dma_start3A_638 : memref<1x128xi32, #tpu.memory_space<vmem>> -> memref<128xi32, #tpu.memory_space<vmem>>
    %dma_start3A_640 = arith.constant 0 : i32
    %dma_start3A_641 = arith.constant 0 : i32
    %dma_start3A_642 = tpu.memref_slice %arg2[%dma_start3A_640, %dma_start3A_641] : memref<20000x64xf32, #tpu.memory_space<hbm>> -> memref<20000x64xf32, #tpu.memory_space<hbm>>
    tpu.enqueue_indirect_dma source(%dma_start3A_642 : memref<20000x64xf32, #tpu.memory_space<hbm>>) target(%arg11 : memref<128x64xf32, #tpu.memory_space<vmem>>) offsets(%dma_start3A_639 : memref<128xi32, #tpu.memory_space<vmem>>) semaphore(%arg20 : memref<!tpu.dma_semaphore, #tpu.memory_space<semaphore_mem>>)
    %scan3A_643 = arith.constant 0 : i32
    %scan3A_644 = arith.constant 0 : i32
    %scan3A_645 = arith.constant 16 : i32
    %scan3A_646 = arith.addi %scan3A_644, %scan3A_645 : i32
    %scan3A_647 = arith.constant 1 : i32
    scf.for %scan3A_720 = %scan3A_644 to %scan3A_646 step %scan3A_647  : i32 {
      %mul3A_721 = arith.constant 5 : i32
      %mul3A_722 = arith.muli %scan3A_720, %mul3A_721 : i32
      %add3A = arith.constant 0 : i32
      %add3A_723 = arith.addi %mul3A_722, %add3A : i32
      %add3A_724 = arith.constant 3 : i32
      %add3A_725 = arith.addi %add3A_723, %add3A_724 : i32
      %lt3A = arith.constant 80 : i32
      %lt3A_726 = arith.cmpi slt, %add3A_725, %lt3A : i32
      %convert_element_type3A = arith.extui %lt3A_726 : i1 to i32
      %cond3A = arith.constant 0 : i32
      %cond3A_727 = arith.cmpi ne, %convert_element_type3A, %cond3A : i32
      scf.if %cond3A_727 {
        %ge3A = arith.constant 2 : i32
        %ge3A_854 = arith.cmpi sge, %add3A_723, %ge3A : i32
        %convert_element_type3A_855 = arith.extui %ge3A_854 : i1 to i32
        %cond3A_856 = arith.constant 0 : i32
        %cond3A_857 = arith.cmpi ne, %convert_element_type3A_855, %cond3A_856 : i32
        scf.if %cond3A_857 {
          %sub3A = arith.constant 2 : i32
          %sub3A_864 = arith.subi %add3A_723, %sub3A : i32
          %dma_wait3A_865 = arith.constant 0 : i32
          %dma_wait3A_866 = tpu.memref_slice %arg8[%sub3A_864, %dma_wait3A_865] : memref<80x128xi32, #tpu.memory_space<vmem>> -> memref<1x128xi32, #tpu.memory_space<vmem>>
          %dma_wait3A_867 = tpu.memref_squeeze %dma_wait3A_866 : memref<1x128xi32, #tpu.memory_space<vmem>> -> memref<128xi32, #tpu.memory_space<vmem>>
          %dma_wait3A_868 = arith.constant 0 : i32
          %dma_wait3A_869 = arith.constant 0 : i32
          %dma_wait3A_870 = tpu.memref_slice %arg16[%dma_wait3A_868, %dma_wait3A_869] : memref<10240x64xf32, #tpu.memory_space<vmem_shared>> -> memref<10240x64xf32, #tpu.memory_space<vmem_shared>>
          tpu.wait_indirect_dma semaphore(%arg26 : memref<!tpu.dma_semaphore, #tpu.memory_space<semaphore_mem>>) src(%arg12 : memref<128x64xf32, #tpu.memory_space<vmem>>) dst(%dma_wait3A_870 : memref<10240x64xf32, #tpu.memory_space<vmem_shared>>)
          %sub3A_871 = arith.constant 2 : i32
          %sub3A_872 = arith.subi %add3A_723, %sub3A_871 : i32
          %dma_wait3A_873 = arith.constant 0 : i32
          %dma_wait3A_874 = tpu.memref_slice %arg8[%sub3A_872, %dma_wait3A_873] : memref<80x128xi32, #tpu.memory_space<vmem>> -> memref<1x128xi32, #tpu.memory_space<vmem>>
          %dma_wait3A_875 = tpu.memref_squeeze %dma_wait3A_874 : memref<1x128xi32, #tpu.memory_space<vmem>> -> memref<128xi32, #tpu.memory_space<vmem>>
          %dma_wait3A_876 = arith.constant 0 : i32
          %dma_wait3A_877 = arith.constant 0 : i32
          %dma_wait3A_878 = tpu.memref_slice %arg17[%dma_wait3A_876, %dma_wait3A_877] : memref<10240x16xf32, #tpu.memory_space<vmem_shared>> -> memref<10240x16xf32, #tpu.memory_space<vmem_shared>>
          tpu.wait_indirect_dma semaphore(%arg26 : memref<!tpu.dma_semaphore, #tpu.memory_space<semaphore_mem>>) src(%arg14 : memref<128x16xf32, #tpu.memory_space<vmem>>) dst(%dma_wait3A_878 : memref<10240x16xf32, #tpu.memory_space<vmem_shared>>)
        } else {
        }
        %dma_start3A_858 = arith.constant 0 : i32
        %dma_start3A_859 = tpu.memref_slice %arg7[%add3A_725, %dma_start3A_858] : memref<80x128xi32, #tpu.memory_space<vmem>> -> memref<1x128xi32, #tpu.memory_space<vmem>>
        %dma_start3A_860 = tpu.memref_squeeze %dma_start3A_859 : memref<1x128xi32, #tpu.memory_space<vmem>> -> memref<128xi32, #tpu.memory_space<vmem>>
        %dma_start3A_861 = arith.constant 0 : i32
        %dma_start3A_862 = arith.constant 0 : i32
        %dma_start3A_863 = tpu.memref_slice %arg2[%dma_start3A_861, %dma_start3A_862] : memref<20000x64xf32, #tpu.memory_space<hbm>> -> memref<20000x64xf32, #tpu.memory_space<hbm>>
        tpu.enqueue_indirect_dma source(%dma_start3A_863 : memref<20000x64xf32, #tpu.memory_space<hbm>>) target(%arg12 : memref<128x64xf32, #tpu.memory_space<vmem>>) offsets(%dma_start3A_860 : memref<128xi32, #tpu.memory_space<vmem>>) semaphore(%arg21 : memref<!tpu.dma_semaphore, #tpu.memory_space<semaphore_mem>>)
      } else {
      }
      %dma_wait3A_728 = arith.constant 0 : i32
      %dma_wait3A_729 = tpu.memref_slice %arg7[%add3A_723, %dma_wait3A_728] : memref<80x128xi32, #tpu.memory_space<vmem>> -> memref<1x128xi32, #tpu.memory_space<vmem>>
      %dma_wait3A_730 = tpu.memref_squeeze %dma_wait3A_729 : memref<1x128xi32, #tpu.memory_space<vmem>> -> memref<128xi32, #tpu.memory_space<vmem>>
      %dma_wait3A_731 = arith.constant 0 : i32
      %dma_wait3A_732 = arith.constant 0 : i32
      %dma_wait3A_733 = tpu.memref_slice %arg2[%dma_wait3A_731, %dma_wait3A_732] : memref<20000x64xf32, #tpu.memory_space<hbm>> -> memref<20000x64xf32, #tpu.memory_space<hbm>>
      tpu.wait_indirect_dma semaphore(%arg18 : memref<!tpu.dma_semaphore, #tpu.memory_space<semaphore_mem>>) src(%dma_wait3A_733 : memref<20000x64xf32, #tpu.memory_space<hbm>>) dst(%arg9 : memref<128x64xf32, #tpu.memory_space<vmem>>)
      %dma_start3A_734 = arith.constant 0 : i32
      %dma_start3A_735 = tpu.memref_slice %arg8[%add3A_723, %dma_start3A_734] : memref<80x128xi32, #tpu.memory_space<vmem>> -> memref<1x128xi32, #tpu.memory_space<vmem>>
      %dma_start3A_736 = tpu.memref_squeeze %dma_start3A_735 : memref<1x128xi32, #tpu.memory_space<vmem>> -> memref<128xi32, #tpu.memory_space<vmem>>
      %dma_start3A_737 = arith.constant 0 : i32
      %dma_start3A_738 = arith.constant 0 : i32
      %dma_start3A_739 = tpu.memref_slice %arg16[%dma_start3A_737, %dma_start3A_738] : memref<10240x64xf32, #tpu.memory_space<vmem_shared>> -> memref<10240x64xf32, #tpu.memory_space<vmem_shared>>
      tpu.enqueue_indirect_dma source(%arg9 : memref<128x64xf32, #tpu.memory_space<vmem>>) target(%dma_start3A_739 : memref<10240x64xf32, #tpu.memory_space<vmem_shared>>) offsets(%dma_start3A_736 : memref<128xi32, #tpu.memory_space<vmem>>) semaphore(%arg23 : memref<!tpu.dma_semaphore, #tpu.memory_space<semaphore_mem>>) {add = true}
      %dma_start3A_740 = arith.constant 0 : i32
      %dma_start3A_741 = tpu.memref_slice %arg8[%add3A_723, %dma_start3A_740] : memref<80x128xi32, #tpu.memory_space<vmem>> -> memref<1x128xi32, #tpu.memory_space<vmem>>
      %dma_start3A_742 = tpu.memref_squeeze %dma_start3A_741 : memref<1x128xi32, #tpu.memory_space<vmem>> -> memref<128xi32, #tpu.memory_space<vmem>>
      %dma_start3A_743 = arith.constant 0 : i32
      %dma_start3A_744 = arith.constant 0 : i32
      %dma_start3A_745 = tpu.memref_slice %arg17[%dma_start3A_743, %dma_start3A_744] : memref<10240x16xf32, #tpu.memory_space<vmem_shared>> -> memref<10240x16xf32, #tpu.memory_space<vmem_shared>>
      tpu.enqueue_indirect_dma source(%arg14 : memref<128x16xf32, #tpu.memory_space<vmem>>) target(%dma_start3A_745 : memref<10240x16xf32, #tpu.memory_space<vmem_shared>>) offsets(%dma_start3A_742 : memref<128xi32, #tpu.memory_space<vmem>>) semaphore(%arg23 : memref<!tpu.dma_semaphore, #tpu.memory_space<semaphore_mem>>) {add = true}
      %add3A_746 = arith.constant 1 : i32
      %add3A_747 = arith.addi %mul3A_722, %add3A_746 : i32
      %add3A_748 = arith.constant 3 : i32
      %add3A_749 = arith.addi %add3A_747, %add3A_748 : i32
      %lt3A_750 = arith.constant 80 : i32
      %lt3A_751 = arith.cmpi slt, %add3A_749, %lt3A_750 : i32
      %convert_element_type3A_752 = arith.extui %lt3A_751 : i1 to i32
      %cond3A_753 = arith.constant 0 : i32
      %cond3A_754 = arith.cmpi ne, %convert_element_type3A_752, %cond3A_753 : i32
      scf.if %cond3A_754 {
        %ge3A = arith.constant 2 : i32
        %ge3A_854 = arith.cmpi sge, %add3A_747, %ge3A : i32
        %convert_element_type3A_855 = arith.extui %ge3A_854 : i1 to i32
        %cond3A_856 = arith.constant 0 : i32
        %cond3A_857 = arith.cmpi ne, %convert_element_type3A_855, %cond3A_856 : i32
        scf.if %cond3A_857 {
          %sub3A = arith.constant 2 : i32
          %sub3A_864 = arith.subi %add3A_747, %sub3A : i32
          %dma_wait3A_865 = arith.constant 0 : i32
          %dma_wait3A_866 = tpu.memref_slice %arg8[%sub3A_864, %dma_wait3A_865] : memref<80x128xi32, #tpu.memory_space<vmem>> -> memref<1x128xi32, #tpu.memory_space<vmem>>
          %dma_wait3A_867 = tpu.memref_squeeze %dma_wait3A_866 : memref<1x128xi32, #tpu.memory_space<vmem>> -> memref<128xi32, #tpu.memory_space<vmem>>
          %dma_wait3A_868 = arith.constant 0 : i32
          %dma_wait3A_869 = arith.constant 0 : i32
          %dma_wait3A_870 = tpu.memref_slice %arg16[%dma_wait3A_868, %dma_wait3A_869] : memref<10240x64xf32, #tpu.memory_space<vmem_shared>> -> memref<10240x64xf32, #tpu.memory_space<vmem_shared>>
          tpu.wait_indirect_dma semaphore(%arg27 : memref<!tpu.dma_semaphore, #tpu.memory_space<semaphore_mem>>) src(%arg13 : memref<128x64xf32, #tpu.memory_space<vmem>>) dst(%dma_wait3A_870 : memref<10240x64xf32, #tpu.memory_space<vmem_shared>>)
          %sub3A_871 = arith.constant 2 : i32
          %sub3A_872 = arith.subi %add3A_747, %sub3A_871 : i32
          %dma_wait3A_873 = arith.constant 0 : i32
          %dma_wait3A_874 = tpu.memref_slice %arg8[%sub3A_872, %dma_wait3A_873] : memref<80x128xi32, #tpu.memory_space<vmem>> -> memref<1x128xi32, #tpu.memory_space<vmem>>
          %dma_wait3A_875 = tpu.memref_squeeze %dma_wait3A_874 : memref<1x128xi32, #tpu.memory_space<vmem>> -> memref<128xi32, #tpu.memory_space<vmem>>
          %dma_wait3A_876 = arith.constant 0 : i32
          %dma_wait3A_877 = arith.constant 0 : i32
          %dma_wait3A_878 = tpu.memref_slice %arg17[%dma_wait3A_876, %dma_wait3A_877] : memref<10240x16xf32, #tpu.memory_space<vmem_shared>> -> memref<10240x16xf32, #tpu.memory_space<vmem_shared>>
          tpu.wait_indirect_dma semaphore(%arg27 : memref<!tpu.dma_semaphore, #tpu.memory_space<semaphore_mem>>) src(%arg14 : memref<128x16xf32, #tpu.memory_space<vmem>>) dst(%dma_wait3A_878 : memref<10240x16xf32, #tpu.memory_space<vmem_shared>>)
        } else {
        }
        %dma_start3A_858 = arith.constant 0 : i32
        %dma_start3A_859 = tpu.memref_slice %arg7[%add3A_749, %dma_start3A_858] : memref<80x128xi32, #tpu.memory_space<vmem>> -> memref<1x128xi32, #tpu.memory_space<vmem>>
        %dma_start3A_860 = tpu.memref_squeeze %dma_start3A_859 : memref<1x128xi32, #tpu.memory_space<vmem>> -> memref<128xi32, #tpu.memory_space<vmem>>
        %dma_start3A_861 = arith.constant 0 : i32
        %dma_start3A_862 = arith.constant 0 : i32
        %dma_start3A_863 = tpu.memref_slice %arg2[%dma_start3A_861, %dma_start3A_862] : memref<20000x64xf32, #tpu.memory_space<hbm>> -> memref<20000x64xf32, #tpu.memory_space<hbm>>
        tpu.enqueue_indirect_dma source(%dma_start3A_863 : memref<20000x64xf32, #tpu.memory_space<hbm>>) target(%arg13 : memref<128x64xf32, #tpu.memory_space<vmem>>) offsets(%dma_start3A_860 : memref<128xi32, #tpu.memory_space<vmem>>) semaphore(%arg22 : memref<!tpu.dma_semaphore, #tpu.memory_space<semaphore_mem>>)
      } else {
      }
      %dma_wait3A_755 = arith.constant 0 : i32
      %dma_wait3A_756 = tpu.memref_slice %arg7[%add3A_747, %dma_wait3A_755] : memref<80x128xi32, #tpu.memory_space<vmem>> -> memref<1x128xi32, #tpu.memory_space<vmem>>
      %dma_wait3A_757 = tpu.memref_squeeze %dma_wait3A_756 : memref<1x128xi32, #tpu.memory_space<vmem>> -> memref<128xi32, #tpu.memory_space<vmem>>
      %dma_wait3A_758 = arith.constant 0 : i32
      %dma_wait3A_759 = arith.constant 0 : i32
      %dma_wait3A_760 = tpu.memref_slice %arg2[%dma_wait3A_758, %dma_wait3A_759] : memref<20000x64xf32, #tpu.memory_space<hbm>> -> memref<20000x64xf32, #tpu.memory_space<hbm>>
      tpu.wait_indirect_dma semaphore(%arg19 : memref<!tpu.dma_semaphore, #tpu.memory_space<semaphore_mem>>) src(%dma_wait3A_760 : memref<20000x64xf32, #tpu.memory_space<hbm>>) dst(%arg10 : memref<128x64xf32, #tpu.memory_space<vmem>>)
      %dma_start3A_761 = arith.constant 0 : i32
      %dma_start3A_762 = tpu.memref_slice %arg8[%add3A_747, %dma_start3A_761] : memref<80x128xi32, #tpu.memory_space<vmem>> -> memref<1x128xi32, #tpu.memory_space<vmem>>
      %dma_start3A_763 = tpu.memref_squeeze %dma_start3A_762 : memref<1x128xi32, #tpu.memory_space<vmem>> -> memref<128xi32, #tpu.memory_space<vmem>>
      %dma_start3A_764 = arith.constant 0 : i32
      %dma_start3A_765 = arith.constant 0 : i32
      %dma_start3A_766 = tpu.memref_slice %arg16[%dma_start3A_764, %dma_start3A_765] : memref<10240x64xf32, #tpu.memory_space<vmem_shared>> -> memref<10240x64xf32, #tpu.memory_space<vmem_shared>>
      tpu.enqueue_indirect_dma source(%arg10 : memref<128x64xf32, #tpu.memory_space<vmem>>) target(%dma_start3A_766 : memref<10240x64xf32, #tpu.memory_space<vmem_shared>>) offsets(%dma_start3A_763 : memref<128xi32, #tpu.memory_space<vmem>>) semaphore(%arg24 : memref<!tpu.dma_semaphore, #tpu.memory_space<semaphore_mem>>) {add = true}
      %dma_start3A_767 = arith.constant 0 : i32
      %dma_start3A_768 = tpu.memref_slice %arg8[%add3A_747, %dma_start3A_767] : memref<80x128xi32, #tpu.memory_space<vmem>> -> memref<1x128xi32, #tpu.memory_space<vmem>>
      %dma_start3A_769 = tpu.memref_squeeze %dma_start3A_768 : memref<1x128xi32, #tpu.memory_space<vmem>> -> memref<128xi32, #tpu.memory_space<vmem>>
      %dma_start3A_770 = arith.constant 0 : i32
      %dma_start3A_771 = arith.constant 0 : i32
      %dma_start3A_772 = tpu.memref_slice %arg17[%dma_start3A_770, %dma_start3A_771] : memref<10240x16xf32, #tpu.memory_space<vmem_shared>> -> memref<10240x16xf32, #tpu.memory_space<vmem_shared>>
      tpu.enqueue_indirect_dma source(%arg14 : memref<128x16xf32, #tpu.memory_space<vmem>>) target(%dma_start3A_772 : memref<10240x16xf32, #tpu.memory_space<vmem_shared>>) offsets(%dma_start3A_769 : memref<128xi32, #tpu.memory_space<vmem>>) semaphore(%arg24 : memref<!tpu.dma_semaphore, #tpu.memory_space<semaphore_mem>>) {add = true}
      %add3A_773 = arith.constant 2 : i32
      %add3A_774 = arith.addi %mul3A_722, %add3A_773 : i32
      %add3A_775 = arith.constant 3 : i32
      %add3A_776 = arith.addi %add3A_774, %add3A_775 : i32
      %lt3A_777 = arith.constant 80 : i32
      %lt3A_778 = arith.cmpi slt, %add3A_776, %lt3A_777 : i32
      %convert_element_type3A_779 = arith.extui %lt3A_778 : i1 to i32
      %cond3A_780 = arith.constant 0 : i32
      %cond3A_781 = arith.cmpi ne, %convert_element_type3A_779, %cond3A_780 : i32
      scf.if %cond3A_781 {
        %ge3A = arith.constant 2 : i32
        %ge3A_854 = arith.cmpi sge, %add3A_774, %ge3A : i32
        %convert_element_type3A_855 = arith.extui %ge3A_854 : i1 to i32
        %cond3A_856 = arith.constant 0 : i32
        %cond3A_857 = arith.cmpi ne, %convert_element_type3A_855, %cond3A_856 : i32
        scf.if %cond3A_857 {
          %sub3A = arith.constant 2 : i32
          %sub3A_864 = arith.subi %add3A_774, %sub3A : i32
          %dma_wait3A_865 = arith.constant 0 : i32
          %dma_wait3A_866 = tpu.memref_slice %arg8[%sub3A_864, %dma_wait3A_865] : memref<80x128xi32, #tpu.memory_space<vmem>> -> memref<1x128xi32, #tpu.memory_space<vmem>>
          %dma_wait3A_867 = tpu.memref_squeeze %dma_wait3A_866 : memref<1x128xi32, #tpu.memory_space<vmem>> -> memref<128xi32, #tpu.memory_space<vmem>>
          %dma_wait3A_868 = arith.constant 0 : i32
          %dma_wait3A_869 = arith.constant 0 : i32
          %dma_wait3A_870 = tpu.memref_slice %arg16[%dma_wait3A_868, %dma_wait3A_869] : memref<10240x64xf32, #tpu.memory_space<vmem_shared>> -> memref<10240x64xf32, #tpu.memory_space<vmem_shared>>
          tpu.wait_indirect_dma semaphore(%arg23 : memref<!tpu.dma_semaphore, #tpu.memory_space<semaphore_mem>>) src(%arg9 : memref<128x64xf32, #tpu.memory_space<vmem>>) dst(%dma_wait3A_870 : memref<10240x64xf32, #tpu.memory_space<vmem_shared>>)
          %sub3A_871 = arith.constant 2 : i32
          %sub3A_872 = arith.subi %add3A_774, %sub3A_871 : i32
          %dma_wait3A_873 = arith.constant 0 : i32
          %dma_wait3A_874 = tpu.memref_slice %arg8[%sub3A_872, %dma_wait3A_873] : memref<80x128xi32, #tpu.memory_space<vmem>> -> memref<1x128xi32, #tpu.memory_space<vmem>>
          %dma_wait3A_875 = tpu.memref_squeeze %dma_wait3A_874 : memref<1x128xi32, #tpu.memory_space<vmem>> -> memref<128xi32, #tpu.memory_space<vmem>>
          %dma_wait3A_876 = arith.constant 0 : i32
          %dma_wait3A_877 = arith.constant 0 : i32
          %dma_wait3A_878 = tpu.memref_slice %arg17[%dma_wait3A_876, %dma_wait3A_877] : memref<10240x16xf32, #tpu.memory_space<vmem_shared>> -> memref<10240x16xf32, #tpu.memory_space<vmem_shared>>
          tpu.wait_indirect_dma semaphore(%arg23 : memref<!tpu.dma_semaphore, #tpu.memory_space<semaphore_mem>>) src(%arg14 : memref<128x16xf32, #tpu.memory_space<vmem>>) dst(%dma_wait3A_878 : memref<10240x16xf32, #tpu.memory_space<vmem_shared>>)
        } else {
        }
        %dma_start3A_858 = arith.constant 0 : i32
        %dma_start3A_859 = tpu.memref_slice %arg7[%add3A_776, %dma_start3A_858] : memref<80x128xi32, #tpu.memory_space<vmem>> -> memref<1x128xi32, #tpu.memory_space<vmem>>
        %dma_start3A_860 = tpu.memref_squeeze %dma_start3A_859 : memref<1x128xi32, #tpu.memory_space<vmem>> -> memref<128xi32, #tpu.memory_space<vmem>>
        %dma_start3A_861 = arith.constant 0 : i32
        %dma_start3A_862 = arith.constant 0 : i32
        %dma_start3A_863 = tpu.memref_slice %arg2[%dma_start3A_861, %dma_start3A_862] : memref<20000x64xf32, #tpu.memory_space<hbm>> -> memref<20000x64xf32, #tpu.memory_space<hbm>>
        tpu.enqueue_indirect_dma source(%dma_start3A_863 : memref<20000x64xf32, #tpu.memory_space<hbm>>) target(%arg9 : memref<128x64xf32, #tpu.memory_space<vmem>>) offsets(%dma_start3A_860 : memref<128xi32, #tpu.memory_space<vmem>>) semaphore(%arg18 : memref<!tpu.dma_semaphore, #tpu.memory_space<semaphore_mem>>)
      } else {
      }
      %dma_wait3A_782 = arith.constant 0 : i32
      %dma_wait3A_783 = tpu.memref_slice %arg7[%add3A_774, %dma_wait3A_782] : memref<80x128xi32, #tpu.memory_space<vmem>> -> memref<1x128xi32, #tpu.memory_space<vmem>>
      %dma_wait3A_784 = tpu.memref_squeeze %dma_wait3A_783 : memref<1x128xi32, #tpu.memory_space<vmem>> -> memref<128xi32, #tpu.memory_space<vmem>>
      %dma_wait3A_785 = arith.constant 0 : i32
      %dma_wait3A_786 = arith.constant 0 : i32
      %dma_wait3A_787 = tpu.memref_slice %arg2[%dma_wait3A_785, %dma_wait3A_786] : memref<20000x64xf32, #tpu.memory_space<hbm>> -> memref<20000x64xf32, #tpu.memory_space<hbm>>
      tpu.wait_indirect_dma semaphore(%arg20 : memref<!tpu.dma_semaphore, #tpu.memory_space<semaphore_mem>>) src(%dma_wait3A_787 : memref<20000x64xf32, #tpu.memory_space<hbm>>) dst(%arg11 : memref<128x64xf32, #tpu.memory_space<vmem>>)
      %dma_start3A_788 = arith.constant 0 : i32
      %dma_start3A_789 = tpu.memref_slice %arg8[%add3A_774, %dma_start3A_788] : memref<80x128xi32, #tpu.memory_space<vmem>> -> memref<1x128xi32, #tpu.memory_space<vmem>>
      %dma_start3A_790 = tpu.memref_squeeze %dma_start3A_789 : memref<1x128xi32, #tpu.memory_space<vmem>> -> memref<128xi32, #tpu.memory_space<vmem>>
      %dma_start3A_791 = arith.constant 0 : i32
      %dma_start3A_792 = arith.constant 0 : i32
      %dma_start3A_793 = tpu.memref_slice %arg16[%dma_start3A_791, %dma_start3A_792] : memref<10240x64xf32, #tpu.memory_space<vmem_shared>> -> memref<10240x64xf32, #tpu.memory_space<vmem_shared>>
      tpu.enqueue_indirect_dma source(%arg11 : memref<128x64xf32, #tpu.memory_space<vmem>>) target(%dma_start3A_793 : memref<10240x64xf32, #tpu.memory_space<vmem_shared>>) offsets(%dma_start3A_790 : memref<128xi32, #tpu.memory_space<vmem>>) semaphore(%arg25 : memref<!tpu.dma_semaphore, #tpu.memory_space<semaphore_mem>>) {add = true}
      %dma_start3A_794 = arith.constant 0 : i32
      %dma_start3A_795 = tpu.memref_slice %arg8[%add3A_774, %dma_start3A_794] : memref<80x128xi32, #tpu.memory_space<vmem>> -> memref<1x128xi32, #tpu.memory_space<vmem>>
      %dma_start3A_796 = tpu.memref_squeeze %dma_start3A_795 : memref<1x128xi32, #tpu.memory_space<vmem>> -> memref<128xi32, #tpu.memory_space<vmem>>
      %dma_start3A_797 = arith.constant 0 : i32
      %dma_start3A_798 = arith.constant 0 : i32
      %dma_start3A_799 = tpu.memref_slice %arg17[%dma_start3A_797, %dma_start3A_798] : memref<10240x16xf32, #tpu.memory_space<vmem_shared>> -> memref<10240x16xf32, #tpu.memory_space<vmem_shared>>
      tpu.enqueue_indirect_dma source(%arg14 : memref<128x16xf32, #tpu.memory_space<vmem>>) target(%dma_start3A_799 : memref<10240x16xf32, #tpu.memory_space<vmem_shared>>) offsets(%dma_start3A_796 : memref<128xi32, #tpu.memory_space<vmem>>) semaphore(%arg25 : memref<!tpu.dma_semaphore, #tpu.memory_space<semaphore_mem>>) {add = true}
      %add3A_800 = arith.constant 3 : i32
      %add3A_801 = arith.addi %mul3A_722, %add3A_800 : i32
      %add3A_802 = arith.constant 3 : i32
      %add3A_803 = arith.addi %add3A_801, %add3A_802 : i32
      %lt3A_804 = arith.constant 80 : i32
      %lt3A_805 = arith.cmpi slt, %add3A_803, %lt3A_804 : i32
      %convert_element_type3A_806 = arith.extui %lt3A_805 : i1 to i32
      %cond3A_807 = arith.constant 0 : i32
      %cond3A_808 = arith.cmpi ne, %convert_element_type3A_806, %cond3A_807 : i32
      scf.if %cond3A_808 {
        %ge3A = arith.constant 2 : i32
        %ge3A_854 = arith.cmpi sge, %add3A_801, %ge3A : i32
        %convert_element_type3A_855 = arith.extui %ge3A_854 : i1 to i32
        %cond3A_856 = arith.constant 0 : i32
        %cond3A_857 = arith.cmpi ne, %convert_element_type3A_855, %cond3A_856 : i32
        scf.if %cond3A_857 {
          %sub3A = arith.constant 2 : i32
          %sub3A_864 = arith.subi %add3A_801, %sub3A : i32
          %dma_wait3A_865 = arith.constant 0 : i32
          %dma_wait3A_866 = tpu.memref_slice %arg8[%sub3A_864, %dma_wait3A_865] : memref<80x128xi32, #tpu.memory_space<vmem>> -> memref<1x128xi32, #tpu.memory_space<vmem>>
          %dma_wait3A_867 = tpu.memref_squeeze %dma_wait3A_866 : memref<1x128xi32, #tpu.memory_space<vmem>> -> memref<128xi32, #tpu.memory_space<vmem>>
          %dma_wait3A_868 = arith.constant 0 : i32
          %dma_wait3A_869 = arith.constant 0 : i32
          %dma_wait3A_870 = tpu.memref_slice %arg16[%dma_wait3A_868, %dma_wait3A_869] : memref<10240x64xf32, #tpu.memory_space<vmem_shared>> -> memref<10240x64xf32, #tpu.memory_space<vmem_shared>>
          tpu.wait_indirect_dma semaphore(%arg24 : memref<!tpu.dma_semaphore, #tpu.memory_space<semaphore_mem>>) src(%arg10 : memref<128x64xf32, #tpu.memory_space<vmem>>) dst(%dma_wait3A_870 : memref<10240x64xf32, #tpu.memory_space<vmem_shared>>)
          %sub3A_871 = arith.constant 2 : i32
          %sub3A_872 = arith.subi %add3A_801, %sub3A_871 : i32
          %dma_wait3A_873 = arith.constant 0 : i32
          %dma_wait3A_874 = tpu.memref_slice %arg8[%sub3A_872, %dma_wait3A_873] : memref<80x128xi32, #tpu.memory_space<vmem>> -> memref<1x128xi32, #tpu.memory_space<vmem>>
          %dma_wait3A_875 = tpu.memref_squeeze %dma_wait3A_874 : memref<1x128xi32, #tpu.memory_space<vmem>> -> memref<128xi32, #tpu.memory_space<vmem>>
          %dma_wait3A_876 = arith.constant 0 : i32
          %dma_wait3A_877 = arith.constant 0 : i32
          %dma_wait3A_878 = tpu.memref_slice %arg17[%dma_wait3A_876, %dma_wait3A_877] : memref<10240x16xf32, #tpu.memory_space<vmem_shared>> -> memref<10240x16xf32, #tpu.memory_space<vmem_shared>>
          tpu.wait_indirect_dma semaphore(%arg24 : memref<!tpu.dma_semaphore, #tpu.memory_space<semaphore_mem>>) src(%arg14 : memref<128x16xf32, #tpu.memory_space<vmem>>) dst(%dma_wait3A_878 : memref<10240x16xf32, #tpu.memory_space<vmem_shared>>)
        } else {
        }
        %dma_start3A_858 = arith.constant 0 : i32
        %dma_start3A_859 = tpu.memref_slice %arg7[%add3A_803, %dma_start3A_858] : memref<80x128xi32, #tpu.memory_space<vmem>> -> memref<1x128xi32, #tpu.memory_space<vmem>>
        %dma_start3A_860 = tpu.memref_squeeze %dma_start3A_859 : memref<1x128xi32, #tpu.memory_space<vmem>> -> memref<128xi32, #tpu.memory_space<vmem>>
        %dma_start3A_861 = arith.constant 0 : i32
        %dma_start3A_862 = arith.constant 0 : i32
        %dma_start3A_863 = tpu.memref_slice %arg2[%dma_start3A_861, %dma_start3A_862] : memref<20000x64xf32, #tpu.memory_space<hbm>> -> memref<20000x64xf32, #tpu.memory_space<hbm>>
        tpu.enqueue_indirect_dma source(%dma_start3A_863 : memref<20000x64xf32, #tpu.memory_space<hbm>>) target(%arg10 : memref<128x64xf32, #tpu.memory_space<vmem>>) offsets(%dma_start3A_860 : memref<128xi32, #tpu.memory_space<vmem>>) semaphore(%arg19 : memref<!tpu.dma_semaphore, #tpu.memory_space<semaphore_mem>>)
      } else {
      }
      %dma_wait3A_809 = arith.constant 0 : i32
      %dma_wait3A_810 = tpu.memref_slice %arg7[%add3A_801, %dma_wait3A_809] : memref<80x128xi32, #tpu.memory_space<vmem>> -> memref<1x128xi32, #tpu.memory_space<vmem>>
      %dma_wait3A_811 = tpu.memref_squeeze %dma_wait3A_810 : memref<1x128xi32, #tpu.memory_space<vmem>> -> memref<128xi32, #tpu.memory_space<vmem>>
      %dma_wait3A_812 = arith.constant 0 : i32
      %dma_wait3A_813 = arith.constant 0 : i32
      %dma_wait3A_814 = tpu.memref_slice %arg2[%dma_wait3A_812, %dma_wait3A_813] : memref<20000x64xf32, #tpu.memory_space<hbm>> -> memref<20000x64xf32, #tpu.memory_space<hbm>>
      tpu.wait_indirect_dma semaphore(%arg21 : memref<!tpu.dma_semaphore, #tpu.memory_space<semaphore_mem>>) src(%dma_wait3A_814 : memref<20000x64xf32, #tpu.memory_space<hbm>>) dst(%arg12 : memref<128x64xf32, #tpu.memory_space<vmem>>)
      %dma_start3A_815 = arith.constant 0 : i32
      %dma_start3A_816 = tpu.memref_slice %arg8[%add3A_801, %dma_start3A_815] : memref<80x128xi32, #tpu.memory_space<vmem>> -> memref<1x128xi32, #tpu.memory_space<vmem>>
      %dma_start3A_817 = tpu.memref_squeeze %dma_start3A_816 : memref<1x128xi32, #tpu.memory_space<vmem>> -> memref<128xi32, #tpu.memory_space<vmem>>
      %dma_start3A_818 = arith.constant 0 : i32
      %dma_start3A_819 = arith.constant 0 : i32
      %dma_start3A_820 = tpu.memref_slice %arg16[%dma_start3A_818, %dma_start3A_819] : memref<10240x64xf32, #tpu.memory_space<vmem_shared>> -> memref<10240x64xf32, #tpu.memory_space<vmem_shared>>
      tpu.enqueue_indirect_dma source(%arg12 : memref<128x64xf32, #tpu.memory_space<vmem>>) target(%dma_start3A_820 : memref<10240x64xf32, #tpu.memory_space<vmem_shared>>) offsets(%dma_start3A_817 : memref<128xi32, #tpu.memory_space<vmem>>) semaphore(%arg26 : memref<!tpu.dma_semaphore, #tpu.memory_space<semaphore_mem>>) {add = true}
      %dma_start3A_821 = arith.constant 0 : i32
      %dma_start3A_822 = tpu.memref_slice %arg8[%add3A_801, %dma_start3A_821] : memref<80x128xi32, #tpu.memory_space<vmem>> -> memref<1x128xi32, #tpu.memory_space<vmem>>
      %dma_start3A_823 = tpu.memref_squeeze %dma_start3A_822 : memref<1x128xi32, #tpu.memory_space<vmem>> -> memref<128xi32, #tpu.memory_space<vmem>>
      %dma_start3A_824 = arith.constant 0 : i32
      %dma_start3A_825 = arith.constant 0 : i32
      %dma_start3A_826 = tpu.memref_slice %arg17[%dma_start3A_824, %dma_start3A_825] : memref<10240x16xf32, #tpu.memory_space<vmem_shared>> -> memref<10240x16xf32, #tpu.memory_space<vmem_shared>>
      tpu.enqueue_indirect_dma source(%arg14 : memref<128x16xf32, #tpu.memory_space<vmem>>) target(%dma_start3A_826 : memref<10240x16xf32, #tpu.memory_space<vmem_shared>>) offsets(%dma_start3A_823 : memref<128xi32, #tpu.memory_space<vmem>>) semaphore(%arg26 : memref<!tpu.dma_semaphore, #tpu.memory_space<semaphore_mem>>) {add = true}
      %add3A_827 = arith.constant 4 : i32
      %add3A_828 = arith.addi %mul3A_722, %add3A_827 : i32
      %add3A_829 = arith.constant 3 : i32
      %add3A_830 = arith.addi %add3A_828, %add3A_829 : i32
      %lt3A_831 = arith.constant 80 : i32
      %lt3A_832 = arith.cmpi slt, %add3A_830, %lt3A_831 : i32
      %convert_element_type3A_833 = arith.extui %lt3A_832 : i1 to i32
      %cond3A_834 = arith.constant 0 : i32
      %cond3A_835 = arith.cmpi ne, %convert_element_type3A_833, %cond3A_834 : i32
      scf.if %cond3A_835 {
        %ge3A = arith.constant 2 : i32
        %ge3A_854 = arith.cmpi sge, %add3A_828, %ge3A : i32
        %convert_element_type3A_855 = arith.extui %ge3A_854 : i1 to i32
        %cond3A_856 = arith.constant 0 : i32
        %cond3A_857 = arith.cmpi ne, %convert_element_type3A_855, %cond3A_856 : i32
        scf.if %cond3A_857 {
          %sub3A = arith.constant 2 : i32
          %sub3A_864 = arith.subi %add3A_828, %sub3A : i32
          %dma_wait3A_865 = arith.constant 0 : i32
          %dma_wait3A_866 = tpu.memref_slice %arg8[%sub3A_864, %dma_wait3A_865] : memref<80x128xi32, #tpu.memory_space<vmem>> -> memref<1x128xi32, #tpu.memory_space<vmem>>
          %dma_wait3A_867 = tpu.memref_squeeze %dma_wait3A_866 : memref<1x128xi32, #tpu.memory_space<vmem>> -> memref<128xi32, #tpu.memory_space<vmem>>
          %dma_wait3A_868 = arith.constant 0 : i32
          %dma_wait3A_869 = arith.constant 0 : i32
          %dma_wait3A_870 = tpu.memref_slice %arg16[%dma_wait3A_868, %dma_wait3A_869] : memref<10240x64xf32, #tpu.memory_space<vmem_shared>> -> memref<10240x64xf32, #tpu.memory_space<vmem_shared>>
          tpu.wait_indirect_dma semaphore(%arg25 : memref<!tpu.dma_semaphore, #tpu.memory_space<semaphore_mem>>) src(%arg11 : memref<128x64xf32, #tpu.memory_space<vmem>>) dst(%dma_wait3A_870 : memref<10240x64xf32, #tpu.memory_space<vmem_shared>>)
          %sub3A_871 = arith.constant 2 : i32
          %sub3A_872 = arith.subi %add3A_828, %sub3A_871 : i32
          %dma_wait3A_873 = arith.constant 0 : i32
          %dma_wait3A_874 = tpu.memref_slice %arg8[%sub3A_872, %dma_wait3A_873] : memref<80x128xi32, #tpu.memory_space<vmem>> -> memref<1x128xi32, #tpu.memory_space<vmem>>
          %dma_wait3A_875 = tpu.memref_squeeze %dma_wait3A_874 : memref<1x128xi32, #tpu.memory_space<vmem>> -> memref<128xi32, #tpu.memory_space<vmem>>
          %dma_wait3A_876 = arith.constant 0 : i32
          %dma_wait3A_877 = arith.constant 0 : i32
          %dma_wait3A_878 = tpu.memref_slice %arg17[%dma_wait3A_876, %dma_wait3A_877] : memref<10240x16xf32, #tpu.memory_space<vmem_shared>> -> memref<10240x16xf32, #tpu.memory_space<vmem_shared>>
          tpu.wait_indirect_dma semaphore(%arg25 : memref<!tpu.dma_semaphore, #tpu.memory_space<semaphore_mem>>) src(%arg14 : memref<128x16xf32, #tpu.memory_space<vmem>>) dst(%dma_wait3A_878 : memref<10240x16xf32, #tpu.memory_space<vmem_shared>>)
        } else {
        }
        %dma_start3A_858 = arith.constant 0 : i32
        %dma_start3A_859 = tpu.memref_slice %arg7[%add3A_830, %dma_start3A_858] : memref<80x128xi32, #tpu.memory_space<vmem>> -> memref<1x128xi32, #tpu.memory_space<vmem>>
        %dma_start3A_860 = tpu.memref_squeeze %dma_start3A_859 : memref<1x128xi32, #tpu.memory_space<vmem>> -> memref<128xi32, #tpu.memory_space<vmem>>
        %dma_start3A_861 = arith.constant 0 : i32
        %dma_start3A_862 = arith.constant 0 : i32
        %dma_start3A_863 = tpu.memref_slice %arg2[%dma_start3A_861, %dma_start3A_862] : memref<20000x64xf32, #tpu.memory_space<hbm>> -> memref<20000x64xf32, #tpu.memory_space<hbm>>
        tpu.enqueue_indirect_dma source(%dma_start3A_863 : memref<20000x64xf32, #tpu.memory_space<hbm>>) target(%arg11 : memref<128x64xf32, #tpu.memory_space<vmem>>) offsets(%dma_start3A_860 : memref<128xi32, #tpu.memory_space<vmem>>) semaphore(%arg20 : memref<!tpu.dma_semaphore, #tpu.memory_space<semaphore_mem>>)
      } else {
      }
      %dma_wait3A_836 = arith.constant 0 : i32
      %dma_wait3A_837 = tpu.memref_slice %arg7[%add3A_828, %dma_wait3A_836] : memref<80x128xi32, #tpu.memory_space<vmem>> -> memref<1x128xi32, #tpu.memory_space<vmem>>
      %dma_wait3A_838 = tpu.memref_squeeze %dma_wait3A_837 : memref<1x128xi32, #tpu.memory_space<vmem>> -> memref<128xi32, #tpu.memory_space<vmem>>
      %dma_wait3A_839 = arith.constant 0 : i32
      %dma_wait3A_840 = arith.constant 0 : i32
      %dma_wait3A_841 = tpu.memref_slice %arg2[%dma_wait3A_839, %dma_wait3A_840] : memref<20000x64xf32, #tpu.memory_space<hbm>> -> memref<20000x64xf32, #tpu.memory_space<hbm>>
      tpu.wait_indirect_dma semaphore(%arg22 : memref<!tpu.dma_semaphore, #tpu.memory_space<semaphore_mem>>) src(%dma_wait3A_841 : memref<20000x64xf32, #tpu.memory_space<hbm>>) dst(%arg13 : memref<128x64xf32, #tpu.memory_space<vmem>>)
      %dma_start3A_842 = arith.constant 0 : i32
      %dma_start3A_843 = tpu.memref_slice %arg8[%add3A_828, %dma_start3A_842] : memref<80x128xi32, #tpu.memory_space<vmem>> -> memref<1x128xi32, #tpu.memory_space<vmem>>
      %dma_start3A_844 = tpu.memref_squeeze %dma_start3A_843 : memref<1x128xi32, #tpu.memory_space<vmem>> -> memref<128xi32, #tpu.memory_space<vmem>>
      %dma_start3A_845 = arith.constant 0 : i32
      %dma_start3A_846 = arith.constant 0 : i32
      %dma_start3A_847 = tpu.memref_slice %arg16[%dma_start3A_845, %dma_start3A_846] : memref<10240x64xf32, #tpu.memory_space<vmem_shared>> -> memref<10240x64xf32, #tpu.memory_space<vmem_shared>>
      tpu.enqueue_indirect_dma source(%arg13 : memref<128x64xf32, #tpu.memory_space<vmem>>) target(%dma_start3A_847 : memref<10240x64xf32, #tpu.memory_space<vmem_shared>>) offsets(%dma_start3A_844 : memref<128xi32, #tpu.memory_space<vmem>>) semaphore(%arg27 : memref<!tpu.dma_semaphore, #tpu.memory_space<semaphore_mem>>) {add = true}
      %dma_start3A_848 = arith.constant 0 : i32
      %dma_start3A_849 = tpu.memref_slice %arg8[%add3A_828, %dma_start3A_848] : memref<80x128xi32, #tpu.memory_space<vmem>> -> memref<1x128xi32, #tpu.memory_space<vmem>>
      %dma_start3A_850 = tpu.memref_squeeze %dma_start3A_849 : memref<1x128xi32, #tpu.memory_space<vmem>> -> memref<128xi32, #tpu.memory_space<vmem>>
      %dma_start3A_851 = arith.constant 0 : i32
      %dma_start3A_852 = arith.constant 0 : i32
      %dma_start3A_853 = tpu.memref_slice %arg17[%dma_start3A_851, %dma_start3A_852] : memref<10240x16xf32, #tpu.memory_space<vmem_shared>> -> memref<10240x16xf32, #tpu.memory_space<vmem_shared>>
      tpu.enqueue_indirect_dma source(%arg14 : memref<128x16xf32, #tpu.memory_space<vmem>>) target(%dma_start3A_853 : memref<10240x16xf32, #tpu.memory_space<vmem_shared>>) offsets(%dma_start3A_850 : memref<128xi32, #tpu.memory_space<vmem>>) semaphore(%arg27 : memref<!tpu.dma_semaphore, #tpu.memory_space<semaphore_mem>>) {add = true}
    }
    %scan3A_648 = arith.constant 16 : i32
    %dma_wait3A_649 = arith.constant 75 : i32
    %dma_wait3A_650 = arith.constant 0 : i32
    %dma_wait3A_651 = tpu.memref_slice %arg8[%dma_wait3A_649, %dma_wait3A_650] : memref<80x128xi32, #tpu.memory_space<vmem>> -> memref<1x128xi32, #tpu.memory_space<vmem>>
    %dma_wait3A_652 = tpu.memref_squeeze %dma_wait3A_651 : memref<1x128xi32, #tpu.memory_space<vmem>> -> memref<128xi32, #tpu.memory_space<vmem>>
    %dma_wait3A_653 = arith.constant 0 : i32
    %dma_wait3A_654 = arith.constant 0 : i32
    %dma_wait3A_655 = tpu.memref_slice %arg16[%dma_wait3A_653, %dma_wait3A_654] : memref<10240x64xf32, #tpu.memory_space<vmem_shared>> -> memref<10240x64xf32, #tpu.memory_space<vmem_shared>>
    tpu.wait_indirect_dma semaphore(%arg23 : memref<!tpu.dma_semaphore, #tpu.memory_space<semaphore_mem>>) src(%arg9 : memref<128x64xf32, #tpu.memory_space<vmem>>) dst(%dma_wait3A_655 : memref<10240x64xf32, #tpu.memory_space<vmem_shared>>)
    %dma_wait3A_656 = arith.constant 75 : i32
    %dma_wait3A_657 = arith.constant 0 : i32
    %dma_wait3A_658 = tpu.memref_slice %arg8[%dma_wait3A_656, %dma_wait3A_657] : memref<80x128xi32, #tpu.memory_space<vmem>> -> memref<1x128xi32, #tpu.memory_space<vmem>>
    %dma_wait3A_659 = tpu.memref_squeeze %dma_wait3A_658 : memref<1x128xi32, #tpu.memory_space<vmem>> -> memref<128xi32, #tpu.memory_space<vmem>>
    %dma_wait3A_660 = arith.constant 0 : i32
    %dma_wait3A_661 = arith.constant 0 : i32
    %dma_wait3A_662 = tpu.memref_slice %arg17[%dma_wait3A_660, %dma_wait3A_661] : memref<10240x16xf32, #tpu.memory_space<vmem_shared>> -> memref<10240x16xf32, #tpu.memory_space<vmem_shared>>
    tpu.wait_indirect_dma semaphore(%arg23 : memref<!tpu.dma_semaphore, #tpu.memory_space<semaphore_mem>>) src(%arg14 : memref<128x16xf32, #tpu.memory_space<vmem>>) dst(%dma_wait3A_662 : memref<10240x16xf32, #tpu.memory_space<vmem_shared>>)
    %dma_wait3A_663 = arith.constant 76 : i32
    %dma_wait3A_664 = arith.constant 0 : i32
    %dma_wait3A_665 = tpu.memref_slice %arg8[%dma_wait3A_663, %dma_wait3A_664] : memref<80x128xi32, #tpu.memory_space<vmem>> -> memref<1x128xi32, #tpu.memory_space<vmem>>
    %dma_wait3A_666 = tpu.memref_squeeze %dma_wait3A_665 : memref<1x128xi32, #tpu.memory_space<vmem>> -> memref<128xi32, #tpu.memory_space<vmem>>
    %dma_wait3A_667 = arith.constant 0 : i32
    %dma_wait3A_668 = arith.constant 0 : i32
    %dma_wait3A_669 = tpu.memref_slice %arg16[%dma_wait3A_667, %dma_wait3A_668] : memref<10240x64xf32, #tpu.memory_space<vmem_shared>> -> memref<10240x64xf32, #tpu.memory_space<vmem_shared>>
    tpu.wait_indirect_dma semaphore(%arg24 : memref<!tpu.dma_semaphore, #tpu.memory_space<semaphore_mem>>) src(%arg10 : memref<128x64xf32, #tpu.memory_space<vmem>>) dst(%dma_wait3A_669 : memref<10240x64xf32, #tpu.memory_space<vmem_shared>>)
    %dma_wait3A_670 = arith.constant 76 : i32
    %dma_wait3A_671 = arith.constant 0 : i32
    %dma_wait3A_672 = tpu.memref_slice %arg8[%dma_wait3A_670, %dma_wait3A_671] : memref<80x128xi32, #tpu.memory_space<vmem>> -> memref<1x128xi32, #tpu.memory_space<vmem>>
    %dma_wait3A_673 = tpu.memref_squeeze %dma_wait3A_672 : memref<1x128xi32, #tpu.memory_space<vmem>> -> memref<128xi32, #tpu.memory_space<vmem>>
    %dma_wait3A_674 = arith.constant 0 : i32
    %dma_wait3A_675 = arith.constant 0 : i32
    %dma_wait3A_676 = tpu.memref_slice %arg17[%dma_wait3A_674, %dma_wait3A_675] : memref<10240x16xf32, #tpu.memory_space<vmem_shared>> -> memref<10240x16xf32, #tpu.memory_space<vmem_shared>>
    tpu.wait_indirect_dma semaphore(%arg24 : memref<!tpu.dma_semaphore, #tpu.memory_space<semaphore_mem>>) src(%arg14 : memref<128x16xf32, #tpu.memory_space<vmem>>) dst(%dma_wait3A_676 : memref<10240x16xf32, #tpu.memory_space<vmem_shared>>)
    %dma_wait3A_677 = arith.constant 77 : i32
    %dma_wait3A_678 = arith.constant 0 : i32
    %dma_wait3A_679 = tpu.memref_slice %arg8[%dma_wait3A_677, %dma_wait3A_678] : memref<80x128xi32, #tpu.memory_space<vmem>> -> memref<1x128xi32, #tpu.memory_space<vmem>>
    %dma_wait3A_680 = tpu.memref_squeeze %dma_wait3A_679 : memref<1x128xi32, #tpu.memory_space<vmem>> -> memref<128xi32, #tpu.memory_space<vmem>>
    %dma_wait3A_681 = arith.constant 0 : i32
    %dma_wait3A_682 = arith.constant 0 : i32
    %dma_wait3A_683 = tpu.memref_slice %arg16[%dma_wait3A_681, %dma_wait3A_682] : memref<10240x64xf32, #tpu.memory_space<vmem_shared>> -> memref<10240x64xf32, #tpu.memory_space<vmem_shared>>
    tpu.wait_indirect_dma semaphore(%arg25 : memref<!tpu.dma_semaphore, #tpu.memory_space<semaphore_mem>>) src(%arg11 : memref<128x64xf32, #tpu.memory_space<vmem>>) dst(%dma_wait3A_683 : memref<10240x64xf32, #tpu.memory_space<vmem_shared>>)
    %dma_wait3A_684 = arith.constant 77 : i32
    %dma_wait3A_685 = arith.constant 0 : i32
    %dma_wait3A_686 = tpu.memref_slice %arg8[%dma_wait3A_684, %dma_wait3A_685] : memref<80x128xi32, #tpu.memory_space<vmem>> -> memref<1x128xi32, #tpu.memory_space<vmem>>
    %dma_wait3A_687 = tpu.memref_squeeze %dma_wait3A_686 : memref<1x128xi32, #tpu.memory_space<vmem>> -> memref<128xi32, #tpu.memory_space<vmem>>
    %dma_wait3A_688 = arith.constant 0 : i32
    %dma_wait3A_689 = arith.constant 0 : i32
    %dma_wait3A_690 = tpu.memref_slice %arg17[%dma_wait3A_688, %dma_wait3A_689] : memref<10240x16xf32, #tpu.memory_space<vmem_shared>> -> memref<10240x16xf32, #tpu.memory_space<vmem_shared>>
    tpu.wait_indirect_dma semaphore(%arg25 : memref<!tpu.dma_semaphore, #tpu.memory_space<semaphore_mem>>) src(%arg14 : memref<128x16xf32, #tpu.memory_space<vmem>>) dst(%dma_wait3A_690 : memref<10240x16xf32, #tpu.memory_space<vmem_shared>>)
    %dma_wait3A_691 = arith.constant 78 : i32
    %dma_wait3A_692 = arith.constant 0 : i32
    %dma_wait3A_693 = tpu.memref_slice %arg8[%dma_wait3A_691, %dma_wait3A_692] : memref<80x128xi32, #tpu.memory_space<vmem>> -> memref<1x128xi32, #tpu.memory_space<vmem>>
    %dma_wait3A_694 = tpu.memref_squeeze %dma_wait3A_693 : memref<1x128xi32, #tpu.memory_space<vmem>> -> memref<128xi32, #tpu.memory_space<vmem>>
    %dma_wait3A_695 = arith.constant 0 : i32
    %dma_wait3A_696 = arith.constant 0 : i32
    %dma_wait3A_697 = tpu.memref_slice %arg16[%dma_wait3A_695, %dma_wait3A_696] : memref<10240x64xf32, #tpu.memory_space<vmem_shared>> -> memref<10240x64xf32, #tpu.memory_space<vmem_shared>>
    tpu.wait_indirect_dma semaphore(%arg26 : memref<!tpu.dma_semaphore, #tpu.memory_space<semaphore_mem>>) src(%arg12 : memref<128x64xf32, #tpu.memory_space<vmem>>) dst(%dma_wait3A_697 : memref<10240x64xf32, #tpu.memory_space<vmem_shared>>)
    %dma_wait3A_698 = arith.constant 78 : i32
    %dma_wait3A_699 = arith.constant 0 : i32
    %dma_wait3A_700 = tpu.memref_slice %arg8[%dma_wait3A_698, %dma_wait3A_699] : memref<80x128xi32, #tpu.memory_space<vmem>> -> memref<1x128xi32, #tpu.memory_space<vmem>>
    %dma_wait3A_701 = tpu.memref_squeeze %dma_wait3A_700 : memref<1x128xi32, #tpu.memory_space<vmem>> -> memref<128xi32, #tpu.memory_space<vmem>>
    %dma_wait3A_702 = arith.constant 0 : i32
    %dma_wait3A_703 = arith.constant 0 : i32
    %dma_wait3A_704 = tpu.memref_slice %arg17[%dma_wait3A_702, %dma_wait3A_703] : memref<10240x16xf32, #tpu.memory_space<vmem_shared>> -> memref<10240x16xf32, #tpu.memory_space<vmem_shared>>
    tpu.wait_indirect_dma semaphore(%arg26 : memref<!tpu.dma_semaphore, #tpu.memory_space<semaphore_mem>>) src(%arg14 : memref<128x16xf32, #tpu.memory_space<vmem>>) dst(%dma_wait3A_704 : memref<10240x16xf32, #tpu.memory_space<vmem_shared>>)
    %dma_wait3A_705 = arith.constant 79 : i32
    %dma_wait3A_706 = arith.constant 0 : i32
    %dma_wait3A_707 = tpu.memref_slice %arg8[%dma_wait3A_705, %dma_wait3A_706] : memref<80x128xi32, #tpu.memory_space<vmem>> -> memref<1x128xi32, #tpu.memory_space<vmem>>
    %dma_wait3A_708 = tpu.memref_squeeze %dma_wait3A_707 : memref<1x128xi32, #tpu.memory_space<vmem>> -> memref<128xi32, #tpu.memory_space<vmem>>
    %dma_wait3A_709 = arith.constant 0 : i32
    %dma_wait3A_710 = arith.constant 0 : i32
    %dma_wait3A_711 = tpu.memref_slice %arg16[%dma_wait3A_709, %dma_wait3A_710] : memref<10240x64xf32, #tpu.memory_space<vmem_shared>> -> memref<10240x64xf32, #tpu.memory_space<vmem_shared>>
    tpu.wait_indirect_dma semaphore(%arg27 : memref<!tpu.dma_semaphore, #tpu.memory_space<semaphore_mem>>) src(%arg13 : memref<128x64xf32, #tpu.memory_space<vmem>>) dst(%dma_wait3A_711 : memref<10240x64xf32, #tpu.memory_space<vmem_shared>>)
    %dma_wait3A_712 = arith.constant 79 : i32
    %dma_wait3A_713 = arith.constant 0 : i32
    %dma_wait3A_714 = tpu.memref_slice %arg8[%dma_wait3A_712, %dma_wait3A_713] : memref<80x128xi32, #tpu.memory_space<vmem>> -> memref<1x128xi32, #tpu.memory_space<vmem>>
    %dma_wait3A_715 = tpu.memref_squeeze %dma_wait3A_714 : memref<1x128xi32, #tpu.memory_space<vmem>> -> memref<128xi32, #tpu.memory_space<vmem>>
    %dma_wait3A_716 = arith.constant 0 : i32
    %dma_wait3A_717 = arith.constant 0 : i32
    %dma_wait3A_718 = tpu.memref_slice %arg17[%dma_wait3A_716, %dma_wait3A_717] : memref<10240x16xf32, #tpu.memory_space<vmem_shared>> -> memref<10240x16xf32, #tpu.memory_space<vmem_shared>>
    tpu.wait_indirect_dma semaphore(%arg27 : memref<!tpu.dma_semaphore, #tpu.memory_space<semaphore_mem>>) src(%arg14 : memref<128x16xf32, #tpu.memory_space<vmem>>) dst(%dma_wait3A_718 : memref<10240x16xf32, #tpu.memory_space<vmem_shared>>)
    %barrier3A_719 = arith.constant 0 : index
    tpu.barrier barrier_id(%barrier3A_719)
    "tpu.region"() ({
      %run_scoped3A = tpu.sem_alloc : memref<!tpu.dma_semaphore, #tpu.memory_space<semaphore_mem>>
      %dma_start3A_720 = arith.constant 0 : i32
      %dma_start3A_721 = tpu.memref_slice %arg5[%arg0, %mul3A_0, %dma_start3A_720] : memref<2x10240x64xf32, #tpu.memory_space<hbm>> -> memref<1x640x64xf32, #tpu.memory_space<hbm>>
      %dma_start3A_722 = tpu.memref_squeeze %dma_start3A_721 : memref<1x640x64xf32, #tpu.memory_space<hbm>> -> memref<640x64xf32, #tpu.memory_space<hbm>>
      %dma_start3A_723 = arith.constant 0 : i32
      %dma_start3A_724 = tpu.memref_slice %arg16[%mul3A_0, %dma_start3A_723] : memref<10240x64xf32, #tpu.memory_space<vmem_shared>> -> memref<640x64xf32, #tpu.memory_space<vmem_shared>>
      tpu.enqueue_dma source(%dma_start3A_724 : memref<640x64xf32, #tpu.memory_space<vmem_shared>>) target(%dma_start3A_722 : memref<640x64xf32, #tpu.memory_space<hbm>>) target_semaphore(%run_scoped3A : memref<!tpu.dma_semaphore, #tpu.memory_space<semaphore_mem>>)
      %dma_wait3A_725 = arith.constant 0 : i32
      %dma_wait3A_726 = tpu.memref_slice %arg5[%arg0, %mul3A_0, %dma_wait3A_725] : memref<2x10240x64xf32, #tpu.memory_space<hbm>> -> memref<1x640x64xf32, #tpu.memory_space<hbm>>
      %dma_wait3A_727 = tpu.memref_squeeze %dma_wait3A_726 : memref<1x640x64xf32, #tpu.memory_space<hbm>> -> memref<640x64xf32, #tpu.memory_space<hbm>>
      %dma_wait3A_728 = arith.constant 0 : i32
      %dma_wait3A_729 = tpu.memref_slice %arg16[%mul3A_0, %dma_wait3A_728] : memref<10240x64xf32, #tpu.memory_space<vmem_shared>> -> memref<640x64xf32, #tpu.memory_space<vmem_shared>>
      tpu.wait_dma2 semaphore(%run_scoped3A : memref<!tpu.dma_semaphore, #tpu.memory_space<semaphore_mem>>) src(%dma_wait3A_729 : memref<640x64xf32, #tpu.memory_space<vmem_shared>>) dst(%dma_wait3A_727 : memref<640x64xf32, #tpu.memory_space<hbm>>)
      tpu.yield
    }) : () -> ()
    "tpu.region"() ({
      %run_scoped3A = tpu.sem_alloc : memref<!tpu.dma_semaphore, #tpu.memory_space<semaphore_mem>>
      %dma_start3A_720 = arith.constant 0 : i32
      %dma_start3A_721 = tpu.memref_slice %arg6[%arg0, %mul3A_0, %dma_start3A_720] : memref<2x10240x16xf32, #tpu.memory_space<hbm>> -> memref<1x640x16xf32, #tpu.memory_space<hbm>>
      %dma_start3A_722 = tpu.memref_squeeze %dma_start3A_721 : memref<1x640x16xf32, #tpu.memory_space<hbm>> -> memref<640x16xf32, #tpu.memory_space<hbm>>
      %dma_start3A_723 = arith.constant 0 : i32
      %dma_start3A_724 = tpu.memref_slice %arg17[%mul3A_0, %dma_start3A_723] : memref<10240x16xf32, #tpu.memory_space<vmem_shared>> -> memref<640x16xf32, #tpu.memory_space<vmem_shared>>
      tpu.enqueue_dma source(%dma_start3A_724 : memref<640x16xf32, #tpu.memory_space<vmem_shared>>) target(%dma_start3A_722 : memref<640x16xf32, #tpu.memory_space<hbm>>) target_semaphore(%run_scoped3A : memref<!tpu.dma_semaphore, #tpu.memory_space<semaphore_mem>>)
      %dma_wait3A_725 = arith.constant 0 : i32
      %dma_wait3A_726 = tpu.memref_slice %arg6[%arg0, %mul3A_0, %dma_wait3A_725] : memref<2x10240x16xf32, #tpu.memory_space<hbm>> -> memref<1x640x16xf32, #tpu.memory_space<hbm>>
      %dma_wait3A_727 = tpu.memref_squeeze %dma_wait3A_726 : memref<1x640x16xf32, #tpu.memory_space<hbm>> -> memref<640x16xf32, #tpu.memory_space<hbm>>
      %dma_wait3A_728 = arith.constant 0 : i32
      %dma_wait3A_729 = tpu.memref_slice %arg17[%mul3A_0, %dma_wait3A_728] : memref<10240x16xf32, #tpu.memory_space<vmem_shared>> -> memref<640x16xf32, #tpu.memory_space<vmem_shared>>
      tpu.wait_dma2 semaphore(%run_scoped3A : memref<!tpu.dma_semaphore, #tpu.memory_space<semaphore_mem>>) src(%dma_wait3A_729 : memref<640x16xf32, #tpu.memory_space<vmem_shared>>) dst(%dma_wait3A_727 : memref<640x16xf32, #tpu.memory_space<hbm>>)
      tpu.yield
    }) : () -> ()
    return
  }
}

module attributes {stable_mosaic.version = 14 : i64} {
  func.func @body(%arg0: i32, %arg1: i32, %arg2: memref<1000x128xf32, #tpu.memory_space<vmem>>, %arg3: memref<1x1000x64xf32, #tpu.memory_space<vmem>>, %arg4: memref<1x1000x64xf32, #tpu.memory_space<vmem>>, %arg5: memref<1x1000x16xf32, #tpu.memory_space<vmem>>, %arg6: memref<128x128xf32, #tpu.memory_space<vmem>>, %arg7: memref<128x128xf32, #tpu.memory_space<vmem>>, %arg8: memref<1x128xf32, #tpu.memory_space<vmem>>, %arg9: memref<1x128xf32, #tpu.memory_space<vmem>>, %arg10: memref<1x128xf32, #tpu.memory_space<vmem>>, %arg11: memref<1000x128xf32, #tpu.memory_space<vmem>>, %arg12: memref<10000x128xf32, #tpu.memory_space<vmem>>, %arg13: memref<8x128xf32, #tpu.memory_space<vmem>>) attributes {dimension_semantics = [#tpu.dimension_semantics<arbitrary>, #tpu.dimension_semantics<arbitrary>], iteration_bounds = array<i64: 2, 10>, scalar_prefetch = 0 : i64, scratch_operands = 2 : i64, tpu.core_type = #tpu.core_type<tc>, window_params = [{transform_indices = @transform_0, window_bounds = array<i64: 1000, 128>}, {transform_indices = @transform_1, window_bounds = array<i64: 1, 1000, 64>}, {transform_indices = @transform_2, window_bounds = array<i64: 1, 1000, 64>}, {transform_indices = @transform_3, window_bounds = array<i64: 1, 1000, 16>}, {pipeline_mode = #tpu.pipeline_mode<synchronous>, transform_indices = @transform_4, window_bounds = array<i64: 128, 128>}, {pipeline_mode = #tpu.pipeline_mode<synchronous>, transform_indices = @transform_5, window_bounds = array<i64: 128, 128>}, {pipeline_mode = #tpu.pipeline_mode<synchronous>, transform_indices = @transform_6, window_bounds = array<i64: 1, 128>}, {pipeline_mode = #tpu.pipeline_mode<synchronous>, transform_indices = @transform_7, window_bounds = array<i64: 1, 128>}, {pipeline_mode = #tpu.pipeline_mode<synchronous>, transform_indices = @transform_8, window_bounds = array<i64: 1, 128>}, {transform_indices = @transform_9, window_bounds = array<i64: 1000, 128>}]} {
    %eq3A = arith.constant 0 : i32
    %eq3A_0 = arith.cmpi eq, %arg0, %eq3A : i32
    %convert_element_type3A = arith.extui %eq3A_0 : i1 to i32
    %cond3A = arith.constant 0 : i32
    %cond3A_1 = arith.cmpi ne, %convert_element_type3A, %cond3A : i32
    scf.if %cond3A_1 {
      %get3A = arith.constant 0 : index
      %get3A_7 = arith.constant 0 : index
      %get3A_8 = arith.constant 0 : index
      %get3A_9 = vector.load %arg5[%get3A, %get3A_7, %get3A_8] : memref<1x1000x16xf32, #tpu.memory_space<vmem>>, vector<1x1000x1xf32>
      %get3A_10 = vector.shape_cast %get3A_9 : vector<1x1000x1xf32> to vector<1000x1xf32>
      %max3A = arith.constant 1.000000e+00 : f32
      %max3A_11 = vector.broadcast %max3A : f32 to vector<1000x1xf32>
      %max3A_12 = arith.maximumf %get3A_10, %max3A_11 : vector<1000x1xf32>
      %get3A_13 = arith.constant 0 : index
      %get3A_14 = arith.constant 0 : index
      %get3A_15 = arith.constant 0 : index
      %get3A_16 = vector.load %arg3[%get3A_13, %get3A_14, %get3A_15] : memref<1x1000x64xf32, #tpu.memory_space<vmem>>, vector<1x1000x64xf32>
      %get3A_17 = vector.shape_cast %get3A_16 : vector<1x1000x64xf32> to vector<1000x64xf32>
      %div3A = vector.broadcast %max3A_12 : vector<1000x1xf32> to vector<1000x64xf32>
      %div3A_18 = arith.divf %get3A_17, %div3A : vector<1000x64xf32>
      %get3A_19 = arith.constant 0 : index
      %get3A_20 = arith.constant 0 : index
      %get3A_21 = arith.constant 0 : index
      %get3A_22 = vector.load %arg4[%get3A_19, %get3A_20, %get3A_21] : memref<1x1000x64xf32, #tpu.memory_space<vmem>>, vector<1x1000x64xf32>
      %get3A_23 = vector.shape_cast %get3A_22 : vector<1x1000x64xf32> to vector<1000x64xf32>
      %div3A_24 = vector.broadcast %max3A_12 : vector<1000x1xf32> to vector<1000x64xf32>
      %div3A_25 = arith.divf %get3A_23, %div3A_24 : vector<1000x64xf32>
      %get3A_26 = arith.constant 0 : index
      %get3A_27 = arith.constant 0 : index
      %get3A_28 = vector.load %arg6[%get3A_26, %get3A_27] : memref<128x128xf32, #tpu.memory_space<vmem>>, vector<64x128xf32>
      %dot_general3A = arith.constant dense<0.000000e+00> : vector<1000x128xf32>
      %dot_general3A_29 = tpu.matmul %div3A_18, %get3A_28, %dot_general3A {dimension_numbers = #tpu.dot_dimension_numbers<[1], [0], [0], [1], [0, 0, 1, 1], [], []>, precision = #tpu.contract_precision<fp32>, transpose_lhs_hint = false} : vector<1000x64xf32>, vector<64x128xf32>, vector<1000x128xf32> -> vector<1000x128xf32>
      %get3A_30 = arith.constant 64 : index
      %get3A_31 = arith.constant 0 : index
      %get3A_32 = vector.load %arg6[%get3A_30, %get3A_31] : memref<128x128xf32, #tpu.memory_space<vmem>>, vector<64x128xf32>
      %dot_general3A_33 = arith.constant dense<0.000000e+00> : vector<1000x128xf32>
      %dot_general3A_34 = tpu.matmul %div3A_25, %get3A_32, %dot_general3A_33 {dimension_numbers = #tpu.dot_dimension_numbers<[1], [0], [0], [1], [0, 0, 1, 1], [], []>, precision = #tpu.contract_precision<fp32>, transpose_lhs_hint = false} : vector<1000x64xf32>, vector<64x128xf32>, vector<1000x128xf32> -> vector<1000x128xf32>
      %add3A = arith.addf %dot_general3A_29, %dot_general3A_34 : vector<1000x128xf32>
      %get3A_35 = arith.constant 0 : index
      %get3A_36 = arith.constant 0 : index
      %get3A_37 = vector.load %arg2[%get3A_35, %get3A_36] : memref<1000x128xf32, #tpu.memory_space<vmem>>, vector<1000x128xf32>
      %get3A_38 = arith.constant 0 : index
      %get3A_39 = arith.constant 0 : index
      %get3A_40 = vector.load %arg7[%get3A_38, %get3A_39] : memref<128x128xf32, #tpu.memory_space<vmem>>, vector<128x128xf32>
      %dot_general3A_41 = arith.constant dense<0.000000e+00> : vector<1000x128xf32>
      %dot_general3A_42 = tpu.matmul %get3A_37, %get3A_40, %dot_general3A_41 {dimension_numbers = #tpu.dot_dimension_numbers<[1], [0], [0], [1], [0, 0, 1, 1], [], []>, precision = #tpu.contract_precision<fp32>, transpose_lhs_hint = false} : vector<1000x128xf32>, vector<128x128xf32>, vector<1000x128xf32> -> vector<1000x128xf32>
      %add3A_43 = arith.addf %add3A, %dot_general3A_42 : vector<1000x128xf32>
      %get3A_44 = arith.constant 0 : index
      %get3A_45 = arith.constant 0 : index
      %get3A_46 = vector.load %arg8[%get3A_44, %get3A_45] : memref<1x128xf32, #tpu.memory_space<vmem>>, vector<1x128xf32>
      %add3A_47 = vector.broadcast %get3A_46 : vector<1x128xf32> to vector<1000x128xf32>
      %add3A_48 = arith.addf %add3A_43, %add3A_47 : vector<1000x128xf32>
      %mul3A = arith.constant 1000 : i32
      %mul3A_49 = arith.muli %arg1, %mul3A : i32
      %swap3A = arith.index_cast %mul3A_49 : i32 to index
      %swap3A_50 = arith.constant 0 : index
      %swap3A_51 = vector.load %arg12[%swap3A, %swap3A_50] : memref<10000x128xf32, #tpu.memory_space<vmem>>, vector<1000x128xf32>
      tpu.vector_store %arg12[%swap3A, %swap3A_50], %add3A_48 {strides = array<i32>} : memref<10000x128xf32, #tpu.memory_space<vmem>>, vector<1000x128xf32>,
      %eq3A_52 = arith.constant 0 : i32
      %eq3A_53 = arith.cmpi eq, %arg1, %eq3A_52 : i32
      %convert_element_type3A_54 = arith.extui %eq3A_53 : i1 to i32
      %cond3A_55 = arith.constant 0 : i32
      %cond3A_56 = arith.cmpi ne, %convert_element_type3A_54, %cond3A_55 : i32
      scf.if %cond3A_56 {
        %broadcast_in_dim3A_76 = arith.constant 0.000000e+00 : f32
        %broadcast_in_dim3A_77 = vector.broadcast %broadcast_in_dim3A_76 : f32 to vector<2x128xf32>
        %swap3A_78 = arith.constant 0 : index
        %swap3A_79 = arith.constant 0 : index
        %swap3A_80 = vector.load %arg13[%swap3A_78, %swap3A_79] : memref<8x128xf32, #tpu.memory_space<vmem>>, vector<2x128xf32>
        tpu.vector_store %arg13[%swap3A_78, %swap3A_79], %broadcast_in_dim3A_77 {strides = array<i32>} : memref<8x128xf32, #tpu.memory_space<vmem>>, vector<2x128xf32>,
      } else {
      }
      %get3A_57 = arith.constant 0 : index
      %get3A_58 = arith.constant 0 : index
      %get3A_59 = vector.load %arg13[%get3A_57, %get3A_58] : memref<8x128xf32, #tpu.memory_space<vmem>>, vector<1x128xf32>
      %reduce_sum3A = arith.constant dense<0.000000e+00> : vector<128xf32>
      %reduce_sum3A_60 = vector.multi_reduction <add>, %add3A_48, %reduce_sum3A [0] : vector<1000x128xf32> to vector<128xf32>
      %broadcast_in_dim3A = vector.shape_cast %reduce_sum3A_60 : vector<128xf32> to vector<1x128xf32>
      %add3A_61 = arith.addf %get3A_59, %broadcast_in_dim3A : vector<1x128xf32>
      %swap3A_62 = arith.constant 0 : index
      %swap3A_63 = arith.constant 0 : index
      %swap3A_64 = vector.load %arg13[%swap3A_62, %swap3A_63] : memref<8x128xf32, #tpu.memory_space<vmem>>, vector<1x128xf32>
      tpu.vector_store %arg13[%swap3A_62, %swap3A_63], %add3A_61 {strides = array<i32>} : memref<8x128xf32, #tpu.memory_space<vmem>>, vector<1x128xf32>,
      %get3A_65 = arith.constant 1 : index
      %get3A_66 = arith.constant 0 : index
      %get3A_67 = vector.load %arg13[%get3A_65, %get3A_66] : memref<8x128xf32, #tpu.memory_space<vmem>>, vector<1x128xf32>
      %mul3A_68 = arith.mulf %add3A_48, %add3A_48 : vector<1000x128xf32>
      %reduce_sum3A_69 = arith.constant dense<0.000000e+00> : vector<128xf32>
      %reduce_sum3A_70 = vector.multi_reduction <add>, %mul3A_68, %reduce_sum3A_69 [0] : vector<1000x128xf32> to vector<128xf32>
      %broadcast_in_dim3A_71 = vector.shape_cast %reduce_sum3A_70 : vector<128xf32> to vector<1x128xf32>
      %add3A_72 = arith.addf %get3A_67, %broadcast_in_dim3A_71 : vector<1x128xf32>
      %swap3A_73 = arith.constant 1 : index
      %swap3A_74 = arith.constant 0 : index
      %swap3A_75 = vector.load %arg13[%swap3A_73, %swap3A_74] : memref<8x128xf32, #tpu.memory_space<vmem>>, vector<1x128xf32>
      tpu.vector_store %arg13[%swap3A_73, %swap3A_74], %add3A_72 {strides = array<i32>} : memref<8x128xf32, #tpu.memory_space<vmem>>, vector<1x128xf32>,
    } else {
    }
    %eq3A_2 = arith.constant 1 : i32
    %eq3A_3 = arith.cmpi eq, %arg0, %eq3A_2 : i32
    %convert_element_type3A_4 = arith.extui %eq3A_3 : i1 to i32
    %cond3A_5 = arith.constant 0 : i32
    %cond3A_6 = arith.cmpi ne, %convert_element_type3A_4, %cond3A_5 : i32
    scf.if %cond3A_6 {
      %get3A = arith.constant 0 : index
      %get3A_7 = arith.constant 0 : index
      %get3A_8 = vector.load %arg13[%get3A, %get3A_7] : memref<8x128xf32, #tpu.memory_space<vmem>>, vector<1x128xf32>
      %mul3A = arith.constant 9.99999974E-5 : f32
      %mul3A_9 = vector.broadcast %mul3A : f32 to vector<1x128xf32>
      %mul3A_10 = arith.mulf %get3A_8, %mul3A_9 : vector<1x128xf32>
      %get3A_11 = arith.constant 1 : index
      %get3A_12 = arith.constant 0 : index
      %get3A_13 = vector.load %arg13[%get3A_11, %get3A_12] : memref<8x128xf32, #tpu.memory_space<vmem>>, vector<1x128xf32>
      %mul3A_14 = arith.constant 9.99999974E-5 : f32
      %mul3A_15 = vector.broadcast %mul3A_14 : f32 to vector<1x128xf32>
      %mul3A_16 = arith.mulf %get3A_13, %mul3A_15 : vector<1x128xf32>
      %mul3A_17 = arith.mulf %mul3A_10, %mul3A_10 : vector<1x128xf32>
      %sub3A = arith.subf %mul3A_16, %mul3A_17 : vector<1x128xf32>
      %mul3A_18 = arith.constant 1000 : i32
      %mul3A_19 = arith.muli %arg1, %mul3A_18 : i32
      %get3A_20 = arith.index_cast %mul3A_19 : i32 to index
      %get3A_21 = arith.constant 0 : index
      %get3A_22 = vector.load %arg12[%get3A_20, %get3A_21] : memref<10000x128xf32, #tpu.memory_space<vmem>>, vector<1000x128xf32>
      %sub3A_23 = vector.broadcast %mul3A_10 : vector<1x128xf32> to vector<1000x128xf32>
      %sub3A_24 = arith.subf %get3A_22, %sub3A_23 : vector<1000x128xf32>
      %add3A = arith.constant 9.99999974E-6 : f32
      %add3A_25 = vector.broadcast %add3A : f32 to vector<1x128xf32>
      %add3A_26 = arith.addf %sub3A, %add3A_25 : vector<1x128xf32>
      %rsqrt3A = math.rsqrt %add3A_26 : vector<1x128xf32>
      %mul3A_27 = vector.broadcast %rsqrt3A : vector<1x128xf32> to vector<1000x128xf32>
      %mul3A_28 = arith.mulf %sub3A_24, %mul3A_27 : vector<1000x128xf32>
      %get3A_29 = arith.constant 0 : index
      %get3A_30 = arith.constant 0 : index
      %get3A_31 = vector.load %arg9[%get3A_29, %get3A_30] : memref<1x128xf32, #tpu.memory_space<vmem>>, vector<1x128xf32>
      %mul3A_32 = vector.broadcast %get3A_31 : vector<1x128xf32> to vector<1000x128xf32>
      %mul3A_33 = arith.mulf %mul3A_28, %mul3A_32 : vector<1000x128xf32>
      %get3A_34 = arith.constant 0 : index
      %get3A_35 = arith.constant 0 : index
      %get3A_36 = vector.load %arg10[%get3A_34, %get3A_35] : memref<1x128xf32, #tpu.memory_space<vmem>>, vector<1x128xf32>
      %add3A_37 = vector.broadcast %get3A_36 : vector<1x128xf32> to vector<1000x128xf32>
      %add3A_38 = arith.addf %mul3A_33, %add3A_37 : vector<1000x128xf32>
      %max3A = arith.constant 0.000000e+00 : f32
      %max3A_39 = vector.broadcast %max3A : f32 to vector<1000x128xf32>
      %max3A_40 = arith.maximumf %add3A_38, %max3A_39 : vector<1000x128xf32>
      %get3A_41 = arith.constant 0 : index
      %get3A_42 = arith.constant 0 : index
      %get3A_43 = vector.load %arg2[%get3A_41, %get3A_42] : memref<1000x128xf32, #tpu.memory_space<vmem>>, vector<1000x128xf32>
      %add3A_44 = arith.addf %max3A_40, %get3A_43 : vector<1000x128xf32>
      %swap3A = arith.constant 0 : index
      %swap3A_45 = arith.constant 0 : index
      %swap3A_46 = vector.load %arg11[%swap3A, %swap3A_45] : memref<1000x128xf32, #tpu.memory_space<vmem>>, vector<1000x128xf32>
      tpu.vector_store %arg11[%swap3A, %swap3A_45], %add3A_44 {strides = array<i32>} : memref<1000x128xf32, #tpu.memory_space<vmem>>, vector<1000x128xf32>,
    } else {
    }
    return
  }
  func.func @transform_0(%arg0: i32, %arg1: i32) -> (i32, i32) {
    %c0_i32 = arith.constant 0 : i32
    %c0_i32_0 = arith.constant 0 : i32
    return %arg1, %c0_i32 : i32, i32
  }
  func.func @transform_1(%arg0: i32, %arg1: i32) -> (i32, i32, i32) {
    %c0_i32 = arith.constant 0 : i32
    %c0_i32_0 = arith.constant 0 : i32
    %c0_i32_1 = arith.constant 0 : i32
    return %c0_i32, %arg1, %c0_i32_0 : i32, i32, i32
  }
  func.func @transform_2(%arg0: i32, %arg1: i32) -> (i32, i32, i32) {
    %c1_i32 = arith.constant 1 : i32
    %c0_i32 = arith.constant 0 : i32
    %c0_i32_0 = arith.constant 0 : i32
    return %c1_i32, %arg1, %c0_i32 : i32, i32, i32
  }
  func.func @transform_3(%arg0: i32, %arg1: i32) -> (i32, i32, i32) {
    %c0_i32 = arith.constant 0 : i32
    %c0_i32_0 = arith.constant 0 : i32
    %c0_i32_1 = arith.constant 0 : i32
    return %c0_i32, %arg1, %c0_i32_0 : i32, i32, i32
  }
  func.func @transform_4(%arg0: i32, %arg1: i32) -> (i32, i32) {
    %c0_i32 = arith.constant 0 : i32
    %c0_i32_0 = arith.constant 0 : i32
    %c0_i32_1 = arith.constant 0 : i32
    return %c0_i32, %c0_i32_0 : i32, i32
  }
  func.func @transform_5(%arg0: i32, %arg1: i32) -> (i32, i32) {
    %c0_i32 = arith.constant 0 : i32
    %c0_i32_0 = arith.constant 0 : i32
    %c0_i32_1 = arith.constant 0 : i32
    return %c0_i32, %c0_i32_0 : i32, i32
  }
  func.func @transform_6(%arg0: i32, %arg1: i32) -> (i32, i32) {
    %c0_i32 = arith.constant 0 : i32
    %c0_i32_0 = arith.constant 0 : i32
    %c0_i32_1 = arith.constant 0 : i32
    return %c0_i32, %c0_i32_0 : i32, i32
  }
  func.func @transform_7(%arg0: i32, %arg1: i32) -> (i32, i32) {
    %c0_i32 = arith.constant 0 : i32
    %c0_i32_0 = arith.constant 0 : i32
    %c0_i32_1 = arith.constant 0 : i32
    return %c0_i32, %c0_i32_0 : i32, i32
  }
  func.func @transform_8(%arg0: i32, %arg1: i32) -> (i32, i32) {
    %c0_i32 = arith.constant 0 : i32
    %c0_i32_0 = arith.constant 0 : i32
    %c0_i32_1 = arith.constant 0 : i32
    return %c0_i32, %c0_i32_0 : i32, i32
  }
  func.func @transform_9(%arg0: i32, %arg1: i32) -> (i32, i32) {
    %c0_i32 = arith.constant 0 : i32
    %c0_i32_0 = arith.constant 0 : i32
    return %arg1, %c0_i32 : i32, i32
  }
}

</mosaic_0001>

<sc_bundles>
// kernel: kernel.4.cloned.1.call-start
scs
__scs_entry_jumppad:
0x0: {  	(pc) =	sbr.rel $0x88, $3  }
0x1: {  	(tag) =	ssettag $0x0;
	lr =	simm.s32 $0x1  }
0x2: {  	[smem:$0x3F9A] =	sst lr;
	_ =	strace $0xD0000000  }
0x3: {  	_ = 	snop  }
0x4: {  	_ = 	snop  }
0x5: {  	_ = 	snop  }
0x6: {  	_ = 	snop  }
0x7: {  	_ = 	snop  }
__scs_overlays_trampoline_lowered:
0x8: {  	[smem:$0x3FA9] =	sst s0  }
0x9: {  	[smem:$0x3FAA] =	sst s1  }
0xa: {  	[smem:$0x3FAB] =	sst s2  }
0xb: {  	[smem:$0x3FAC] =	sst s3  }
0xc: {  	[smem:$0x3FAD] =	sst s4  }
0xd: {  	[smem:$0x3FAE] =	sst s5  }
0xe: {  	[smem:$0x3FAF] =	sst s6  }
0xf: {  	[smem:$0x3FB0] =	sst s7  }
0x10: {  	[smem:$0x3FB1] =	sst s8  }
0x11: {  	[smem:$0x3FB2] =	sst s9;
	s0 =	simm.s32 @!p0 $0x0  }
0x12: {  	s1 =	sld [smem:$0x3F98];
	s0 =	simm.s32 @p0 $0x1  }
0x13: {  	[smem:$0x3FB3] =	sst s0;
	s0 =	simm.s32 @!p1 $0x0  }
0x14: {  	s2 =	sld [smem:$0x3F97];
	s0 =	simm.s32 @p1 $0x1  }
0x15: {  	[smem:$0x3FB4] =	sst s0;
	s0 =	simm.s32 @!p2 $0x0  }
0x16: {  	s3 =	sld [smem:$0x3FDB];
	s0 =	simm.s32 @p2 $0x1  }
0x17: {  	s4 =	simm.s32 $0x1BF5;
	[smem:$0x3FB6] =	sst s0  }
0x18: {  	s0 =	sld [smem:$0x3F99];
	_ =	swait.ge [sflag:s4], $0x0  }
0x19: {  	s7 =	sld [smem:$0x3F9A]  }
0x1a: {  	s8 =	sadd.s32 $0xFFFFE003, lr  }
0x1b: {  	s9 =	sadd.s32 $0xFFFFFEF7, lr;
	s5 =	simm.s32 $0xFFFFFFFF;
	p2 =	slt.u32 s8, $0xFFFFF086  }
0x1c: {  	p1 =	slt.u32 s9, $0xF7A;
	s5 =	simm.s32 @!p2 $0x0  }
0x1d: {  	s5 =	simm.s32 @p1 $0x1;
	p0 =	seq.s32 s7, s2  }
0x1e: {  	s7 =	smul.u32 @!p0 $0xF7A, s2;
	p2 =	seq.s32 @!p0 s5, $0x0  }
0x1f: {  	s9 =	smul.u32 $0xF7A, s1;
	s8 =	simm.s32 @!p0 $0x1BF5;
	p2 =	por !p2, p0  }
0x20: {  	[sflag:s8] =	ssyncset.s32 @!p0 $0xFFFFF086;
	s6 =	sadd.s32 @!p0 s3, s7;
	s7 =	simm.s32 @!p0 $0x108  }
0x21: {  	s3 =	sadd.s32 s3, s9;
	s6 =	sadd.s32 @!p0 $0x88, s6;
	s7 =	simm.s32 @p2 $0x1082  }
0x22: {  	[simem:s7], [sflag:s8] =	dma.local @!p0 [hbm:s6], $0xF7A  }
0x23: {  	s9 =	sor.u32 $0xD0000000, s2;
	s6 =	simm.s32 $0x108;
	_ =	swait.ge @!p0 [sflag:s8], $0x0  }
0x24: {  	s3 =	sadd.s32 $0x88, s3;
	s6 =	simm.s32 @!p1 $0x1082;
	[sflag:s4] =	ssyncset.s32 $0xFFFFF086  }
0x25: {  	[simem:s6], [sflag:s4] =	dma.local [hbm:s3], $0xF7A  }
0x26: {  	[smem:$0x3F9A] =	sst s1;
	(tag) =	ssettag s2;
	_ =	strace s9  }
0x27: {  	s1 =	sld [smem:$0x3FAA]  }
0x28: {  	s2 =	sld [smem:$0x3FAB]  }
0x29: {  	s4 =	sld [smem:$0x3FAD]  }
0x2a: {  	p0 =	seq.s32 s5, $0x0;
	s5 =	sld [smem:$0x3FAE]  }
0x2b: {  	s6 =	sld [smem:$0x3FAF]  }
0x2c: {  	s7 =	sld [smem:$0x3FB0]  }
0x2d: {  	s3 =	simm.s32 $0x108;
	s8 =	sld [smem:$0x3FB1]  }
0x2e: {  	s3 =	simm.s32 @!p0 $0x1082;
	s9 =	sld [smem:$0x3FB2]  }
0x2f: {  	lr =	sadd.s32 s0, s3;
	s0 =	sld [smem:$0x3FA9]  }
0x30: {  	s3 =	sld [smem:$0x3FAC]  }
0x31: {  	[smem:$0x3FB5] =	sst s10  }
0x32: {  	s10 =	sld [smem:$0x3FB3];
	_ =	sdelay $0x3  }
0x33: {  	p0 =	seq.s32 s10, $0x1;
	s10 =	sld [smem:$0x3FB5];
	_ =	sdelay $0x3  }
0x34: {  	[smem:$0x3FB5] =	sst s10  }
0x35: {  	s10 =	sld [smem:$0x3FB4];
	_ =	sdelay $0x3  }
0x36: {  	p1 =	seq.s32 s10, $0x1;
	s10 =	sld [smem:$0x3FB5];
	_ =	sdelay $0x3  }
0x37: {  	[smem:$0x3FB5] =	sst s10  }
0x38: {  	s10 =	sld [smem:$0x3FB6]  }
0x39: {  	_ = 	snop;
	(pc) =	sbr.ind lr, $3  }
0x3a: {  	_ = 	snop  }
0x3b: {  	_ = 	snop  }
0x3c: {  	p2 =	seq.s32 s10, $0x1;
	s10 =	sld [smem:$0x3FB5]  }
0x3d: {  	_ =	shalt  }
0x3e: {  	_ =	shalt  }
0x3f: {  	_ =	shalt  }
0x40: {  	_ =	shalt  }
0x41: {  	_ =	shalt  }
0x42: {  	_ =	shalt  }
0x43: {  	_ =	shalt  }
0x44: {  	_ =	shalt  }
0x45: {  	_ =	shalt  }
0x46: {  	_ =	shalt  }
0x47: {  	_ =	shalt  }
0x48: {  	_ =	shalt  }
0x49: {  	_ =	shalt  }
0x4a: {  	_ =	shalt  }
0x4b: {  	_ =	shalt  }
0x4c: {  	_ =	shalt  }
0x4d: {  	_ =	shalt  }
0x4e: {  	_ =	shalt  }
0x4f: {  	_ =	shalt  }
0x50: {  	_ =	shalt  }
0x51: {  	_ =	shalt  }
0x52: {  	_ =	shalt  }
0x53: {  	_ =	shalt  }
0x54: {  	_ =	shalt  }
0x55: {  	_ =	shalt  }
0x56: {  	_ =	shalt  }
0x57: {  	_ =	shalt  }
0x58: {  	_ =	shalt  }
0x59: {  	_ =	shalt  }
0x5a: {  	_ =	shalt  }
0x5b: {  	_ =	shalt  }
0x5c: {  	_ =	shalt  }
0x5d: {  	_ =	shalt  }
0x5e: {  	_ =	shalt  }
0x5f: {  	_ =	shalt  }
0x60: {  	_ =	shalt  }
0x61: {  	_ =	shalt  }
0x62: {  	_ =	shalt  }
0x63: {  	_ =	shalt  }
0x64: {  	_ =	shalt  }
0x65: {  	_ =	shalt  }
0x66: {  	_ =	shalt  }
0x67: {  	_ =	shalt  }
0x68: {  	_ =	shalt  }
0x69: {  	_ =	shalt  }
0x6a: {  	_ =	shalt  }
0x6b: {  	_ =	shalt  }
0x6c: {  	_ =	shalt  }
0x6d: {  	_ =	shalt  }
0x6e: {  	_ =	shalt  }
0x6f: {  	_ =	shalt  }
0x70: {  	_ =	shalt  }
0x71: {  	_ =	shalt  }
0x72: {  	_ =	shalt  }
0x73: {  	_ =	shalt  }
0x74: {  	_ =	shalt  }
0x75: {  	_ =	shalt  }
0x76: {  	_ =	shalt  }
0x77: {  	_ =	shalt  }
0x78: {  	_ =	shalt  }
0x79: {  	_ =	shalt  }
0x7a: {  	_ =	shalt  }
0x7b: {  	_ =	shalt  }
0x7c: {  	_ =	shalt  }
0x7d: {  	_ =	shalt  }
0x7e: {  	_ =	shalt  }
0x7f: {  	_ =	shalt  }
0x80: {  	_ =	shalt  }
0x81: {  	_ =	shalt  }
0x82: {  	_ =	shalt  }
0x83: {  	_ =	shalt  }
0x84: {  	_ =	shalt  }
0x85: {  	_ =	shalt  }
0x86: {  	_ =	shalt  }
0x87: {  	_ =	shalt  }
.Lfunc_end0:
.L_simem_size_0:
called_computation_lowered:
.L_overlay_start_0:
0x88: {  	s2 =	sld [smem:$0x3FD9]  }
0x89: {  	s3 =	sld [smem:$0x3FFE];
	_ =	sdelay $0x1  }
0x8a: {  	s1 =	srdreg.scid  }
0x8b: {  	s0 =	sand.u32 $0x1, s1  }
0x8c: {  	s17 =	sshll.u32 s0, $0xA;
	s2 =	sadd.s32 s3, s2  }
0x8d: {  	s2 =	sadd.s32 s2, s17  }
0x8e: {  	[smem:$0x3FC1] =	sst s2  }
0x8f: {  	_ = 	snop  }
0x90: {  	s2 =	sld [smem:$0x3FC9]  }
0x91: {  	s18 =	sld [smem:$0x3FD0];
	(tm) =	ssettm $0x1  }
0x92: {  	s4 =	sld [smem:$0x3FFB];
	_ =	sdelay $0x3  }
0x93: {  	_ =	strace s4  }
0x94: {  	s4 =	sld [smem:$0x3FFC];
	_ =	sdelay $0x3  }
0x95: {  	_ =	strace s4  }
0x96: {  	s4 =	sld [smem:$0x3FFD];
	_ =	sdelay $0x3  }
0x97: {  	_ =	strace s4  }
0x98: {  	_ =	strace $0x8FFFFFFF  }
0x99: {  	s19 =	sld [smem:$0x3FDB];
	_ =	sdelay $0x1  }
0x9a: {  	s5 =	simm.s32 $_scs_section_size  }
0x9b: {  	s6 =	simm.s32 $_size__tile_overlayer_lowered;
	s7 =	simm.s32 $_tile_overlayer_lowered  }
0x9c: {  	s22 =	simm.s32 $0x1BFF;
	s21 =	sshll.u32 s7, $0x1;
	s4 =	sadd.s32 s5, s19  }
0x9d: {  	s8 =	simm.s32 $0x0;
	s20 =	sshll.u32 s6, $0x1;
	s6 =	sadd.s32 s21, s4  }
0x9e: {  	[timem:s8], [sflag:s22] =	dma.local [hbm:s6], s20  }
0x9f: {  	_ =	swait.ge [sflag:s22], s20  }
0xa0: {  	s5 =	ssub.s32 $0x0, s20;
	[sflag:s22] =	ssyncset.done $0x0  }
0xa1: {  	[sflag:s22] =	ssyncadd.s32 s5;
	_ =	sdelay $0x1  }
0xa2: {  	s23 =	simm.s32 $0x1B8B  }
0xa3: {  	_ =	swait.ge [sflag:s23], $0x1  }
0xa4: {  	[sflag:s23] =	ssyncset.done $0x0  }
0xa5: {  	s25 =	simm.s32 $0x1B8E;
	s24 =	sld [smem:$0x3FFE];
	[sflag:s23] =	ssyncadd.s32 $0xFFFFFFFF  }
0xa6: {  	s26 =	simm.s32 $execute0_lowered;
	[smem:$0x3FD2] =	sst s25  }
0xa7: {  	s6 =	sshll.u32 s26, $0x1;
	_ =	strace $0x80000046;
	[dreg:$0x1] =	wrdreg $0xFFFFFFFF  }
0xa8: {  	s28 =	simm.s32 $_size_execute0_lowered;
	s4 =	sadd.s32 s4, s6;
	[dreg:$0x0] =	wrdreg $0x0  }
0xa9: {  	s6 =	sshll.u32 s28, $0x1;
	[dreg:$0x2] =	wrdreg s4  }
0xaa: {  	[dreg:$0x3] =	wrdreg s6  }
0xab: {  	[dreg:$0x4] =	wrdreg $0xC0  }
0xac: {  	_ =	task [dreg:s8], $0x5FFFF  }
0xad: {  	[dreg:$0x1] =	wrdreg $0xFFFFFFFF  }
0xae: {  	[dreg:$0x0] =	wrdreg $0x60  }
0xaf: {  	[dreg:$0x2] =	wrdreg s2  }
0xb0: {  	[dreg:$0x3] =	wrdreg s18  }
0xb1: {  	[dreg:$0x4] =	wrdreg s24  }
0xb2: {  	[dreg:$0x5] =	wrdreg $0xFC000  }
0xb3: {  	[dreg:$0x6] =	wrdreg $0x19C000  }
0xb4: {  	[dreg:$0x7] =	wrdreg $0x9  }
0xb5: {  	_ =	task.clear_ibuf [dreg:s8], $0x8FFFF;
	_ =	strace $0x90000046  }
0xb6: {  	s29 =	simm.s32 $0x9;
	_ =	strace $0x80000048  }
0xb7: {  	_ =	swait.ge [sflag:s29], $0x1  }
0xb8: {  	[sflag:s29] =	ssyncadd.s32 $0xFFFFFFFF  }
0xb9: {  	_ =	strace $0x90000048  }
0xba: {  	_ =	sfence  }
0xbb: {  	s30 =	sld [smem:$0x0];
	_ =	sdelay $0x2  }
0xbc: {  	s31 =	sshll.u32 s1, $0xD;
	s1 =	sshrl.u32 s1, $0x2  }
0xbd: {  	s3 =	sand.u32 $0x4000, s31;
	s1 =	sadd.s32 s1, s30  }
0xbe: {  	s0 =	sor.u32 s3, s0;
	s1 =	sshll.u32 s1, $0x11  }
0xbf: {  	s0 =	sor.u32 s1, s0  }
0xc0: {  	s0 =	sadd.s32 $0x8F2B, s0  }
0xc1: {  	[sflag:s0] =	ssyncadd.remote.s32 $0x1  }
0xc2: {  	_ =	sfence.sel $0xFFFF  }
0xc3: {  	[dreg:$0x0] =	wrdreg $0xFFFFFFFF;
	(pc) =	sbr.abs _section_cstart, $3  }
0xc4: {  	[dreg:$0x1] =	wrdreg $0xFFFFFFFF  }
0xc5: {  	_ =	task.clear_ibuf [dreg:s8], $0x2FFFF;
	_ =	strace $0x9FFFFFFF  }
0xc6: {  	(tm) =	ssettm $0x7FFFFFFF  }
0xc7: {  	_ =	shalt  }
tec
execute0_lowered:
.L_overlay_start_1:
0x0: {  	(tag) =	ssettag $0x1  }
0x1: {  	s1 =	rddreg [dreg:$0x0]  }
0x2: {  	s0 =	rddreg [dreg:$0x1]  }
0x3: {  	s2 =	rddreg [dreg:$0x2];
	s13 =	stileid.u32  }
0x4: {  	s4 =	srdreg.scid;
	s3 =	rddreg [dreg:$0x3]  }
0x5: {  	s16 =	simm.s32 $0x0;
	s21 =	simm.s32 $0xF840;
	s23 =	simm.s32 $0xF880  }
0x6: {  	s24 =	simm.s32 $0xF8C0;
	s15 =	simm.s32 $0xB;
	s17 =	simm.s32 $0xF940  }
0x7: {  	s18 =	simm.s32 $0xF980;
	s19 =	simm.s32 $0xF9C0;
	s5 =	smul.u32 $0x5000, s13  }
0x8: {  	s28 =	simm.s32 $0xFB80;
	s29 =	simm.s32 $0xFBC0;
	s8 =	smul.u32 $0xA000, s13  }
0x9: {  	s31 =	simm.s32 $0x80;
	s30 =	simm.s32 $0x2;
	s10 =	smul.u32 $0x2800, s13  }
0xa: {  	s6 =	sand.u32 $0x1, s4;
	s4 =	rddreg [dreg:$0x4];
	s20 =	smul.u32 $0x28000, s13  }
0xb: {  	[smem:$0x7FF] =	sst s16;
	s13 =	simm.s32 $0xF800;
	s7 =	smul.u32 $0xA0000, s6  }
0xc: {  	s9 =	smul.u32 $0x28000, s6;
	_ =	strace $0x80000047;
	[dreg:$0x7] =	wrdreg s21  }
0xd: {  	s12 =	smul.u32 $0x50000, s6;
	s6 =	ssub.s32 $0x2, s6;
	[dreg:$0x8] =	wrdreg s23  }
0xe: {  	[dreg:$0x9] =	wrdreg s24;
	s21 =	simm.s32 $0xFA40;
	s23 =	simm.s32 $0xFB00  }
0xf: {  	s11 =	sshrl.u32 s5, $0x3;
	s25 =	sshrl.u32 s6, $0x1;
	s14 =	sadd.s32 s10, s4  }
0x10: {  	s22 =	sshrl.u32 s20, $0x2;
	s20 =	simm.s32 $0xFA00;
	s7 =	sadd.s32 s8, s7  }
0x11: {  	s11 =	sadd.s32 s11, s2;
	s9 =	sadd.s32 s10, s9;
	s5 =	sadd.s32 s5, s12  }
0x12: {  	s6 =	ssub.s32 s6, s25;
	s12 =	sshrl.u32 s8, $0x2;
	s25 =	simm.s32 $0xF900  }
0x13: {  	s10 =	simm.s32 $0x1;
	s7 =	sshrl.u32 s7, $0x3;
	s9 =	sshrl.u32 s9, $0x3  }
0x14: {  	s5 =	sshrl.u32 s5, $0x3;
	s26 =	sadd.s32 $0x1600, s11;
	[dreg:$0xa] =	wrdreg s25  }
0x15: {  	s6 =	smax.u32 s6, $0x1;
	s25 =	simm.s32 $0xFAC0;
	[dreg:$0xd] =	wrdreg s26  }
0x16: {  	s7 =	sadd.s32 s7, s2;
	s0 =	sadd.s32 s0, s5;
	[dreg:$0x12] =	wrdreg s6  }
0x17: {  	s2 =	sadd.s32 s9, s2;
	s5 =	sadd.s32 $0x1B00, s11;
	[dreg:$0xc] =	wrdreg s0  }
0x18: {  	s11 =	sadd.s32 s8, s3;
	s6 =	sadd.s32 s22, s3;
	[dreg:$0xf] =	wrdreg s5  }
0x19: {  	s22 =	simm.s32 $0xFA80;
	s26 =	sshrl.u32 s14, $0x3;
	[dreg:$0x13] =	wrdreg s6  }
0x1a: {  	s8 =	simm.s32 $0x5;
	s0 =	sadd.s32 $0x500, s0;
	[dreg:$0x15] =	wrdreg s26  }
0x1b: {  	s9 =	sadd.s32 $0xB600, s7;
	s2 =	sadd.s32 $0x33600, s2;
	[dreg:$0xe] =	wrdreg s0  }
0x1c: {  	s26 =	simm.s32 $0xFB40;
	s7 =	simm.s32 $0x4;
	[dreg:$0x10] =	wrdreg s9  }
0x1d: {  	[dreg:$0x11] =	wrdreg s2;
	s2 =	sadd.s32 s12, s4;
	s0 =	sshrl.u32 s11, $0x3  }
0x1e: {  	v0 =	vimm.f32 $0.0e+00;
	vm0 =	vcmask $0x300;
	s9 =	simm.s32 $0xB000;
	s11 =	simm.s32 $0xF000;
	[dreg:$0x6] =	wrdreg s2  }
0x1f: {  	v1 =	vsel vm0, $0x3F800000, v0;
	s12 =	simm.s32 $0xD000;
	[dreg:$0x14] =	wrdreg s0;
	s0 =	simm.s32 $0x7000  }
.LBB2_1:
0x20: {  	[tilespmem:$0xF800] =	vst v0  }
0x21: {  	[tilespmem:$0xF810] =	vst v0  }
0x22: {  	[tilespmem:$0xF820] =	vst v0  }
0x23: {  	[tilespmem:$0xF830] =	vst v0  }
0x24: {  	[tilespmem:$0xF840] =	vst v0  }
0x25: {  	[tilespmem:$0xF850] =	vst v0  }
0x26: {  	[tilespmem:$0xF860] =	vst v0  }
0x27: {  	[tilespmem:$0xF870] =	vst v0  }
0x28: {  	[tilespmem:$0xF880] =	vst v0  }
0x29: {  	[tilespmem:$0xF890] =	vst v0  }
0x2a: {  	[tilespmem:$0xF8A0] =	vst v0  }
0x2b: {  	[tilespmem:$0xF8B0] =	vst v0  }
0x2c: {  	[tilespmem:$0xF8C0] =	vst v0  }
0x2d: {  	[tilespmem:$0xF8D0] =	vst v0  }
0x2e: {  	[tilespmem:$0xF8E0] =	vst v0  }
0x2f: {  	[tilespmem:$0xF8F0] =	vst v0  }
0x30: {  	[tilespmem:$0xF900] =	vst v0  }
0x31: {  	[tilespmem:$0xF910] =	vst v0  }
0x32: {  	[tilespmem:$0xF920] =	vst v0  }
0x33: {  	[tilespmem:$0xF930] =	vst v0  }
0x34: {  	[tilespmem:$0xF940] =	vst v0  }
0x35: {  	[tilespmem:$0xF950] =	vst v0  }
0x36: {  	[tilespmem:$0xF960] =	vst v0  }
0x37: {  	[tilespmem:$0xF970] =	vst v0  }
0x38: {  	[tilespmem:$0xF980] =	vst v0  }
0x39: {  	[tilespmem:$0xF990] =	vst v0  }
0x3a: {  	[tilespmem:$0xF9A0] =	vst v0  }
0x3b: {  	[tilespmem:$0xF9B0] =	vst v0  }
0x3c: {  	[tilespmem:$0xF9C0] =	vst v0  }
0x3d: {  	[tilespmem:$0xF9D0] =	vst v0  }
0x3e: {  	[tilespmem:$0xF9E0] =	vst v0  }
0x3f: {  	[tilespmem:$0xF9F0] =	vst v0  }
0x40: {  	[tilespmem:$0xFA00] =	vst v0  }
0x41: {  	[tilespmem:$0xFA10] =	vst v0  }
0x42: {  	[tilespmem:$0xFA20] =	vst v0  }
0x43: {  	[tilespmem:$0xFA30] =	vst v0  }
0x44: {  	[tilespmem:$0xFA40] =	vst v0  }
0x45: {  	[tilespmem:$0xFA50] =	vst v0  }
0x46: {  	[tilespmem:$0xFA60] =	vst v0  }
0x47: {  	[tilespmem:$0xFA70] =	vst v0  }
0x48: {  	[tilespmem:$0xFA80] =	vst v0  }
0x49: {  	[tilespmem:$0xFA90] =	vst v0  }
0x4a: {  	[tilespmem:$0xFAA0] =	vst v0  }
0x4b: {  	[tilespmem:$0xFAB0] =	vst v0  }
0x4c: {  	[tilespmem:$0xFAC0] =	vst v0  }
0x4d: {  	[tilespmem:$0xFAD0] =	vst v0  }
0x4e: {  	[tilespmem:$0xFAE0] =	vst v0  }
0x4f: {  	[tilespmem:$0xFAF0] =	vst v0  }
0x50: {  	[tilespmem:$0xFB00] =	vst v0  }
0x51: {  	[tilespmem:$0xFB10] =	vst v0  }
0x52: {  	[tilespmem:$0xFB20] =	vst v0  }
0x53: {  	[tilespmem:$0xFB30] =	vst v0  }
0x54: {  	[tilespmem:$0xFB40] =	vst v0  }
0x55: {  	[tilespmem:$0xFB50] =	vst v0  }
0x56: {  	[tilespmem:$0xFB60] =	vst v0  }
0x57: {  	[tilespmem:$0xFB70] =	vst v0  }
0x58: {  	[tilespmem:$0xFB80] =	vst v0  }
0x59: {  	[tilespmem:$0xFB90] =	vst v0  }
0x5a: {  	[tilespmem:$0xFBA0] =	vst v0  }
0x5b: {  	[tilespmem:$0xFBB0] =	vst v0  }
0x5c: {  	[tilespmem:$0xFBC0] =	vst v0  }
0x5d: {  	[tilespmem:$0xFBD0] =	vst v0  }
0x5e: {  	[tilespmem:$0xFBE0] =	vst v0  }
0x5f: {  	[dreg:$0xb] =	wrdreg s16;
	[tilespmem:$0xFBF0] =	vst v0;
	s5 =	simm.s32 $0x0  }
.LBB2_2:
0x60: {  	p0 =	sne.s32 s5, $0x1FC0  }
.Ltmp0:
0x61: {  	_ = 	snop;
	(pc) =	sbr.rel @p0 .LBB2_2-.Ltmp0, $3  }
0x62: {  	_ =	sdelay $0x1  }
0x63: {  	s6 =	sshra.s32 s5, $0x2  }
0x64: {  	s5 =	sadd.s32 $0x40, s5;
	[tilespmem:s6+$0xF000] =	vst v1  }
0x65: {  	s16 =	rddreg [dreg:$0x13]  }
0x66: {  	[spmem:s16] =	stream.linear.scatter [tilespmem:s13], [sflag:$0xB], $0x400, $0x38;
	[tilespmem:$0x1C400] =	vst v63  }
0x67: {  	_ =	swait.ge [sflag:s15], $0x400  }
0x68: {  	s5 =	rddreg [dreg:$0x6];
	[sflag:s15] =	ssyncset.done $0x0  }
0x69: {  	[sflag:s15] =	ssyncadd.s32 $0xFFFFFC00;
	s5 =	sadd.s32 $0x0, s5  }
0x6a: {  	[spmem:s5] =	stream.linear.scatter [tilespmem:s13], [sflag:$0xB], $0x10, $0x38;
	[tilespmem:$0x1C400] =	vst v63  }
0x6b: {  	s6 =	rddreg [dreg:$0x7];
	s14 =	sadd.s32 $0x10, s5  }
0x6c: {  	[spmem:s14] =	stream.linear.scatter [tilespmem:s6], [sflag:$0xB], $0x10, $0x38;
	[tilespmem:$0x1C400] =	vst v63  }
0x6d: {  	s24 =	rddreg [dreg:$0x8];
	s14 =	sadd.s32 $0x20, s5  }
0x6e: {  	[spmem:s14] =	stream.linear.scatter [tilespmem:s24], [sflag:$0xB], $0x10, $0x38;
	[tilespmem:$0x1C400] =	vst v63  }
0x6f: {  	s13 =	rddreg [dreg:$0x9];
	s24 =	sadd.s32 $0x30, s5  }
0x70: {  	[spmem:s24] =	stream.linear.scatter [tilespmem:s13], [sflag:$0xB], $0x10, $0x38;
	[tilespmem:$0x1C400] =	vst v63  }
0x71: {  	s14 =	rddreg [dreg:$0xa];
	s13 =	sadd.s32 $0x40, s5  }
0x72: {  	[spmem:s13] =	stream.linear.scatter [tilespmem:s14], [sflag:$0xB], $0x10, $0x38;
	[tilespmem:$0x1C400] =	vst v63  }
0x73: {  	s14 =	sadd.s32 $0x50, s5  }
0x74: {  	[spmem:s14] =	stream.linear.scatter [tilespmem:s17], [sflag:$0xB], $0x10, $0x38;
	[tilespmem:$0x1C400] =	vst v63  }
0x75: {  	s24 =	sadd.s32 $0x60, s5  }
0x76: {  	[spmem:s24] =	stream.linear.scatter [tilespmem:s18], [sflag:$0xB], $0x10, $0x38;
	[tilespmem:$0x1C400] =	vst v63  }
0x77: {  	s13 =	sadd.s32 $0x70, s5  }
0x78: {  	[spmem:s13] =	stream.linear.scatter [tilespmem:s19], [sflag:$0xB], $0x10, $0x38;
	[tilespmem:$0x1C400] =	vst v63  }
0x79: {  	s14 =	sadd.s32 $0x80, s5  }
0x7a: {  	[spmem:s14] =	stream.linear.scatter [tilespmem:s20], [sflag:$0xB], $0x10, $0x38;
	[tilespmem:$0x1C400] =	vst v63  }
0x7b: {  	s24 =	sadd.s32 $0x90, s5  }
0x7c: {  	[spmem:s24] =	stream.linear.scatter [tilespmem:s21], [sflag:$0xB], $0x10, $0x38;
	[tilespmem:$0x1C400] =	vst v63  }
0x7d: {  	s13 =	sadd.s32 $0xA0, s5  }
0x7e: {  	[spmem:s13] =	stream.linear.scatter [tilespmem:s22], [sflag:$0xB], $0x10, $0x38;
	[tilespmem:$0x1C400] =	vst v63  }
0x7f: {  	s14 =	sadd.s32 $0xB0, s5  }
0x80: {  	[spmem:s14] =	stream.linear.scatter [tilespmem:s25], [sflag:$0xB], $0x10, $0x38;
	[tilespmem:$0x1C400] =	vst v63  }
0x81: {  	s24 =	sadd.s32 $0xC0, s5  }
0x82: {  	[spmem:s24] =	stream.linear.scatter [tilespmem:s23], [sflag:$0xB], $0x10, $0x38;
	[tilespmem:$0x1C400] =	vst v63  }
0x83: {  	s25 =	sadd.s32 $0xD0, s5  }
0x84: {  	[spmem:s25] =	stream.linear.scatter [tilespmem:s26], [sflag:$0xB], $0x10, $0x38;
	[tilespmem:$0x1C400] =	vst v63  }
0x85: {  	s2 =	simm.s32 $0xF800;
	s6 =	simm.s32 $0x400;
	s26 =	sadd.s32 $0xE0, s5  }
0x86: {  	[spmem:s26] =	stream.linear.scatter [tilespmem:s28], [sflag:$0xB], $0x10, $0x38;
	[tilespmem:$0x1C400] =	vst v63  }
0x87: {  	s13 =	smov.u32 s16;
	s14 =	simm.s32 $0xFBC0;
	s5 =	sadd.s32 $0xF0, s5  }
0x88: {  	[spmem:s5] =	stream.linear.scatter [tilespmem:s29], [sflag:$0xB], $0x10, $0x38;
	[tilespmem:$0x1C400] =	vst v63  }
0x89: {  	s23 =	simm.s32 $0xFAC0;
	s28 =	simm.s32 $0xFB40;
	_ =	swait.ge [sflag:s15], $0x100  }
0x8a: {  	s26 =	simm.s32 $0xFB00;
	s29 =	simm.s32 $0xFB80;
	[sflag:s15] =	ssyncset.done $0x0  }
.LBB2_4:
0x8b: {  	[sflag:s15] =	ssyncadd.s32 $0xFFFFFF00;
	s13 =	sadd.s32 $0x400, s13  }
0x8c: {  	[spmem:s13] =	stream.linear.scatter [tilespmem:s2], [sflag:$0xB], $0x400, $0x38;
	[tilespmem:$0x1C400] =	vst v63  }
0x8d: {  	s5 =	smov.u32 s6;
	_ =	swait.ge [sflag:s15], $0x400  }
0x8e: {  	s5 =	sshra.s32 s5, $0x2;
	s24 =	rddreg [dreg:$0x6];
	[sflag:s15] =	ssyncset.done $0x0  }
0x8f: {  	[sflag:s15] =	ssyncadd.s32 $0xFFFFFC00;
	s5 =	sadd.s32 s5, s24  }
0x90: {  	[spmem:s5] =	stream.linear.scatter [tilespmem:s2], [sflag:$0xB], $0x10, $0x38;
	[tilespmem:$0x1C400] =	vst v63  }
0x91: {  	s24 =	rddreg [dreg:$0x7];
	s25 =	sadd.s32 $0x10, s5  }
0x92: {  	[spmem:s25] =	stream.linear.scatter [tilespmem:s24], [sflag:$0xB], $0x10, $0x38;
	[tilespmem:$0x1C400] =	vst v63  }
0x93: {  	s16 =	rddreg [dreg:$0x8];
	s24 =	sadd.s32 $0x20, s5  }
0x94: {  	[spmem:s24] =	stream.linear.scatter [tilespmem:s16], [sflag:$0xB], $0x10, $0x38;
	[tilespmem:$0x1C400] =	vst v63  }
0x95: {  	s25 =	rddreg [dreg:$0x9];
	s16 =	sadd.s32 $0x30, s5  }
0x96: {  	[spmem:s16] =	stream.linear.scatter [tilespmem:s25], [sflag:$0xB], $0x10, $0x38;
	[tilespmem:$0x1C400] =	vst v63  }
0x97: {  	s24 =	rddreg [dreg:$0xa];
	s25 =	sadd.s32 $0x40, s5  }
0x98: {  	[spmem:s25] =	stream.linear.scatter [tilespmem:s24], [sflag:$0xB], $0x10, $0x38;
	[tilespmem:$0x1C400] =	vst v63  }
0x99: {  	s24 =	sadd.s32 $0x50, s5  }
0x9a: {  	[spmem:s24] =	stream.linear.scatter [tilespmem:s17], [sflag:$0xB], $0x10, $0x38;
	[tilespmem:$0x1C400] =	vst v63  }
0x9b: {  	s25 =	sadd.s32 $0x60, s5  }
0x9c: {  	[spmem:s25] =	stream.linear.scatter [tilespmem:s18], [sflag:$0xB], $0x10, $0x38;
	[tilespmem:$0x1C400] =	vst v63  }
0x9d: {  	s24 =	sadd.s32 $0x70, s5  }
0x9e: {  	[spmem:s24] =	stream.linear.scatter [tilespmem:s19], [sflag:$0xB], $0x10, $0x38;
	[tilespmem:$0x1C400] =	vst v63  }
0x9f: {  	s25 =	sadd.s32 $0x80, s5  }
0xa0: {  	[spmem:s25] =	stream.linear.scatter [tilespmem:s20], [sflag:$0xB], $0x10, $0x38;
	[tilespmem:$0x1C400] =	vst v63  }
0xa1: {  	s24 =	sadd.s32 $0x90, s5  }
0xa2: {  	[spmem:s24] =	stream.linear.scatter [tilespmem:s21], [sflag:$0xB], $0x10, $0x38;
	[tilespmem:$0x1C400] =	vst v63  }
0xa3: {  	s25 =	sadd.s32 $0xA0, s5  }
0xa4: {  	[spmem:s25] =	stream.linear.scatter [tilespmem:s22], [sflag:$0xB], $0x10, $0x38;
	[tilespmem:$0x1C400] =	vst v63  }
0xa5: {  	s24 =	sadd.s32 $0xB0, s5  }
0xa6: {  	[spmem:s24] =	stream.linear.scatter [tilespmem:s23], [sflag:$0xB], $0x10, $0x38;
	[tilespmem:$0x1C400] =	vst v63  }
0xa7: {  	s25 =	sadd.s32 $0xC0, s5  }
0xa8: {  	[spmem:s25] =	stream.linear.scatter [tilespmem:s26], [sflag:$0xB], $0x10, $0x38;
	[tilespmem:$0x1C400] =	vst v63  }
0xa9: {  	s24 =	sadd.s32 $0xD0, s5  }
0xaa: {  	[spmem:s24] =	stream.linear.scatter [tilespmem:s28], [sflag:$0xB], $0x10, $0x38;
	[tilespmem:$0x1C400] =	vst v63  }
0xab: {  	p0 =	sne.s32 s6, $0x9C00;
	s25 =	sadd.s32 $0xE0, s5  }
0xac: {  	[spmem:s25] =	stream.linear.scatter [tilespmem:s29], [sflag:$0xB], $0x10, $0x38;
	[tilespmem:$0x1C400] =	vst v63  }
.Ltmp1:
0xad: {  	_ = 	snop;
	(pc) =	sbr.rel @p0 .LBB2_4-.Ltmp1, $4  }
0xae: {  	s5 =	sadd.s32 $0xF0, s5  }
0xaf: {  	[spmem:s5] =	stream.linear.scatter [tilespmem:s14], [sflag:$0xB], $0x10, $0x38;
	[tilespmem:$0x1C400] =	vst v63  }
0xb0: {  	_ =	swait.ge [sflag:s15], $0x100  }
0xb1: {  	s6 =	sadd.s32 $0x400, s6;
	[sflag:s15] =	ssyncset.done $0x0  }
0xb2: {  	[sflag:s15] =	ssyncadd.s32 $0xFFFFFF00  }
0xb3: {  	[bflag:$0x0] =	sbarrier.arrive $0xFFFF  }
0xb4: {  	s5 =	simm.s32 $0x0;
	s6 =	rddreg [dreg:$0xc]  }
0xb5: {  	[tilespmem:s5], [sflag:$0xB] =	stream.linear.gather [hbm4b:s6+s5], $0x2800, $0x38;
	[tilespmem:$0x1C400] =	vst v63  }
0xb6: {  	_ =	swait.ge [sflag:s15], $0x2800  }
0xb7: {  	[sflag:s15] =	ssyncset.done $0x0  }
0xb8: {  	s2 =	simm.s32 $0x2800;
	s21 =	rddreg [dreg:$0xd];
	[sflag:s15] =	ssyncadd.s32 $0xFFFFD800  }
0xb9: {  	[tilespmem:s2], [sflag:$0xB] =	stream.linear.gather [hbm4b:s21+s5], $0x2800, $0x38;
	[tilespmem:$0x1C400] =	vst v63  }
0xba: {  	_ =	swait.ge [sflag:s15], $0x2800  }
0xbb: {  	[sflag:s15] =	ssyncset.done $0x0  }
0xbc: {  	s14 =	simm.s32 $0x5000;
	p0 =	por $0x1, $0x1;
	[sflag:s15] =	ssyncadd.s32 $0xFFFFD800  }
0xbd: {  	[tilespmem:s14], [sflag:$0x1] =	stream.indirect.gather [hbm4b:s1+s31], $0x40, s5, s31, $0xb8;
	[tilespmem:$0x1C400] =	vst v63  }
0xbe: {  	p0 =	por p0, p0  }
0xbf: {  	[tilespmem:s0], [sflag:$0x2] =	stream.indirect.gather [hbm4b:s1+s31], $0x40, s31, s31, $0xb8;
	[tilespmem:$0x1C400] =	vst v63  }
0xc0: {  	s22 =	simm.s32 $0x100;
	s23 =	simm.s32 $0x9000;
	s5 =	simm.s32 @!p0 $0x9  }
0xc1: {  	[tilespmem:s23], [sflag:$0x3] =	stream.indirect.gather [hbm4b:s1+s31], $0x40, s22, s31, $0xb8;
	[tilespmem:$0x1C400] =	vst v63  }
0xc2: {  	_ =	swait.ge @!p0 [sflag:s5], $0x2000  }
0xc3: {  	[sflag:s5] =	ssyncset.done @!p0 $0x0  }
0xc4: {  	[sflag:s5] =	ssyncadd.s32 @!p0 $0xFFFFE000  }
0xc5: {  	_ =	swait.ge @!p0 [sflag:s5], $0x800  }
0xc6: {  	[sflag:s5] =	ssyncset.done @!p0 $0x0  }
0xc7: {  	s24 =	simm.s32 $0x180;
	[sflag:s5] =	ssyncadd.s32 @!p0 $0xFFFFF800  }
0xc8: {  	[tilespmem:s9], [sflag:$0x4] =	stream.indirect.gather [hbm4b:s1+s31], $0x40, s24, s31, $0xb8;
	[tilespmem:$0x1C400] =	vst v63  }
0xc9: {  	_ =	swait.ge [sflag:s10], $0x2000  }
0xca: {  	[sflag:s10] =	ssyncset.done $0x0  }
0xcb: {  	s25 =	simm.s32 $0x2800;
	[sflag:s10] =	ssyncadd.s32 $0xFFFFE000  }
0xcc: {  	[spmem:s3] =	stream.indirect.scatter.add.f32 [tilespmem:s14], [sflag:$0x6], $0x40, s25, s31, $0xb8;
	[tilespmem:$0x1C400] =	vst v63  }
0xcd: {  	s6 =	simm.s32 @!p0 $0xA  }
0xce: {  	[spmem:s4] =	stream.indirect.scatter.add.f32 [tilespmem:s11], [sflag:$0x6], $0x10, s25, s31, $0xb8;
	[tilespmem:$0x1C400] =	vst v63  }
0xcf: {  	_ =	swait.ge @!p0 [sflag:s6], $0x2000  }
0xd0: {  	[sflag:s6] =	ssyncset.done @!p0 $0x0  }
0xd1: {  	[sflag:s6] =	ssyncadd.s32 @!p0 $0xFFFFE000  }
0xd2: {  	_ =	swait.ge @!p0 [sflag:s6], $0x800  }
0xd3: {  	[sflag:s6] =	ssyncset.done @!p0 $0x0  }
0xd4: {  	s26 =	simm.s32 $0x200;
	[sflag:s6] =	ssyncadd.s32 @!p0 $0xFFFFF800  }
0xd5: {  	[tilespmem:s12], [sflag:$0x5] =	stream.indirect.gather [hbm4b:s1+s31], $0x40, s26, s31, $0xb8;
	[tilespmem:$0x1C400] =	vst v63  }
0xd6: {  	_ =	swait.ge [sflag:s30], $0x2000  }
0xd7: {  	[sflag:s30] =	ssyncset.done $0x0  }
0xd8: {  	s28 =	simm.s32 $0x2880;
	p0 =	por $0x0, $0x0;
	[sflag:s30] =	ssyncadd.s32 $0xFFFFE000  }
0xd9: {  	[spmem:s3] =	stream.indirect.scatter.add.f32 [tilespmem:s0], [sflag:$0x7], $0x40, s28, s31, $0xb8;
	[tilespmem:$0x1C400] =	vst v63  }
0xda: {  	s5 =	simm.s32 @p0 $0x3  }
0xdb: {  	[spmem:s4] =	stream.indirect.scatter.add.f32 [tilespmem:s11], [sflag:$0x7], $0x10, s28, s31, $0xb8;
	[tilespmem:$0x1C400] =	vst v63  }
0xdc: {  	_ =	swait.ge @p0 [sflag:s5], $0x2000  }
0xdd: {  	s6 =	simm.s32 @p0 $0x9000;
	[sflag:s5] =	ssyncset.done @p0 $0x0  }
0xde: {  	s13 =	simm.s32 @p0 $0x2900;
	s16 =	simm.s32 @p0 $0x80;
	[sflag:s5] =	ssyncadd.s32 @p0 $0xFFFFE000  }
0xdf: {  	[spmem:s3] =	stream.indirect.scatter.add.f32 @p0 [tilespmem:s6], [sflag:$0x8], $0x40, s13, s16, $0xb8;
	[tilespmem:$0x1C400] =	vst v63  }
0xe0: {  	s5 =	simm.s32 @p0 $0xF000;
	s6 =	simm.s32 @!p0 $0x6  }
0xe1: {  	[spmem:s4] =	stream.indirect.scatter.add.f32 @p0 [tilespmem:s5], [sflag:$0x8], $0x10, s13, s16, $0xb8;
	[tilespmem:$0x1C400] =	vst v63  }
0xe2: {  	_ =	swait.ge @!p0 [sflag:s6], $0x2000  }
0xe3: {  	[sflag:s6] =	ssyncset.done @!p0 $0x0  }
0xe4: {  	[sflag:s6] =	ssyncadd.s32 @!p0 $0xFFFFE000  }
0xe5: {  	_ =	swait.ge @!p0 [sflag:s6], $0x800  }
0xe6: {  	s5 =	simm.s32 @!p0 $0x280;
	s13 =	simm.s32 @!p0 $0x80;
	[sflag:s6] =	ssyncset.done @!p0 $0x0  }
0xe7: {  	s16 =	simm.s32 @!p0 $0x5000;
	[sflag:s6] =	ssyncadd.s32 @!p0 $0xFFFFF800;
	s6 =	simm.s32 @!p0 $0x3  }
0xe8: {  	[tilespmem:s16], [sflag:$0x1] =	stream.indirect.gather @!p0 [hbm4b:s1+s13], $0x40, s5, s13, $0xb8;
	[tilespmem:$0x1C400] =	vst v63  }
0xe9: {  	_ =	swait.ge @!p0 [sflag:s6], $0x2000  }
0xea: {  	[sflag:s6] =	ssyncset.done @!p0 $0x0  }
0xeb: {  	s5 =	simm.s32 @!p0 $0x2900;
	s16 =	simm.s32 @!p0 $0x9000;
	[sflag:s6] =	ssyncadd.s32 @!p0 $0xFFFFE000  }
0xec: {  	[spmem:s3] =	stream.indirect.scatter.add.f32 @!p0 [tilespmem:s16], [sflag:$0x8], $0x40, s5, s13, $0xb8;
	[tilespmem:$0x1C400] =	vst v63  }
0xed: {  	s6 =	simm.s32 @!p0 $0xF000  }
0xee: {  	[spmem:s4] =	stream.indirect.scatter.add.f32 @!p0 [tilespmem:s6], [sflag:$0x8], $0x10, s5, s13, $0xb8;
	[tilespmem:$0x1C400] =	vst v63  }
0xef: {  	s5 =	simm.s32 @!p0 $0x7  }
0xf0: {  	_ =	swait.ge @!p0 [sflag:s5], $0x2000  }
0xf1: {  	[sflag:s5] =	ssyncset.done @!p0 $0x0  }
0xf2: {  	[sflag:s5] =	ssyncadd.s32 @!p0 $0xFFFFE000  }
0xf3: {  	_ =	swait.ge @!p0 [sflag:s5], $0x800  }
0xf4: {  	[sflag:s5] =	ssyncset.done @!p0 $0x0  }
0xf5: {  	s6 =	simm.s32 @!p0 $0x300;
	[sflag:s5] =	ssyncadd.s32 @!p0 $0xFFFFF800;
	s5 =	simm.s32 @!p0 $0x7000  }
0xf6: {  	[tilespmem:s5], [sflag:$0x2] =	stream.indirect.gather @!p0 [hbm4b:s1+s13], $0x40, s6, s13, $0xb8;
	[tilespmem:$0x1C400] =	vst v63  }
0xf7: {  	_ =	swait.ge [sflag:s7], $0x2000  }
0xf8: {  	[sflag:s7] =	ssyncset.done $0x0  }
0xf9: {  	s29 =	simm.s32 $0x2980;
	[sflag:s7] =	ssyncadd.s32 $0xFFFFE000  }
0xfa: {  	[spmem:s3] =	stream.indirect.scatter.add.f32 [tilespmem:s9], [sflag:$0x9], $0x40, s29, s31, $0xb8;
	[tilespmem:$0x1C400] =	vst v63  }
0xfb: {  	s5 =	simm.s32 @!p0 $0x8  }
0xfc: {  	[spmem:s4] =	stream.indirect.scatter.add.f32 [tilespmem:s11], [sflag:$0x9], $0x10, s29, s31, $0xb8;
	[tilespmem:$0x1C400] =	vst v63  }
0xfd: {  	_ =	swait.ge @!p0 [sflag:s5], $0x2000  }
0xfe: {  	[sflag:s5] =	ssyncset.done @!p0 $0x0  }
0xff: {  	[sflag:s5] =	ssyncadd.s32 @!p0 $0xFFFFE000  }
0x100: {  	_ =	swait.ge @!p0 [sflag:s5], $0x800  }
0x101: {  	[sflag:s5] =	ssyncset.done @!p0 $0x0  }
0x102: {  	[sflag:s5] =	ssyncadd.s32 @!p0 $0xFFFFF800;
	s5 =	simm.s32 @!p0 $0x380  }
0x103: {  	[tilespmem:s16], [sflag:$0x3] =	stream.indirect.gather @!p0 [hbm4b:s1+s13], $0x40, s5, s13, $0xb8;
	[tilespmem:$0x1C400] =	vst v63  }
0x104: {  	p6 =	por $0x0, $0x0;
	_ =	swait.ge [sflag:s8], $0x2000  }
0x105: {  	s25 =	simm.s32 $0x1400;
	s6 =	simm.s32 $0xA00;
	[sflag:s8] =	ssyncset.done $0x0  }
0x106: {  	s5 =	simm.s32 $0x2A00;
	p0 =	por p6, p6;
	[sflag:s8] =	ssyncadd.s32 $0xFFFFE000  }
0x107: {  	[spmem:s3] =	stream.indirect.scatter.add.f32 [tilespmem:s12], [sflag:$0xA], $0x40, s5, s31, $0xb8;
	[tilespmem:$0x1C400] =	vst v63  }
.LBB2_6:
0x108: {  	p2 =	seq.s32 s25, $0x0  }
0x109: {  	s16 =	simm.s32 @!p0 $0x9;
	s24 =	smov.u32 s25;
	s25 =	sadd.s32 $0xA00, s25  }
0x10a: {  	[spmem:s4] =	stream.indirect.scatter.add.f32 [tilespmem:s11], [sflag:$0xA], $0x10, s5, s31, $0xb8;
	[tilespmem:$0x1C400] =	vst v63  }
0x10b: {  	p1 =	sne.s32 s25, $0xA000;
	_ =	swait.ge @!p0 [sflag:s16], $0x2000  }
0x10c: {  	[sflag:s16] =	ssyncset.done @!p0 $0x0  }
0x10d: {  	[sflag:s16] =	ssyncadd.s32 @!p0 $0xFFFFE000  }
0x10e: {  	_ =	swait.ge @!p0 [sflag:s16], $0x800  }
0x10f: {  	s13 =	sshra.s32 s6, $0x2;
	[sflag:s16] =	ssyncset.done @!p0 $0x0  }
0x110: {  	s5 =	sadd.s32 $0x180, s13;
	[sflag:s16] =	ssyncadd.s32 @!p0 $0xFFFFF800  }
0x111: {  	[tilespmem:s9], [sflag:$0x4] =	stream.indirect.gather [hbm4b:s1+s31], $0x40, s5, s31, $0xb8;
	[tilespmem:$0x1C400] =	vst v63  }
0x112: {  	_ =	swait.ge [sflag:s10], $0x2000  }
0x113: {  	[sflag:s10] =	ssyncset.done $0x0  }
0x114: {  	s5 =	sadd.s32 $0x2800, s13;
	[sflag:s10] =	ssyncadd.s32 $0xFFFFE000  }
0x115: {  	[spmem:s3] =	stream.indirect.scatter.add.f32 [tilespmem:s14], [sflag:$0x6], $0x40, s5, s31, $0xb8;
	[tilespmem:$0x1C400] =	vst v63  }
0x116: {  	s16 =	simm.s32 @!p0 $0xA  }
0x117: {  	[spmem:s4] =	stream.indirect.scatter.add.f32 [tilespmem:s11], [sflag:$0x6], $0x10, s5, s31, $0xb8;
	[tilespmem:$0x1C400] =	vst v63  }
0x118: {  	_ =	swait.ge @!p0 [sflag:s16], $0x2000  }
0x119: {  	[sflag:s16] =	ssyncset.done @!p0 $0x0  }
0x11a: {  	[sflag:s16] =	ssyncadd.s32 @!p0 $0xFFFFE000  }
0x11b: {  	_ =	swait.ge @!p0 [sflag:s16], $0x800  }
0x11c: {  	[sflag:s16] =	ssyncset.done @!p0 $0x0  }
0x11d: {  	s5 =	sadd.s32 $0x200, s13;
	[sflag:s16] =	ssyncadd.s32 @!p0 $0xFFFFF800;
	p0 =	por p2, p2  }
0x11e: {  	[tilespmem:s12], [sflag:$0x5] =	stream.indirect.gather [hbm4b:s1+s31], $0x40, s5, s31, $0xb8;
	[tilespmem:$0x1C400] =	vst v63  }
0x11f: {  	_ =	swait.ge [sflag:s30], $0x2000  }
0x120: {  	[sflag:s30] =	ssyncset.done $0x0  }
0x121: {  	s5 =	sadd.s32 $0x2880, s13;
	[sflag:s30] =	ssyncadd.s32 $0xFFFFE000  }
0x122: {  	[spmem:s3] =	stream.indirect.scatter.add.f32 [tilespmem:s0], [sflag:$0x7], $0x40, s5, s31, $0xb8;
	[tilespmem:$0x1C400] =	vst v63  }
0x123: {  	p2 =	seq.s32 s6, $0x9600  }
0x124: {  	[spmem:s4] =	stream.indirect.scatter.add.f32 [tilespmem:s11], [sflag:$0x7], $0x10, s5, s31, $0xb8;
	[tilespmem:$0x1C400] =	vst v63  }
0x125: {  	s16 =	sshra.s32 @p2 s6, $0x2;
	s17 =	sshra.s32 @!p2 s6, $0x2;
	s5 =	simm.s32 @p2 $0x3  }
0x126: {  	s6 =	simm.s32 @p2 $0x9000;
	s18 =	sadd.s32 @!p2 $0x280, s17;
	_ =	swait.ge @p2 [sflag:s5], $0x2000  }
0x127: {  	s19 =	simm.s32 @p2 $0x80;
	s16 =	sadd.s32 @p2 $0x2900, s16;
	[sflag:s5] =	ssyncset.done @p2 $0x0  }
0x128: {  	s20 =	simm.s32 @p2 $0xF000;
	s21 =	sadd.s32 @!p2 $0x300, s17;
	[sflag:s5] =	ssyncadd.s32 @p2 $0xFFFFE000  }
0x129: {  	[spmem:s3] =	stream.indirect.scatter.add.f32 @p2 [tilespmem:s6], [sflag:$0x8], $0x40, s16, s19, $0xb8;
	[tilespmem:$0x1C400] =	vst v63  }
0x12a: {  	s22 =	simm.s32 @!p2 $0x6;
	s5 =	sadd.s32 @!p2 $0x380, s17;
	s6 =	smov.u32 s24  }
0x12b: {  	[spmem:s4] =	stream.indirect.scatter.add.f32 @p2 [tilespmem:s20], [sflag:$0x8], $0x10, s16, s19, $0xb8;
	[tilespmem:$0x1C400] =	vst v63  }
0x12c: {  	_ =	swait.ge @!p2 [sflag:s22], $0x2000  }
0x12d: {  	[sflag:s22] =	ssyncset.done @!p2 $0x0  }
0x12e: {  	[sflag:s22] =	ssyncadd.s32 @!p2 $0xFFFFE000  }
0x12f: {  	_ =	swait.ge @!p2 [sflag:s22], $0x800  }
0x130: {  	s24 =	simm.s32 @!p2 $0x80;
	s16 =	simm.s32 @!p2 $0x5000;
	[sflag:s22] =	ssyncset.done @!p2 $0x0  }
0x131: {  	s19 =	simm.s32 @!p2 $0x3;
	[sflag:s22] =	ssyncadd.s32 @!p2 $0xFFFFF800  }
0x132: {  	[tilespmem:s16], [sflag:$0x1] =	stream.indirect.gather @!p2 [hbm4b:s1+s24], $0x40, s18, s24, $0xb8;
	[tilespmem:$0x1C400] =	vst v63  }
0x133: {  	_ =	swait.ge @!p2 [sflag:s19], $0x2000  }
0x134: {  	s16 =	sadd.s32 @!p2 $0x2900, s17;
	s17 =	simm.s32 @!p2 $0x9000;
	[sflag:s19] =	ssyncset.done @!p2 $0x0  }
0x135: {  	s18 =	simm.s32 @!p2 $0xF000;
	[sflag:s19] =	ssyncadd.s32 @!p2 $0xFFFFE000  }
0x136: {  	[spmem:s3] =	stream.indirect.scatter.add.f32 @!p2 [tilespmem:s17], [sflag:$0x8], $0x40, s16, s24, $0xb8;
	[tilespmem:$0x1C400] =	vst v63  }
0x137: {  	s19 =	simm.s32 @!p2 $0x7  }
0x138: {  	[spmem:s4] =	stream.indirect.scatter.add.f32 @!p2 [tilespmem:s18], [sflag:$0x8], $0x10, s16, s24, $0xb8;
	[tilespmem:$0x1C400] =	vst v63  }
0x139: {  	_ =	swait.ge @!p2 [sflag:s19], $0x2000  }
0x13a: {  	[sflag:s19] =	ssyncset.done @!p2 $0x0  }
0x13b: {  	[sflag:s19] =	ssyncadd.s32 @!p2 $0xFFFFE000  }
0x13c: {  	_ =	swait.ge @!p2 [sflag:s19], $0x800  }
0x13d: {  	s16 =	simm.s32 @!p2 $0x7000;
	[sflag:s19] =	ssyncset.done @!p2 $0x0  }
0x13e: {  	[sflag:s19] =	ssyncadd.s32 @!p2 $0xFFFFF800  }
0x13f: {  	[tilespmem:s16], [sflag:$0x2] =	stream.indirect.gather @!p2 [hbm4b:s1+s24], $0x40, s21, s24, $0xb8;
	[tilespmem:$0x1C400] =	vst v63  }
0x140: {  	_ =	swait.ge [sflag:s7], $0x2000  }
0x141: {  	s16 =	sadd.s32 $0x2980, s13;
	[sflag:s7] =	ssyncset.done $0x0  }
0x142: {  	[sflag:s7] =	ssyncadd.s32 $0xFFFFE000  }
0x143: {  	[spmem:s3] =	stream.indirect.scatter.add.f32 [tilespmem:s9], [sflag:$0x9], $0x40, s16, s31, $0xb8;
	[tilespmem:$0x1C400] =	vst v63  }
0x144: {  	s18 =	simm.s32 @!p2 $0x8  }
0x145: {  	[spmem:s4] =	stream.indirect.scatter.add.f32 [tilespmem:s11], [sflag:$0x9], $0x10, s16, s31, $0xb8;
	[tilespmem:$0x1C400] =	vst v63  }
0x146: {  	_ =	swait.ge @!p2 [sflag:s18], $0x2000  }
0x147: {  	[sflag:s18] =	ssyncset.done @!p2 $0x0  }
0x148: {  	[sflag:s18] =	ssyncadd.s32 @!p2 $0xFFFFE000  }
0x149: {  	_ =	swait.ge @!p2 [sflag:s18], $0x800  }
0x14a: {  	[sflag:s18] =	ssyncset.done @!p2 $0x0  }
0x14b: {  	[sflag:s18] =	ssyncadd.s32 @!p2 $0xFFFFF800  }
0x14c: {  	[tilespmem:s17], [sflag:$0x3] =	stream.indirect.gather @!p2 [hbm4b:s1+s24], $0x40, s5, s24, $0xb8;
	[tilespmem:$0x1C400] =	vst v63  }
.Ltmp2:
0x14d: {  	_ = 	snop;
	(pc) =	sbr.rel @p1 .LBB2_6-.Ltmp2, $4  }
0x14e: {  	_ =	swait.ge [sflag:s8], $0x2000  }
0x14f: {  	s5 =	sadd.s32 $0x2A00, s13;
	[sflag:s8] =	ssyncset.done $0x0  }
0x150: {  	[sflag:s8] =	ssyncadd.s32 $0xFFFFE000  }
0x151: {  	[spmem:s3] =	stream.indirect.scatter.add.f32 [tilespmem:s12], [sflag:$0xA], $0x40, s5, s31, $0xb8;
	[tilespmem:$0x1C400] =	vst v63  }
0x152: {  	s16 =	simm.s32 @!p0 $0x9  }
0x153: {  	[spmem:s4] =	stream.indirect.scatter.add.f32 [tilespmem:s11], [sflag:$0xA], $0x10, s5, s31, $0xb8;
	[tilespmem:$0x1C400] =	vst v63  }
0x154: {  	_ =	swait.ge @!p0 [sflag:s16], $0x2000  }
0x155: {  	[sflag:s16] =	ssyncset.done @!p0 $0x0  }
0x156: {  	[sflag:s16] =	ssyncadd.s32 @!p0 $0xFFFFE000  }
0x157: {  	_ =	swait.ge @!p0 [sflag:s16], $0x800  }
0x158: {  	s13 =	sshra.s32 s6, $0x2;
	[sflag:s16] =	ssyncset.done @!p0 $0x0  }
0x159: {  	s19 =	sadd.s32 $0x180, s13;
	[sflag:s16] =	ssyncadd.s32 @!p0 $0xFFFFF800  }
0x15a: {  	[tilespmem:s9], [sflag:$0x4] =	stream.indirect.gather [hbm4b:s1+s31], $0x40, s19, s31, $0xb8;
	[tilespmem:$0x1C400] =	vst v63  }
0x15b: {  	_ =	swait.ge [sflag:s10], $0x2000  }
0x15c: {  	[sflag:s10] =	ssyncset.done $0x0  }
0x15d: {  	s20 =	sadd.s32 $0x2800, s13;
	[sflag:s10] =	ssyncadd.s32 $0xFFFFE000  }
0x15e: {  	[spmem:s3] =	stream.indirect.scatter.add.f32 [tilespmem:s14], [sflag:$0x6], $0x40, s20, s31, $0xb8;
	[tilespmem:$0x1C400] =	vst v63  }
0x15f: {  	s16 =	simm.s32 @!p0 $0xA  }
0x160: {  	[spmem:s4] =	stream.indirect.scatter.add.f32 [tilespmem:s11], [sflag:$0x6], $0x10, s20, s31, $0xb8;
	[tilespmem:$0x1C400] =	vst v63  }
0x161: {  	_ =	swait.ge @!p0 [sflag:s16], $0x2000  }
0x162: {  	[sflag:s16] =	ssyncset.done @!p0 $0x0  }
0x163: {  	[sflag:s16] =	ssyncadd.s32 @!p0 $0xFFFFE000  }
0x164: {  	_ =	swait.ge @!p0 [sflag:s16], $0x800  }
0x165: {  	[sflag:s16] =	ssyncset.done @!p0 $0x0  }
0x166: {  	s21 =	sadd.s32 $0x200, s13;
	[sflag:s16] =	ssyncadd.s32 @!p0 $0xFFFFF800  }
0x167: {  	[tilespmem:s12], [sflag:$0x5] =	stream.indirect.gather [hbm4b:s1+s31], $0x40, s21, s31, $0xb8;
	[tilespmem:$0x1C400] =	vst v63  }
0x168: {  	_ =	swait.ge [sflag:s30], $0x2000  }
0x169: {  	[sflag:s30] =	ssyncset.done $0x0  }
0x16a: {  	s22 =	sadd.s32 $0x2880, s13;
	p0 =	seq.s32 s6, $0x9600;
	[sflag:s30] =	ssyncadd.s32 $0xFFFFE000  }
0x16b: {  	[spmem:s3] =	stream.indirect.scatter.add.f32 [tilespmem:s0], [sflag:$0x7], $0x40, s22, s31, $0xb8;
	[tilespmem:$0x1C400] =	vst v63  }
0x16c: {  	s5 =	simm.s32 @p0 $0x3  }
0x16d: {  	[spmem:s4] =	stream.indirect.scatter.add.f32 [tilespmem:s11], [sflag:$0x7], $0x10, s22, s31, $0xb8;
	[tilespmem:$0x1C400] =	vst v63  }
0x16e: {  	_ =	swait.ge @p0 [sflag:s5], $0x2000  }
0x16f: {  	s16 =	sshra.s32 @p0 s6, $0x2;
	s17 =	simm.s32 @p0 $0x9000;
	[sflag:s5] =	ssyncset.done @p0 $0x0  }
0x170: {  	s18 =	simm.s32 @p0 $0x80;
	s16 =	sadd.s32 @p0 $0x2900, s16;
	[sflag:s5] =	ssyncadd.s32 @p0 $0xFFFFE000  }
0x171: {  	[spmem:s3] =	stream.indirect.scatter.add.f32 @p0 [tilespmem:s17], [sflag:$0x8], $0x40, s16, s18, $0xb8;
	[tilespmem:$0x1C400] =	vst v63  }
0x172: {  	s5 =	simm.s32 @p0 $0xF000;
	s17 =	simm.s32 @!p0 $0x6  }
0x173: {  	[spmem:s4] =	stream.indirect.scatter.add.f32 @p0 [tilespmem:s5], [sflag:$0x8], $0x10, s16, s18, $0xb8;
	[tilespmem:$0x1C400] =	vst v63  }
0x174: {  	_ =	swait.ge @!p0 [sflag:s17], $0x2000  }
0x175: {  	[sflag:s17] =	ssyncset.done @!p0 $0x0  }
0x176: {  	[sflag:s17] =	ssyncadd.s32 @!p0 $0xFFFFE000  }
0x177: {  	s5 =	sshra.s32 @!p0 s6, $0x2;
	_ =	swait.ge @!p0 [sflag:s17], $0x800  }
0x178: {  	s16 =	simm.s32 @!p0 $0x80;
	s18 =	simm.s32 @!p0 $0x5000;
	[sflag:s17] =	ssyncset.done @!p0 $0x0  }
0x179: {  	s6 =	sadd.s32 @!p0 $0x280, s5;
	[sflag:s17] =	ssyncadd.s32 @!p0 $0xFFFFF800;
	s17 =	simm.s32 @!p0 $0x3  }
0x17a: {  	[tilespmem:s18], [sflag:$0x1] =	stream.indirect.gather @!p0 [hbm4b:s1+s16], $0x40, s6, s16, $0xb8;
	[tilespmem:$0x1C400] =	vst v63  }
0x17b: {  	_ =	swait.ge @!p0 [sflag:s17], $0x2000  }
0x17c: {  	[sflag:s17] =	ssyncset.done @!p0 $0x0  }
0x17d: {  	s6 =	sadd.s32 @!p0 $0x2900, s5;
	s18 =	simm.s32 @!p0 $0x9000;
	[sflag:s17] =	ssyncadd.s32 @!p0 $0xFFFFE000  }
0x17e: {  	[spmem:s3] =	stream.indirect.scatter.add.f32 @!p0 [tilespmem:s18], [sflag:$0x8], $0x40, s6, s16, $0xb8;
	[tilespmem:$0x1C400] =	vst v63  }
0x17f: {  	s17 =	simm.s32 @!p0 $0xF000  }
0x180: {  	[spmem:s4] =	stream.indirect.scatter.add.f32 @!p0 [tilespmem:s17], [sflag:$0x8], $0x10, s6, s16, $0xb8;
	[tilespmem:$0x1C400] =	vst v63  }
0x181: {  	s6 =	simm.s32 @!p0 $0x7  }
0x182: {  	_ =	swait.ge @!p0 [sflag:s6], $0x2000  }
0x183: {  	[sflag:s6] =	ssyncset.done @!p0 $0x0  }
0x184: {  	[sflag:s6] =	ssyncadd.s32 @!p0 $0xFFFFE000  }
0x185: {  	_ =	swait.ge @!p0 [sflag:s6], $0x800  }
0x186: {  	[sflag:s6] =	ssyncset.done @!p0 $0x0  }
0x187: {  	s17 =	sadd.s32 @!p0 $0x300, s5;
	[sflag:s6] =	ssyncadd.s32 @!p0 $0xFFFFF800;
	s6 =	simm.s32 @!p0 $0x7000  }
0x188: {  	[tilespmem:s6], [sflag:$0x2] =	stream.indirect.gather @!p0 [hbm4b:s1+s16], $0x40, s17, s16, $0xb8;
	[tilespmem:$0x1C400] =	vst v63  }
0x189: {  	_ =	swait.ge [sflag:s7], $0x2000  }
0x18a: {  	[sflag:s7] =	ssyncset.done $0x0  }
0x18b: {  	s23 =	sadd.s32 $0x2980, s13;
	[sflag:s7] =	ssyncadd.s32 $0xFFFFE000  }
0x18c: {  	[spmem:s3] =	stream.indirect.scatter.add.f32 [tilespmem:s9], [sflag:$0x9], $0x40, s23, s31, $0xb8;
	[tilespmem:$0x1C400] =	vst v63  }
0x18d: {  	s6 =	simm.s32 @!p0 $0x8  }
0x18e: {  	[spmem:s4] =	stream.indirect.scatter.add.f32 [tilespmem:s11], [sflag:$0x9], $0x10, s23, s31, $0xb8;
	[tilespmem:$0x1C400] =	vst v63  }
0x18f: {  	_ =	swait.ge @!p0 [sflag:s6], $0x2000  }
0x190: {  	[sflag:s6] =	ssyncset.done @!p0 $0x0  }
0x191: {  	[sflag:s6] =	ssyncadd.s32 @!p0 $0xFFFFE000  }
0x192: {  	_ =	swait.ge @!p0 [sflag:s6], $0x800  }
0x193: {  	[sflag:s6] =	ssyncset.done @!p0 $0x0  }
0x194: {  	s5 =	sadd.s32 @!p0 $0x380, s5;
	[sflag:s6] =	ssyncadd.s32 @!p0 $0xFFFFF800  }
0x195: {  	[tilespmem:s18], [sflag:$0x3] =	stream.indirect.gather @!p0 [hbm4b:s1+s16], $0x40, s5, s16, $0xb8;
	[tilespmem:$0x1C400] =	vst v63  }
0x196: {  	_ =	swait.ge [sflag:s8], $0x2000  }
0x197: {  	[sflag:s8] =	ssyncset.done $0x0  }
0x198: {  	s24 =	sadd.s32 $0x2A00, s13;
	[sflag:s8] =	ssyncadd.s32 $0xFFFFE000  }
0x199: {  	[spmem:s3] =	stream.indirect.scatter.add.f32 [tilespmem:s12], [sflag:$0xA], $0x40, s24, s31, $0xb8;
	[tilespmem:$0x1C400] =	vst v63  }
0x19a: {  	s25 =	simm.s32 $0x6  }
0x19b: {  	[spmem:s4] =	stream.indirect.scatter.add.f32 [tilespmem:s11], [sflag:$0xA], $0x10, s24, s31, $0xb8;
	[tilespmem:$0x1C400] =	vst v63  }
0x19c: {  	_ =	swait.ge [sflag:s25], $0x2000  }
0x19d: {  	[sflag:s25] =	ssyncset.done $0x0  }
0x19e: {  	[sflag:s25] =	ssyncadd.s32 $0xFFFFE000  }
0x19f: {  	_ =	swait.ge [sflag:s25], $0x800  }
0x1a0: {  	[sflag:s25] =	ssyncset.done $0x0  }
0x1a1: {  	s26 =	simm.s32 $0x7;
	[sflag:s25] =	ssyncadd.s32 $0xFFFFF800  }
0x1a2: {  	_ =	swait.ge [sflag:s26], $0x2000  }
0x1a3: {  	[sflag:s26] =	ssyncset.done $0x0  }
0x1a4: {  	[sflag:s26] =	ssyncadd.s32 $0xFFFFE000  }
0x1a5: {  	_ =	swait.ge [sflag:s26], $0x800  }
0x1a6: {  	[sflag:s26] =	ssyncset.done $0x0  }
0x1a7: {  	s6 =	simm.s32 $0x8;
	[sflag:s26] =	ssyncadd.s32 $0xFFFFF800  }
0x1a8: {  	_ =	swait.ge [sflag:s6], $0x2000  }
0x1a9: {  	[sflag:s6] =	ssyncset.done $0x0  }
0x1aa: {  	[sflag:s6] =	ssyncadd.s32 $0xFFFFE000  }
0x1ab: {  	_ =	swait.ge [sflag:s6], $0x800  }
0x1ac: {  	[sflag:s6] =	ssyncset.done $0x0  }
0x1ad: {  	s13 =	simm.s32 $0x9;
	[sflag:s6] =	ssyncadd.s32 $0xFFFFF800  }
0x1ae: {  	_ =	swait.ge [sflag:s13], $0x2000  }
0x1af: {  	[sflag:s13] =	ssyncset.done $0x0  }
0x1b0: {  	[sflag:s13] =	ssyncadd.s32 $0xFFFFE000  }
0x1b1: {  	_ =	swait.ge [sflag:s13], $0x800  }
0x1b2: {  	[sflag:s13] =	ssyncset.done $0x0  }
0x1b3: {  	s16 =	simm.s32 $0xA;
	[sflag:s13] =	ssyncadd.s32 $0xFFFFF800  }
0x1b4: {  	_ =	swait.ge [sflag:s16], $0x2000  }
0x1b5: {  	[sflag:s16] =	ssyncset.done $0x0  }
0x1b6: {  	[sflag:s16] =	ssyncadd.s32 $0xFFFFE000  }
0x1b7: {  	_ =	swait.ge [sflag:s16], $0x800  }
0x1b8: {  	[sflag:s16] =	ssyncset.done $0x0  }
0x1b9: {  	s17 =	simm.s32 $0x0;
	s18 =	rddreg [dreg:$0xe];
	[sflag:s16] =	ssyncadd.s32 $0xFFFFF800  }
0x1ba: {  	[tilespmem:s17], [sflag:$0xB] =	stream.linear.gather [hbm4b:s18+s17], $0x2800, $0x38;
	[tilespmem:$0x1C400] =	vst v63  }
0x1bb: {  	_ =	swait.ge [sflag:s15], $0x2800  }
0x1bc: {  	[sflag:s15] =	ssyncset.done $0x0  }
0x1bd: {  	s19 =	rddreg [dreg:$0xf];
	[sflag:s15] =	ssyncadd.s32 $0xFFFFD800  }
0x1be: {  	[tilespmem:s2], [sflag:$0xB] =	stream.linear.gather [hbm4b:s19+s17], $0x2800, $0x38;
	[tilespmem:$0x1C400] =	vst v63  }
0x1bf: {  	_ =	swait.ge [sflag:s15], $0x2800  }
0x1c0: {  	[sflag:s15] =	ssyncset.done $0x0  }
0x1c1: {  	p5 =	por $0x1, $0x1;
	[sflag:s15] =	ssyncadd.s32 $0xFFFFD800  }
0x1c2: {  	[tilespmem:s14], [sflag:$0x1] =	stream.indirect.gather [hbm4b:s1+s31], $0x40, s17, s31, $0xb8;
	[tilespmem:$0x1C400] =	vst v63  }
0x1c3: {  	p0 =	por p5, p5  }
0x1c4: {  	[tilespmem:s0], [sflag:$0x2] =	stream.indirect.gather [hbm4b:s1+s31], $0x40, s31, s31, $0xb8;
	[tilespmem:$0x1C400] =	vst v63  }
0x1c5: {  	s20 =	simm.s32 $0x100;
	s21 =	simm.s32 $0x9000;
	s5 =	simm.s32 @!p0 $0x9  }
0x1c6: {  	[tilespmem:s21], [sflag:$0x3] =	stream.indirect.gather [hbm4b:s1+s31], $0x40, s20, s31, $0xb8;
	[tilespmem:$0x1C400] =	vst v63  }
0x1c7: {  	_ =	swait.ge @!p0 [sflag:s5], $0x2000  }
0x1c8: {  	[sflag:s5] =	ssyncset.done @!p0 $0x0  }
0x1c9: {  	[sflag:s5] =	ssyncadd.s32 @!p0 $0xFFFFE000  }
0x1ca: {  	_ =	swait.ge @!p0 [sflag:s5], $0x800  }
0x1cb: {  	[sflag:s5] =	ssyncset.done @!p0 $0x0  }
0x1cc: {  	s22 =	simm.s32 $0x180;
	[sflag:s5] =	ssyncadd.s32 @!p0 $0xFFFFF800  }
0x1cd: {  	[tilespmem:s9], [sflag:$0x4] =	stream.indirect.gather [hbm4b:s1+s31], $0x40, s22, s31, $0xb8;
	[tilespmem:$0x1C400] =	vst v63  }
0x1ce: {  	_ =	swait.ge [sflag:s10], $0x2000  }
0x1cf: {  	[sflag:s10] =	ssyncset.done $0x0  }
0x1d0: {  	s23 =	simm.s32 $0x2800;
	[sflag:s10] =	ssyncadd.s32 $0xFFFFE000  }
0x1d1: {  	[spmem:s3] =	stream.indirect.scatter.add.f32 [tilespmem:s14], [sflag:$0x6], $0x40, s23, s31, $0xb8;
	[tilespmem:$0x1C400] =	vst v63  }
0x1d2: {  	s6 =	simm.s32 @!p0 $0xA  }
0x1d3: {  	[spmem:s4] =	stream.indirect.scatter.add.f32 [tilespmem:s11], [sflag:$0x6], $0x10, s23, s31, $0xb8;
	[tilespmem:$0x1C400] =	vst v63  }
0x1d4: {  	_ =	swait.ge @!p0 [sflag:s6], $0x2000  }
0x1d5: {  	[sflag:s6] =	ssyncset.done @!p0 $0x0  }
0x1d6: {  	[sflag:s6] =	ssyncadd.s32 @!p0 $0xFFFFE000  }
0x1d7: {  	_ =	swait.ge @!p0 [sflag:s6], $0x800  }
0x1d8: {  	[sflag:s6] =	ssyncset.done @!p0 $0x0  }
0x1d9: {  	s24 =	simm.s32 $0x200;
	[sflag:s6] =	ssyncadd.s32 @!p0 $0xFFFFF800  }
0x1da: {  	[tilespmem:s12], [sflag:$0x5] =	stream.indirect.gather [hbm4b:s1+s31], $0x40, s24, s31, $0xb8;
	[tilespmem:$0x1C400] =	vst v63  }
0x1db: {  	_ =	swait.ge [sflag:s30], $0x2000  }
0x1dc: {  	[sflag:s30] =	ssyncset.done $0x0  }
0x1dd: {  	s25 =	simm.s32 $0x2880;
	p0 =	por $0x0, $0x0;
	[sflag:s30] =	ssyncadd.s32 $0xFFFFE000  }
0x1de: {  	[spmem:s3] =	stream.indirect.scatter.add.f32 [tilespmem:s0], [sflag:$0x7], $0x40, s25, s31, $0xb8;
	[tilespmem:$0x1C400] =	vst v63  }
0x1df: {  	s5 =	simm.s32 @p0 $0x3  }
0x1e0: {  	[spmem:s4] =	stream.indirect.scatter.add.f32 [tilespmem:s11], [sflag:$0x7], $0x10, s25, s31, $0xb8;
	[tilespmem:$0x1C400] =	vst v63  }
0x1e1: {  	_ =	swait.ge @p0 [sflag:s5], $0x2000  }
0x1e2: {  	s6 =	simm.s32 @p0 $0x9000;
	[sflag:s5] =	ssyncset.done @p0 $0x0  }
0x1e3: {  	s13 =	simm.s32 @p0 $0x2900;
	s16 =	simm.s32 @p0 $0x80;
	[sflag:s5] =	ssyncadd.s32 @p0 $0xFFFFE000  }
0x1e4: {  	[spmem:s3] =	stream.indirect.scatter.add.f32 @p0 [tilespmem:s6], [sflag:$0x8], $0x40, s13, s16, $0xb8;
	[tilespmem:$0x1C400] =	vst v63  }
0x1e5: {  	s5 =	simm.s32 @p0 $0xF000;
	s6 =	simm.s32 @!p0 $0x6  }
0x1e6: {  	[spmem:s4] =	stream.indirect.scatter.add.f32 @p0 [tilespmem:s5], [sflag:$0x8], $0x10, s13, s16, $0xb8;
	[tilespmem:$0x1C400] =	vst v63  }
0x1e7: {  	_ =	swait.ge @!p0 [sflag:s6], $0x2000  }
0x1e8: {  	[sflag:s6] =	ssyncset.done @!p0 $0x0  }
0x1e9: {  	[sflag:s6] =	ssyncadd.s32 @!p0 $0xFFFFE000  }
0x1ea: {  	_ =	swait.ge @!p0 [sflag:s6], $0x800  }
0x1eb: {  	s5 =	simm.s32 @!p0 $0x280;
	s13 =	simm.s32 @!p0 $0x80;
	[sflag:s6] =	ssyncset.done @!p0 $0x0  }
0x1ec: {  	s16 =	simm.s32 @!p0 $0x5000;
	[sflag:s6] =	ssyncadd.s32 @!p0 $0xFFFFF800;
	s6 =	simm.s32 @!p0 $0x3  }
0x1ed: {  	[tilespmem:s16], [sflag:$0x1] =	stream.indirect.gather @!p0 [hbm4b:s1+s13], $0x40, s5, s13, $0xb8;
	[tilespmem:$0x1C400] =	vst v63  }
0x1ee: {  	_ =	swait.ge @!p0 [sflag:s6], $0x2000  }
0x1ef: {  	[sflag:s6] =	ssyncset.done @!p0 $0x0  }
0x1f0: {  	s5 =	simm.s32 @!p0 $0x2900;
	s16 =	simm.s32 @!p0 $0x9000;
	[sflag:s6] =	ssyncadd.s32 @!p0 $0xFFFFE000  }
0x1f1: {  	[spmem:s3] =	stream.indirect.scatter.add.f32 @!p0 [tilespmem:s16], [sflag:$0x8], $0x40, s5, s13, $0xb8;
	[tilespmem:$0x1C400] =	vst v63  }
0x1f2: {  	s6 =	simm.s32 @!p0 $0xF000  }
0x1f3: {  	[spmem:s4] =	stream.indirect.scatter.add.f32 @!p0 [tilespmem:s6], [sflag:$0x8], $0x10, s5, s13, $0xb8;
	[tilespmem:$0x1C400] =	vst v63  }
0x1f4: {  	s5 =	simm.s32 @!p0 $0x7  }
0x1f5: {  	_ =	swait.ge @!p0 [sflag:s5], $0x2000  }
0x1f6: {  	[sflag:s5] =	ssyncset.done @!p0 $0x0  }
0x1f7: {  	[sflag:s5] =	ssyncadd.s32 @!p0 $0xFFFFE000  }
0x1f8: {  	_ =	swait.ge @!p0 [sflag:s5], $0x800  }
0x1f9: {  	[sflag:s5] =	ssyncset.done @!p0 $0x0  }
0x1fa: {  	s6 =	simm.s32 @!p0 $0x300;
	[sflag:s5] =	ssyncadd.s32 @!p0 $0xFFFFF800;
	s5 =	simm.s32 @!p0 $0x7000  }
0x1fb: {  	[tilespmem:s5], [sflag:$0x2] =	stream.indirect.gather @!p0 [hbm4b:s1+s13], $0x40, s6, s13, $0xb8;
	[tilespmem:$0x1C400] =	vst v63  }
0x1fc: {  	_ =	swait.ge [sflag:s7], $0x2000  }
0x1fd: {  	[sflag:s7] =	ssyncset.done $0x0  }
0x1fe: {  	s26 =	simm.s32 $0x2980;
	[sflag:s7] =	ssyncadd.s32 $0xFFFFE000  }
0x1ff: {  	[spmem:s3] =	stream.indirect.scatter.add.f32 [tilespmem:s9], [sflag:$0x9], $0x40, s26, s31, $0xb8;
	[tilespmem:$0x1C400] =	vst v63  }
0x200: {  	s5 =	simm.s32 @!p0 $0x8  }
0x201: {  	[spmem:s4] =	stream.indirect.scatter.add.f32 [tilespmem:s11], [sflag:$0x9], $0x10, s26, s31, $0xb8;
	[tilespmem:$0x1C400] =	vst v63  }
0x202: {  	_ =	swait.ge @!p0 [sflag:s5], $0x2000  }
0x203: {  	[sflag:s5] =	ssyncset.done @!p0 $0x0  }
0x204: {  	[sflag:s5] =	ssyncadd.s32 @!p0 $0xFFFFE000  }
0x205: {  	_ =	swait.ge @!p0 [sflag:s5], $0x800  }
0x206: {  	p6 =	por $0x0, $0x0;
	s28 =	simm.s32 $0xFB80;
	[sflag:s5] =	ssyncset.done @!p0 $0x0  }
0x207: {  	s29 =	simm.s32 $0xFBC0;
	[sflag:s5] =	ssyncadd.s32 @!p0 $0xFFFFF800;
	s5 =	simm.s32 @!p0 $0x380  }
0x208: {  	[tilespmem:s16], [sflag:$0x3] =	stream.indirect.gather @!p0 [hbm4b:s1+s13], $0x40, s5, s13, $0xb8;
	[tilespmem:$0x1C400] =	vst v63  }
0x209: {  	s23 =	simm.s32 $0xFB00;
	s25 =	simm.s32 $0x1400;
	_ =	swait.ge [sflag:s8], $0x2000  }
0x20a: {  	s6 =	simm.s32 $0xA00;
	s26 =	simm.s32 $0xFB40;
	[sflag:s8] =	ssyncset.done $0x0  }
0x20b: {  	s5 =	simm.s32 $0x2A00;
	p0 =	por p6, p6;
	[sflag:s8] =	ssyncadd.s32 $0xFFFFE000  }
0x20c: {  	[spmem:s3] =	stream.indirect.scatter.add.f32 [tilespmem:s12], [sflag:$0xA], $0x40, s5, s31, $0xb8;
	[tilespmem:$0x1C400] =	vst v63  }
.LBB2_8:
0x20d: {  	p2 =	seq.s32 s25, $0x0  }
0x20e: {  	s16 =	simm.s32 @!p0 $0x9;
	s24 =	smov.u32 s25;
	s25 =	sadd.s32 $0xA00, s25  }
0x20f: {  	[spmem:s4] =	stream.indirect.scatter.add.f32 [tilespmem:s11], [sflag:$0xA], $0x10, s5, s31, $0xb8;
	[tilespmem:$0x1C400] =	vst v63  }
0x210: {  	p1 =	sne.s32 s25, $0xA000;
	_ =	swait.ge @!p0 [sflag:s16], $0x2000  }
0x211: {  	[sflag:s16] =	ssyncset.done @!p0 $0x0  }
0x212: {  	[sflag:s16] =	ssyncadd.s32 @!p0 $0xFFFFE000  }
0x213: {  	_ =	swait.ge @!p0 [sflag:s16], $0x800  }
0x214: {  	s13 =	sshra.s32 s6, $0x2;
	[sflag:s16] =	ssyncset.done @!p0 $0x0  }
0x215: {  	s5 =	sadd.s32 $0x180, s13;
	[sflag:s16] =	ssyncadd.s32 @!p0 $0xFFFFF800  }
0x216: {  	[tilespmem:s9], [sflag:$0x4] =	stream.indirect.gather [hbm4b:s1+s31], $0x40, s5, s31, $0xb8;
	[tilespmem:$0x1C400] =	vst v63  }
0x217: {  	_ =	swait.ge [sflag:s10], $0x2000  }
0x218: {  	[sflag:s10] =	ssyncset.done $0x0  }
0x219: {  	s5 =	sadd.s32 $0x2800, s13;
	[sflag:s10] =	ssyncadd.s32 $0xFFFFE000  }
0x21a: {  	[spmem:s3] =	stream.indirect.scatter.add.f32 [tilespmem:s14], [sflag:$0x6], $0x40, s5, s31, $0xb8;
	[tilespmem:$0x1C400] =	vst v63  }
0x21b: {  	s16 =	simm.s32 @!p0 $0xA  }
0x21c: {  	[spmem:s4] =	stream.indirect.scatter.add.f32 [tilespmem:s11], [sflag:$0x6], $0x10, s5, s31, $0xb8;
	[tilespmem:$0x1C400] =	vst v63  }
0x21d: {  	_ =	swait.ge @!p0 [sflag:s16], $0x2000  }
0x21e: {  	[sflag:s16] =	ssyncset.done @!p0 $0x0  }
0x21f: {  	[sflag:s16] =	ssyncadd.s32 @!p0 $0xFFFFE000  }
0x220: {  	_ =	swait.ge @!p0 [sflag:s16], $0x800  }
0x221: {  	[sflag:s16] =	ssyncset.done @!p0 $0x0  }
0x222: {  	s5 =	sadd.s32 $0x200, s13;
	[sflag:s16] =	ssyncadd.s32 @!p0 $0xFFFFF800;
	p0 =	por p2, p2  }
0x223: {  	[tilespmem:s12], [sflag:$0x5] =	stream.indirect.gather [hbm4b:s1+s31], $0x40, s5, s31, $0xb8;
	[tilespmem:$0x1C400] =	vst v63  }
0x224: {  	_ =	swait.ge [sflag:s30], $0x2000  }
0x225: {  	[sflag:s30] =	ssyncset.done $0x0  }
0x226: {  	s5 =	sadd.s32 $0x2880, s13;
	[sflag:s30] =	ssyncadd.s32 $0xFFFFE000  }
0x227: {  	[spmem:s3] =	stream.indirect.scatter.add.f32 [tilespmem:s0], [sflag:$0x7], $0x40, s5, s31, $0xb8;
	[tilespmem:$0x1C400] =	vst v63  }
0x228: {  	p2 =	seq.s32 s6, $0x9600  }
0x229: {  	[spmem:s4] =	stream.indirect.scatter.add.f32 [tilespmem:s11], [sflag:$0x7], $0x10, s5, s31, $0xb8;
	[tilespmem:$0x1C400] =	vst v63  }
0x22a: {  	s16 =	sshra.s32 @p2 s6, $0x2;
	s17 =	sshra.s32 @!p2 s6, $0x2;
	s5 =	simm.s32 @p2 $0x3  }
0x22b: {  	s6 =	simm.s32 @p2 $0x9000;
	s18 =	sadd.s32 @!p2 $0x280, s17;
	_ =	swait.ge @p2 [sflag:s5], $0x2000  }
0x22c: {  	s19 =	simm.s32 @p2 $0x80;
	s16 =	sadd.s32 @p2 $0x2900, s16;
	[sflag:s5] =	ssyncset.done @p2 $0x0  }
0x22d: {  	s20 =	simm.s32 @p2 $0xF000;
	s21 =	sadd.s32 @!p2 $0x300, s17;
	[sflag:s5] =	ssyncadd.s32 @p2 $0xFFFFE000  }
0x22e: {  	[spmem:s3] =	stream.indirect.scatter.add.f32 @p2 [tilespmem:s6], [sflag:$0x8], $0x40, s16, s19, $0xb8;
	[tilespmem:$0x1C400] =	vst v63  }
0x22f: {  	s22 =	simm.s32 @!p2 $0x6;
	s5 =	sadd.s32 @!p2 $0x380, s17;
	s6 =	smov.u32 s24  }
0x230: {  	[spmem:s4] =	stream.indirect.scatter.add.f32 @p2 [tilespmem:s20], [sflag:$0x8], $0x10, s16, s19, $0xb8;
	[tilespmem:$0x1C400] =	vst v63  }
0x231: {  	_ =	swait.ge @!p2 [sflag:s22], $0x2000  }
0x232: {  	[sflag:s22] =	ssyncset.done @!p2 $0x0  }
0x233: {  	[sflag:s22] =	ssyncadd.s32 @!p2 $0xFFFFE000  }
0x234: {  	_ =	swait.ge @!p2 [sflag:s22], $0x800  }
0x235: {  	s24 =	simm.s32 @!p2 $0x80;
	s16 =	simm.s32 @!p2 $0x5000;
	[sflag:s22] =	ssyncset.done @!p2 $0x0  }
0x236: {  	s19 =	simm.s32 @!p2 $0x3;
	[sflag:s22] =	ssyncadd.s32 @!p2 $0xFFFFF800  }
0x237: {  	[tilespmem:s16], [sflag:$0x1] =	stream.indirect.gather @!p2 [hbm4b:s1+s24], $0x40, s18, s24, $0xb8;
	[tilespmem:$0x1C400] =	vst v63  }
0x238: {  	_ =	swait.ge @!p2 [sflag:s19], $0x2000  }
0x239: {  	s16 =	sadd.s32 @!p2 $0x2900, s17;
	s17 =	simm.s32 @!p2 $0x9000;
	[sflag:s19] =	ssyncset.done @!p2 $0x0  }
0x23a: {  	s18 =	simm.s32 @!p2 $0xF000;
	[sflag:s19] =	ssyncadd.s32 @!p2 $0xFFFFE000  }
0x23b: {  	[spmem:s3] =	stream.indirect.scatter.add.f32 @!p2 [tilespmem:s17], [sflag:$0x8], $0x40, s16, s24, $0xb8;
	[tilespmem:$0x1C400] =	vst v63  }
0x23c: {  	s19 =	simm.s32 @!p2 $0x7  }
0x23d: {  	[spmem:s4] =	stream.indirect.scatter.add.f32 @!p2 [tilespmem:s18], [sflag:$0x8], $0x10, s16, s24, $0xb8;
	[tilespmem:$0x1C400] =	vst v63  }
0x23e: {  	_ =	swait.ge @!p2 [sflag:s19], $0x2000  }
0x23f: {  	[sflag:s19] =	ssyncset.done @!p2 $0x0  }
0x240: {  	[sflag:s19] =	ssyncadd.s32 @!p2 $0xFFFFE000  }
0x241: {  	_ =	swait.ge @!p2 [sflag:s19], $0x800  }
0x242: {  	s16 =	simm.s32 @!p2 $0x7000;
	[sflag:s19] =	ssyncset.done @!p2 $0x0  }
0x243: {  	[sflag:s19] =	ssyncadd.s32 @!p2 $0xFFFFF800  }
0x244: {  	[tilespmem:s16], [sflag:$0x2] =	stream.indirect.gather @!p2 [hbm4b:s1+s24], $0x40, s21, s24, $0xb8;
	[tilespmem:$0x1C400] =	vst v63  }
0x245: {  	_ =	swait.ge [sflag:s7], $0x2000  }
0x246: {  	s16 =	sadd.s32 $0x2980, s13;
	[sflag:s7] =	ssyncset.done $0x0  }
0x247: {  	[sflag:s7] =	ssyncadd.s32 $0xFFFFE000  }
0x248: {  	[spmem:s3] =	stream.indirect.scatter.add.f32 [tilespmem:s9], [sflag:$0x9], $0x40, s16, s31, $0xb8;
	[tilespmem:$0x1C400] =	vst v63  }
0x249: {  	s18 =	simm.s32 @!p2 $0x8  }
0x24a: {  	[spmem:s4] =	stream.indirect.scatter.add.f32 [tilespmem:s11], [sflag:$0x9], $0x10, s16, s31, $0xb8;
	[tilespmem:$0x1C400] =	vst v63  }
0x24b: {  	_ =	swait.ge @!p2 [sflag:s18], $0x2000  }
0x24c: {  	[sflag:s18] =	ssyncset.done @!p2 $0x0  }
0x24d: {  	[sflag:s18] =	ssyncadd.s32 @!p2 $0xFFFFE000  }
0x24e: {  	_ =	swait.ge @!p2 [sflag:s18], $0x800  }
0x24f: {  	[sflag:s18] =	ssyncset.done @!p2 $0x0  }
0x250: {  	[sflag:s18] =	ssyncadd.s32 @!p2 $0xFFFFF800  }
0x251: {  	[tilespmem:s17], [sflag:$0x3] =	stream.indirect.gather @!p2 [hbm4b:s1+s24], $0x40, s5, s24, $0xb8;
	[tilespmem:$0x1C400] =	vst v63  }
.Ltmp3:
0x252: {  	_ = 	snop;
	(pc) =	sbr.rel @p1 .LBB2_8-.Ltmp3, $4  }
0x253: {  	_ =	swait.ge [sflag:s8], $0x2000  }
0x254: {  	s5 =	sadd.s32 $0x2A00, s13;
	[sflag:s8] =	ssyncset.done $0x0  }
0x255: {  	[sflag:s8] =	ssyncadd.s32 $0xFFFFE000  }
0x256: {  	[spmem:s3] =	stream.indirect.scatter.add.f32 [tilespmem:s12], [sflag:$0xA], $0x40, s5, s31, $0xb8;
	[tilespmem:$0x1C400] =	vst v63  }
0x257: {  	s16 =	simm.s32 @!p0 $0x9  }
0x258: {  	[spmem:s4] =	stream.indirect.scatter.add.f32 [tilespmem:s11], [sflag:$0xA], $0x10, s5, s31, $0xb8;
	[tilespmem:$0x1C400] =	vst v63  }
0x259: {  	_ =	swait.ge @!p0 [sflag:s16], $0x2000  }
0x25a: {  	[sflag:s16] =	ssyncset.done @!p0 $0x0  }
0x25b: {  	[sflag:s16] =	ssyncadd.s32 @!p0 $0xFFFFE000  }
0x25c: {  	_ =	swait.ge @!p0 [sflag:s16], $0x800  }
0x25d: {  	s13 =	sshra.s32 s6, $0x2;
	[sflag:s16] =	ssyncset.done @!p0 $0x0  }
0x25e: {  	s21 =	sadd.s32 $0x180, s13;
	[sflag:s16] =	ssyncadd.s32 @!p0 $0xFFFFF800  }
0x25f: {  	[tilespmem:s9], [sflag:$0x4] =	stream.indirect.gather [hbm4b:s1+s31], $0x40, s21, s31, $0xb8;
	[tilespmem:$0x1C400] =	vst v63  }
0x260: {  	_ =	swait.ge [sflag:s10], $0x2000  }
0x261: {  	[sflag:s10] =	ssyncset.done $0x0  }
0x262: {  	s22 =	sadd.s32 $0x2800, s13;
	[sflag:s10] =	ssyncadd.s32 $0xFFFFE000  }
0x263: {  	[spmem:s3] =	stream.indirect.scatter.add.f32 [tilespmem:s14], [sflag:$0x6], $0x40, s22, s31, $0xb8;
	[tilespmem:$0x1C400] =	vst v63  }
0x264: {  	s16 =	simm.s32 @!p0 $0xA  }
0x265: {  	[spmem:s4] =	stream.indirect.scatter.add.f32 [tilespmem:s11], [sflag:$0x6], $0x10, s22, s31, $0xb8;
	[tilespmem:$0x1C400] =	vst v63  }
0x266: {  	_ =	swait.ge @!p0 [sflag:s16], $0x2000  }
0x267: {  	[sflag:s16] =	ssyncset.done @!p0 $0x0  }
0x268: {  	[sflag:s16] =	ssyncadd.s32 @!p0 $0xFFFFE000  }
0x269: {  	_ =	swait.ge @!p0 [sflag:s16], $0x800  }
0x26a: {  	[sflag:s16] =	ssyncset.done @!p0 $0x0  }
0x26b: {  	s24 =	sadd.s32 $0x200, s13;
	[sflag:s16] =	ssyncadd.s32 @!p0 $0xFFFFF800  }
0x26c: {  	[tilespmem:s12], [sflag:$0x5] =	stream.indirect.gather [hbm4b:s1+s31], $0x40, s24, s31, $0xb8;
	[tilespmem:$0x1C400] =	vst v63  }
0x26d: {  	_ =	swait.ge [sflag:s30], $0x2000  }
0x26e: {  	[sflag:s30] =	ssyncset.done $0x0  }
0x26f: {  	s25 =	sadd.s32 $0x2880, s13;
	p0 =	seq.s32 s6, $0x9600;
	[sflag:s30] =	ssyncadd.s32 $0xFFFFE000  }
0x270: {  	[spmem:s3] =	stream.indirect.scatter.add.f32 [tilespmem:s0], [sflag:$0x7], $0x40, s25, s31, $0xb8;
	[tilespmem:$0x1C400] =	vst v63  }
0x271: {  	s5 =	simm.s32 @p0 $0x3  }
0x272: {  	[spmem:s4] =	stream.indirect.scatter.add.f32 [tilespmem:s11], [sflag:$0x7], $0x10, s25, s31, $0xb8;
	[tilespmem:$0x1C400] =	vst v63  }
0x273: {  	_ =	swait.ge @p0 [sflag:s5], $0x2000  }
0x274: {  	s16 =	sshra.s32 @p0 s6, $0x2;
	s17 =	simm.s32 @p0 $0x9000;
	[sflag:s5] =	ssyncset.done @p0 $0x0  }
0x275: {  	s18 =	simm.s32 @p0 $0x80;
	s16 =	sadd.s32 @p0 $0x2900, s16;
	[sflag:s5] =	ssyncadd.s32 @p0 $0xFFFFE000  }
0x276: {  	[spmem:s3] =	stream.indirect.scatter.add.f32 @p0 [tilespmem:s17], [sflag:$0x8], $0x40, s16, s18, $0xb8;
	[tilespmem:$0x1C400] =	vst v63  }
0x277: {  	s5 =	simm.s32 @p0 $0xF000;
	s17 =	simm.s32 @!p0 $0x6  }
0x278: {  	[spmem:s4] =	stream.indirect.scatter.add.f32 @p0 [tilespmem:s5], [sflag:$0x8], $0x10, s16, s18, $0xb8;
	[tilespmem:$0x1C400] =	vst v63  }
0x279: {  	_ =	swait.ge @!p0 [sflag:s17], $0x2000  }
0x27a: {  	[sflag:s17] =	ssyncset.done @!p0 $0x0  }
0x27b: {  	[sflag:s17] =	ssyncadd.s32 @!p0 $0xFFFFE000  }
0x27c: {  	s5 =	sshra.s32 @!p0 s6, $0x2;
	_ =	swait.ge @!p0 [sflag:s17], $0x800  }
0x27d: {  	s16 =	simm.s32 @!p0 $0x80;
	s18 =	simm.s32 @!p0 $0x5000;
	[sflag:s17] =	ssyncset.done @!p0 $0x0  }
0x27e: {  	s6 =	sadd.s32 @!p0 $0x280, s5;
	[sflag:s17] =	ssyncadd.s32 @!p0 $0xFFFFF800;
	s17 =	simm.s32 @!p0 $0x3  }
0x27f: {  	[tilespmem:s18], [sflag:$0x1] =	stream.indirect.gather @!p0 [hbm4b:s1+s16], $0x40, s6, s16, $0xb8;
	[tilespmem:$0x1C400] =	vst v63  }
0x280: {  	_ =	swait.ge @!p0 [sflag:s17], $0x2000  }
0x281: {  	[sflag:s17] =	ssyncset.done @!p0 $0x0  }
0x282: {  	s6 =	sadd.s32 @!p0 $0x2900, s5;
	s18 =	simm.s32 @!p0 $0x9000;
	[sflag:s17] =	ssyncadd.s32 @!p0 $0xFFFFE000  }
0x283: {  	[spmem:s3] =	stream.indirect.scatter.add.f32 @!p0 [tilespmem:s18], [sflag:$0x8], $0x40, s6, s16, $0xb8;
	[tilespmem:$0x1C400] =	vst v63  }
0x284: {  	s17 =	simm.s32 @!p0 $0xF000  }
0x285: {  	[spmem:s4] =	stream.indirect.scatter.add.f32 @!p0 [tilespmem:s17], [sflag:$0x8], $0x10, s6, s16, $0xb8;
	[tilespmem:$0x1C400] =	vst v63  }
0x286: {  	s6 =	simm.s32 @!p0 $0x7  }
0x287: {  	_ =	swait.ge @!p0 [sflag:s6], $0x2000  }
0x288: {  	[sflag:s6] =	ssyncset.done @!p0 $0x0  }
0x289: {  	[sflag:s6] =	ssyncadd.s32 @!p0 $0xFFFFE000  }
0x28a: {  	_ =	swait.ge @!p0 [sflag:s6], $0x800  }
0x28b: {  	[sflag:s6] =	ssyncset.done @!p0 $0x0  }
0x28c: {  	s17 =	sadd.s32 @!p0 $0x300, s5;
	[sflag:s6] =	ssyncadd.s32 @!p0 $0xFFFFF800;
	s6 =	simm.s32 @!p0 $0x7000  }
0x28d: {  	[tilespmem:s6], [sflag:$0x2] =	stream.indirect.gather @!p0 [hbm4b:s1+s16], $0x40, s17, s16, $0xb8;
	[tilespmem:$0x1C400] =	vst v63  }
0x28e: {  	_ =	swait.ge [sflag:s7], $0x2000  }
0x28f: {  	[sflag:s7] =	ssyncset.done $0x0  }
0x290: {  	s2 =	sadd.s32 $0x2980, s13;
	[sflag:s7] =	ssyncadd.s32 $0xFFFFE000  }
0x291: {  	[spmem:s3] =	stream.indirect.scatter.add.f32 [tilespmem:s9], [sflag:$0x9], $0x40, s2, s31, $0xb8;
	[tilespmem:$0x1C400] =	vst v63  }
0x292: {  	s6 =	simm.s32 @!p0 $0x8  }
0x293: {  	[spmem:s4] =	stream.indirect.scatter.add.f32 [tilespmem:s11], [sflag:$0x9], $0x10, s2, s31, $0xb8;
	[tilespmem:$0x1C400] =	vst v63  }
0x294: {  	_ =	swait.ge @!p0 [sflag:s6], $0x2000  }
0x295: {  	[sflag:s6] =	ssyncset.done @!p0 $0x0  }
0x296: {  	[sflag:s6] =	ssyncadd.s32 @!p0 $0xFFFFE000  }
0x297: {  	_ =	swait.ge @!p0 [sflag:s6], $0x800  }
0x298: {  	[sflag:s6] =	ssyncset.done @!p0 $0x0  }
0x299: {  	s5 =	sadd.s32 @!p0 $0x380, s5;
	[sflag:s6] =	ssyncadd.s32 @!p0 $0xFFFFF800  }
0x29a: {  	[tilespmem:s18], [sflag:$0x3] =	stream.indirect.gather @!p0 [hbm4b:s1+s16], $0x40, s5, s16, $0xb8;
	[tilespmem:$0x1C400] =	vst v63  }
0x29b: {  	_ =	swait.ge [sflag:s8], $0x2000  }
0x29c: {  	[sflag:s8] =	ssyncset.done $0x0  }
0x29d: {  	s6 =	sadd.s32 $0x2A00, s13;
	[sflag:s8] =	ssyncadd.s32 $0xFFFFE000  }
0x29e: {  	[spmem:s3] =	stream.indirect.scatter.add.f32 [tilespmem:s12], [sflag:$0xA], $0x40, s6, s31, $0xb8;
	[tilespmem:$0x1C400] =	vst v63  }
0x29f: {  	s2 =	simm.s32 $0x6  }
0x2a0: {  	[spmem:s4] =	stream.indirect.scatter.add.f32 [tilespmem:s11], [sflag:$0xA], $0x10, s6, s31, $0xb8;
	[tilespmem:$0x1C400] =	vst v63  }
0x2a1: {  	_ =	swait.ge [sflag:s2], $0x2000  }
0x2a2: {  	[sflag:s2] =	ssyncset.done $0x0  }
0x2a3: {  	[sflag:s2] =	ssyncadd.s32 $0xFFFFE000  }
0x2a4: {  	_ =	swait.ge [sflag:s2], $0x800  }
0x2a5: {  	[sflag:s2] =	ssyncset.done $0x0  }
0x2a6: {  	s13 =	simm.s32 $0x7;
	[sflag:s2] =	ssyncadd.s32 $0xFFFFF800  }
0x2a7: {  	_ =	swait.ge [sflag:s13], $0x2000  }
0x2a8: {  	[sflag:s13] =	ssyncset.done $0x0  }
0x2a9: {  	[sflag:s13] =	ssyncadd.s32 $0xFFFFE000  }
0x2aa: {  	_ =	swait.ge [sflag:s13], $0x800  }
0x2ab: {  	[sflag:s13] =	ssyncset.done $0x0  }
0x2ac: {  	s14 =	simm.s32 $0x8;
	[sflag:s13] =	ssyncadd.s32 $0xFFFFF800  }
0x2ad: {  	_ =	swait.ge [sflag:s14], $0x2000  }
0x2ae: {  	[sflag:s14] =	ssyncset.done $0x0  }
0x2af: {  	[sflag:s14] =	ssyncadd.s32 $0xFFFFE000  }
0x2b0: {  	_ =	swait.ge [sflag:s14], $0x800  }
0x2b1: {  	[sflag:s14] =	ssyncset.done $0x0  }
0x2b2: {  	s16 =	simm.s32 $0x9;
	[sflag:s14] =	ssyncadd.s32 $0xFFFFF800  }
0x2b3: {  	_ =	swait.ge [sflag:s16], $0x2000  }
0x2b4: {  	[sflag:s16] =	ssyncset.done $0x0  }
0x2b5: {  	[sflag:s16] =	ssyncadd.s32 $0xFFFFE000  }
0x2b6: {  	_ =	swait.ge [sflag:s16], $0x800  }
0x2b7: {  	[sflag:s16] =	ssyncset.done $0x0  }
0x2b8: {  	s17 =	simm.s32 $0xA;
	[sflag:s16] =	ssyncadd.s32 $0xFFFFF800  }
0x2b9: {  	_ =	swait.ge [sflag:s17], $0x2000  }
0x2ba: {  	[sflag:s17] =	ssyncset.done $0x0  }
0x2bb: {  	[sflag:s17] =	ssyncadd.s32 $0xFFFFE000  }
0x2bc: {  	_ =	swait.ge [sflag:s17], $0x800  }
0x2bd: {  	[sflag:s17] =	ssyncset.done $0x0  }
0x2be: {  	[sflag:s17] =	ssyncadd.s32 $0xFFFFF800  }
0x2bf: {  	s18 =	stileid.u32;
	[bflag:$0x0] =	sbarrier.arrive $0xFFFF  }
0x2c0: {  	s5 =	sshll.u32 s18, $0x6;
	s19 =	rddreg [dreg:$0x10]  }
0x2c1: {  	s5 =	sor.u32 $0x1C0B, s5;
	s20 =	rddreg [dreg:$0x14]  }
0x2c2: {  	[hbm:s19], [sflag:s5] =	dma.local [spmem:s20], $0x1400  }
0x2c3: {  	_ =	swait.ge [sflag:s15], $0x1400  }
0x2c4: {  	[sflag:s15] =	ssyncset.done $0x0;
	s21 =	rddreg [dreg:$0x11]  }
0x2c5: {  	s22 =	rddreg [dreg:$0x15];
	[sflag:s15] =	ssyncadd.s32 $0xFFFFEC00  }
0x2c6: {  	[hbm:s21], [sflag:s5] =	dma.local [spmem:s22], $0x500  }
0x2c7: {  	_ =	swait.ge [sflag:s15], $0x500  }
0x2c8: {  	s24 =	rddreg [dreg:$0xb]  }
0x2c9: {  	s25 =	rddreg [dreg:$0x12];
	s16 =	sadd.s32 $0x1, s24  }
0x2ca: {  	p0 =	sne.s32 s16, s25  }
.Ltmp4:
0x2cb: {  	_ = 	snop;
	(pc) =	sbr.rel @p0 .LBB2_1-.Ltmp4, $4  }
0x2cc: {  	s18 =	simm.s32 $0xF980  }
0x2cd: {  	s13 =	simm.s32 $0xF800;
	s17 =	simm.s32 $0xF940;
	s19 =	simm.s32 $0xF9C0  }
0x2ce: {  	s20 =	simm.s32 $0xFA00;
	s21 =	simm.s32 $0xFA40;
	[sflag:s15] =	ssyncset.done $0x0  }
0x2cf: {  	s22 =	simm.s32 $0xFA80;
	[sflag:s15] =	ssyncadd.s32 $0xFFFFFB00;
	s25 =	simm.s32 $0xFAC0  }
0x2d0: {  	_ =	sfence.sel $0x180000  }
0x2d1: {  	[bflag:$0x0] =	sbarrier.arrive $0xFFFF  }
0x2d2: {  	_ =	strace $0x90000047  }
0x2d3: {  	s0 =	stileid.u32;
	[bflag:$0x2] =	sbarrier.arrive $0xFFFF  }
0x2d4: {  	p0 =	sne.s32 s0, $0x0;
	s0 =	rddreg [dreg:$0x5]  }
0x2d5: {  	s0 =	sadd.s32 @!p0 $0x100000, s0  }
0x2d6: {  	[sflag:s0] =	ssyncadd.tile.s32 @!p0 $0x1;
	_ =	shalt  }
.Lfunc_end2:
_tile_overlayer_lowered:
.L_overlay_start_2:
0x2d7: {  	(tag) =	ssettag $0x2  }
0x2d8: {  	s0 =	rddreg [dreg:$0x0];
	s2 =	stileid.u32  }
0x2d9: {  	s1 =	rddreg [dreg:$0x1];
	p0 =	sne.s32 s2, $0x0  }
0x2da: {  	s3 =	rddreg [dreg:$0x2];
	[bflag:$0x3] =	sbarrier.arrive $0xFFFF;
	s2 =	simm.s32 @!p0 $0x1C0B  }
0x2db: {  	[timem:s3], [sflag:s2] =	dma.local @!p0 [hbm:s0], s1  }
0x2dc: {  	s0 =	simm.s32 @!p0 $0xB  }
0x2dd: {  	_ =	swait.ge @!p0 [sflag:s0], s1  }
0x2de: {  	s1 =	ssub.s32 @!p0 $0x0, s1;
	[sflag:s0] =	ssyncset.done @!p0 $0x0  }
0x2df: {  	[sflag:s0] =	ssyncadd.s32 @!p0 s1  }
0x2e0: {  	[bflag:$0x3] =	sbarrier.arrive $0xFFFF  }
0x2e1: {  	_ =	shalt  }

</sc_bundles>
